<compile_context>
chip_gen: v7x
topology: tpu7x:2x2x1
jax: 0.10.2.dev20260603
libtpu: 0.0.44.dev20260713+nightly
codegen_flags: <defaults>
</compile_context>

<pallas_src>
import functools

import jax
import jax.numpy as jnp
from jax import lax
from jax.experimental import pallas as pl
from jax.experimental.pallas import tpu as pltpu
from jax.experimental.pallas import tpu_sc as plsc

_D = 128
_BATCH = 16384

_L = 16
_NW = 32
_B_PER_W = _BATCH // _NW
_CHUNK = 64
_NCHUNK = _B_PER_W // _CHUNK
_NSET = 6
_AHEAD = 4


def _sc_transe(h_hbm, r_hbm, t_hbm, ent_hbm, rel_hbm, out_hbm,
               hi_v, ri_v, ti_v, hr_v, te_v, rel_sh, hsem, rsem, tsem, wsem,
               isem):
    sid = lax.axis_index("s")
    wid = lax.axis_index("c") * (_NW // 2) + sid
    base = wid * _B_PER_W
    bs = pl.ds(base, _B_PER_W)
    idx_cp = (pltpu.async_copy(h_hbm.at[bs], hi_v, isem.at[0]),
              pltpu.async_copy(t_hbm.at[bs], ti_v, isem.at[1]),
              pltpu.async_copy(r_hbm.at[bs], ri_v, isem.at[2]))

    @pl.when(sid == 0)
    def _():
        pltpu.sync_copy(rel_hbm, rel_sh)

    idx_cp[0].wait()
    idx_cp[1].wait()

    def issue_h_t(c):
        s = c % _NSET
        ds = pl.ds(c * _CHUNK, _CHUNK)
        return (pltpu.async_copy(ent_hbm.at[hi_v.at[ds]], hr_v.at[s], hsem.at[s]),
                pltpu.async_copy(ent_hbm.at[ti_v.at[ds]], te_v.at[s], tsem.at[s]))

    def issue_r_add(c):
        s = c % _NSET
        ds = pl.ds(c * _CHUNK, _CHUNK)
        return pltpu.async_copy(rel_sh.at[ri_v.at[ds]], hr_v.at[s], rsem.at[s],
                                add=True)

    ht = {k: issue_h_t(k) for k in range(min(_AHEAD, _NCHUNK))}
    idx_cp[2].wait()
    plsc.subcore_barrier()
    ht[0][0].wait()
    ra = {0: issue_r_add(0)}
    wb = {}
    for c in range(_NCHUNK):
        s = c % _NSET
        cn = c + _AHEAD
        if cn < _NCHUNK:
            if cn - _NSET in wb:
                wb.pop(cn - _NSET).wait()
            ht[cn] = issue_h_t(cn)
        if c + 1 < _NCHUNK:
            ht[c + 1][0].wait()
            ra[c + 1] = issue_r_add(c + 1)
        ra.pop(c).wait()
        ht.pop(c)[1].wait()

        def body(i, carry):
            for j in range(_D // _L):
                sl = pl.ds(j * _L, _L)
                te_v[s, i, sl] = hr_v[s, i, sl] - te_v[s, i, sl]
            return carry

        lax.fori_loop(0, _CHUNK, body, 0)
        wb[c] = pltpu.async_copy(
            te_v.at[s], out_hbm.at[pl.ds(base + c * _CHUNK, _CHUNK)], wsem.at[s])
    for c in sorted(wb):
        wb[c].wait()


def kernel(h, r, t, entity_emb, relation_emb):
    h = h.astype(jnp.int32)
    r = r.astype(jnp.int32)
    t = t.astype(jnp.int32)
    mesh = plsc.VectorSubcoreMesh(core_axis_name="c", subcore_axis_name="s")
    run = functools.partial(
        pl.kernel,
        mesh=mesh,
        out_type=jax.ShapeDtypeStruct((_BATCH, _D), jnp.float32),
        scratch_types=[
            pltpu.VMEM((_B_PER_W,), jnp.int32),
            pltpu.VMEM((_B_PER_W,), jnp.int32),
            pltpu.VMEM((_B_PER_W,), jnp.int32),
            pltpu.VMEM((_NSET, _CHUNK, _D), jnp.float32),
            pltpu.VMEM((_NSET, _CHUNK, _D), jnp.float32),
            pltpu.VMEM_SHARED((1000, _D), jnp.float32),
            pltpu.SemaphoreType.DMA((_NSET,)),
            pltpu.SemaphoreType.DMA((_NSET,)),
            pltpu.SemaphoreType.DMA((_NSET,)),
            pltpu.SemaphoreType.DMA((_NSET,)),
            pltpu.SemaphoreType.DMA((3,)),
        ],
    )(_sc_transe)
    return run(h, r, t, entity_emb, relation_emb)

# --- scband reference (transcript-rebuilt; emitter-appended) ---
"""Pipeline reference for scband-trans-euncertainty-46102178955844 (READ-ONLY COPY).

The authoritative reference and input builder live on the scoring server;
editing this copy changes nothing except your own understanding.
"""

import jax, jax.numpy as jnp
import numpy as np

NUM_ENTITIES = 100000
NUM_RELATIONS = 1000
EMBED_DIM = 128
BATCH = 16384

def setup_inputs(seed: int = 0) -> dict:
    key = jax.random.key(seed)
    k1, k2, k3, k4, k5 = jax.random.split(key, 5)
    h = jax.random.randint(k1, (BATCH,), 0, NUM_ENTITIES, dtype=jnp.int64 if jax.config.jax_enable_x64 else jnp.int32)
    r = jax.random.randint(k2, (BATCH,), 0, NUM_RELATIONS, dtype=jnp.int64 if jax.config.jax_enable_x64 else jnp.int32)
    t = jax.random.randint(k3, (BATCH,), 0, NUM_ENTITIES, dtype=jnp.int64 if jax.config.jax_enable_x64 else jnp.int32)
    entity_emb = jax.random.normal(k4, (NUM_ENTITIES, EMBED_DIM), dtype=jnp.float32)
    relation_emb = jax.random.normal(k5, (NUM_RELATIONS, EMBED_DIM), dtype=jnp.float32)
    return {"h": h, "r": r, "t": t, "entity_emb": entity_emb, "relation_emb": relation_emb}

def reference(h, r, t, entity_emb, relation_emb):
    # TransE score embedding: E[h] + R[r] - E[t]
    he = jnp.take(entity_emb, h, axis=0)
    re = jnp.take(relation_emb, r, axis=0)
    te = jnp.take(entity_emb, t, axis=0)
    return he + re - te

if __name__ == "__main__":
    import jax
    _d = setup_inputs()
    print(jax.jit(kernel)(*tuple(_d.values())))

</pallas_src>

<mosaic_0001>
#map = affine_map<(d0, d1) -> (0)>
#map1 = affine_map<(d0, d1) -> (0, 0)>
module attributes {stable_mosaic.version = 14 : i64} {
  func.func @_sc_transe(%arg0: i32, %arg1: i32, %arg2: memref<16384xi32, #tpu.memory_space<hbm>>, %arg3: memref<16384xi32, #tpu.memory_space<hbm>>, %arg4: memref<16384xi32, #tpu.memory_space<hbm>>, %arg5: memref<100000x128xf32, #tpu.memory_space<hbm>>, %arg6: memref<1000x128xf32, #tpu.memory_space<hbm>>, %arg7: memref<16384x128xf32, #tpu.memory_space<hbm>>, %arg8: memref<512xi32, #tpu.memory_space<vmem>>, %arg9: memref<512xi32, #tpu.memory_space<vmem>>, %arg10: memref<512xi32, #tpu.memory_space<vmem>>, %arg11: memref<6x64x128xf32, #tpu.memory_space<vmem>>, %arg12: memref<6x64x128xf32, #tpu.memory_space<vmem>>, %arg13: memref<1000x128xf32, #tpu.memory_space<vmem_shared>>, %arg14: memref<6x!tpu.dma_semaphore, #tpu.memory_space<semaphore_mem>>, %arg15: memref<6x!tpu.dma_semaphore, #tpu.memory_space<semaphore_mem>>, %arg16: memref<6x!tpu.dma_semaphore, #tpu.memory_space<semaphore_mem>>, %arg17: memref<6x!tpu.dma_semaphore, #tpu.memory_space<semaphore_mem>>, %arg18: memref<3x!tpu.dma_semaphore, #tpu.memory_space<semaphore_mem>>) attributes {dimension_semantics = [#tpu.dimension_semantics<core_parallel>, #tpu.dimension_semantics<subcore_parallel>], iteration_bounds = array<i64: 2, 16>, scalar_prefetch = 0 : i64, scratch_operands = 11 : i64, tpu.core_type = #tpu.core_type<sc_vector_subcore>, window_params = [{transform_indices = #map}, {transform_indices = #map}, {transform_indices = #map}, {transform_indices = #map1}, {transform_indices = #map1}, {transform_indices = #map1}]} {
    %mul3A = arith.constant 16 : i32
    %mul3A_0 = arith.muli %arg0, %mul3A : i32
    %add3A = arith.addi %mul3A_0, %arg1 : i32
    %mul3A_1 = arith.constant 512 : i32
    %mul3A_2 = arith.muli %add3A, %mul3A_1 : i32
    %dma_start3A = arith.constant 0 : i32
    %dma_start3A_3 = tpu.memref_slice %arg2[%mul3A_2] : memref<16384xi32, #tpu.memory_space<hbm>> -> memref<512xi32, #tpu.memory_space<hbm>>
    %dma_start3A_4 = tpu.memref_slice %arg18[%dma_start3A] : memref<3x!tpu.dma_semaphore, #tpu.memory_space<semaphore_mem>> -> memref<1x!tpu.dma_semaphore, #tpu.memory_space<semaphore_mem>>
    %dma_start3A_5 = tpu.memref_squeeze %dma_start3A_4 : memref<1x!tpu.dma_semaphore, #tpu.memory_space<semaphore_mem>> -> memref<!tpu.dma_semaphore, #tpu.memory_space<semaphore_mem>>
    %dma_start3A_6 = tpu.memref_slice %arg2[%mul3A_2] : memref<16384xi32, #tpu.memory_space<hbm>> -> memref<512xi32, #tpu.memory_space<hbm>>
    tpu.enqueue_dma source(%dma_start3A_6 : memref<512xi32, #tpu.memory_space<hbm>>) target(%arg8 : memref<512xi32, #tpu.memory_space<vmem>>) target_semaphore(%dma_start3A_5 : memref<!tpu.dma_semaphore, #tpu.memory_space<semaphore_mem>>)
    %dma_start3A_7 = arith.constant 1 : i32
    %dma_start3A_8 = tpu.memref_slice %arg4[%mul3A_2] : memref<16384xi32, #tpu.memory_space<hbm>> -> memref<512xi32, #tpu.memory_space<hbm>>
    %dma_start3A_9 = tpu.memref_slice %arg18[%dma_start3A_7] : memref<3x!tpu.dma_semaphore, #tpu.memory_space<semaphore_mem>> -> memref<1x!tpu.dma_semaphore, #tpu.memory_space<semaphore_mem>>
    %dma_start3A_10 = tpu.memref_squeeze %dma_start3A_9 : memref<1x!tpu.dma_semaphore, #tpu.memory_space<semaphore_mem>> -> memref<!tpu.dma_semaphore, #tpu.memory_space<semaphore_mem>>
    %dma_start3A_11 = tpu.memref_slice %arg4[%mul3A_2] : memref<16384xi32, #tpu.memory_space<hbm>> -> memref<512xi32, #tpu.memory_space<hbm>>
    tpu.enqueue_dma source(%dma_start3A_11 : memref<512xi32, #tpu.memory_space<hbm>>) target(%arg10 : memref<512xi32, #tpu.memory_space<vmem>>) target_semaphore(%dma_start3A_10 : memref<!tpu.dma_semaphore, #tpu.memory_space<semaphore_mem>>)
    %dma_start3A_12 = arith.constant 2 : i32
    %dma_start3A_13 = tpu.memref_slice %arg3[%mul3A_2] : memref<16384xi32, #tpu.memory_space<hbm>> -> memref<512xi32, #tpu.memory_space<hbm>>
    %dma_start3A_14 = tpu.memref_slice %arg18[%dma_start3A_12] : memref<3x!tpu.dma_semaphore, #tpu.memory_space<semaphore_mem>> -> memref<1x!tpu.dma_semaphore, #tpu.memory_space<semaphore_mem>>
    %dma_start3A_15 = tpu.memref_squeeze %dma_start3A_14 : memref<1x!tpu.dma_semaphore, #tpu.memory_space<semaphore_mem>> -> memref<!tpu.dma_semaphore, #tpu.memory_space<semaphore_mem>>
    %dma_start3A_16 = tpu.memref_slice %arg3[%mul3A_2] : memref<16384xi32, #tpu.memory_space<hbm>> -> memref<512xi32, #tpu.memory_space<hbm>>
    tpu.enqueue_dma source(%dma_start3A_16 : memref<512xi32, #tpu.memory_space<hbm>>) target(%arg9 : memref<512xi32, #tpu.memory_space<vmem>>) target_semaphore(%dma_start3A_15 : memref<!tpu.dma_semaphore, #tpu.memory_space<semaphore_mem>>)
    %eq3A = arith.constant 0 : i32
    %eq3A_17 = arith.cmpi eq, %arg1, %eq3A : i32
    %convert_element_type3A = arith.extui %eq3A_17 : i1 to i32
    %cond3A = arith.constant 0 : i32
    %cond3A_18 = arith.cmpi ne, %convert_element_type3A, %cond3A : i32
    scf.if %cond3A_18 {
      "tpu.region"() ({
        %run_scoped3A = tpu.sem_alloc : memref<!tpu.dma_semaphore, #tpu.memory_space<semaphore_mem>>
        tpu.enqueue_dma source(%arg6 : memref<1000x128xf32, #tpu.memory_space<hbm>>) target(%arg13 : memref<1000x128xf32, #tpu.memory_space<vmem_shared>>) target_semaphore(%run_scoped3A : memref<!tpu.dma_semaphore, #tpu.memory_space<semaphore_mem>>)
        tpu.wait_dma2 semaphore(%run_scoped3A : memref<!tpu.dma_semaphore, #tpu.memory_space<semaphore_mem>>) src(%arg6 : memref<1000x128xf32, #tpu.memory_space<hbm>>) dst(%arg13 : memref<1000x128xf32, #tpu.memory_space<vmem_shared>>)
        tpu.yield
      }) : () -> ()
    } else {
    }
    %dma_wait3A = arith.constant 0 : i32
    %dma_wait3A_19 = tpu.memref_slice %arg2[%mul3A_2] : memref<16384xi32, #tpu.memory_space<hbm>> -> memref<512xi32, #tpu.memory_space<hbm>>
    %dma_wait3A_20 = tpu.memref_slice %arg18[%dma_wait3A] : memref<3x!tpu.dma_semaphore, #tpu.memory_space<semaphore_mem>> -> memref<1x!tpu.dma_semaphore, #tpu.memory_space<semaphore_mem>>
    %dma_wait3A_21 = tpu.memref_squeeze %dma_wait3A_20 : memref<1x!tpu.dma_semaphore, #tpu.memory_space<semaphore_mem>> -> memref<!tpu.dma_semaphore, #tpu.memory_space<semaphore_mem>>
    %dma_wait3A_22 = tpu.memref_slice %arg2[%mul3A_2] : memref<16384xi32, #tpu.memory_space<hbm>> -> memref<512xi32, #tpu.memory_space<hbm>>
    tpu.wait_dma2 semaphore(%dma_wait3A_21 : memref<!tpu.dma_semaphore, #tpu.memory_space<semaphore_mem>>) src(%dma_wait3A_22 : memref<512xi32, #tpu.memory_space<hbm>>) dst(%arg8 : memref<512xi32, #tpu.memory_space<vmem>>)
    %dma_wait3A_23 = arith.constant 1 : i32
    %dma_wait3A_24 = tpu.memref_slice %arg4[%mul3A_2] : memref<16384xi32, #tpu.memory_space<hbm>> -> memref<512xi32, #tpu.memory_space<hbm>>
    %dma_wait3A_25 = tpu.memref_slice %arg18[%dma_wait3A_23] : memref<3x!tpu.dma_semaphore, #tpu.memory_space<semaphore_mem>> -> memref<1x!tpu.dma_semaphore, #tpu.memory_space<semaphore_mem>>
    %dma_wait3A_26 = tpu.memref_squeeze %dma_wait3A_25 : memref<1x!tpu.dma_semaphore, #tpu.memory_space<semaphore_mem>> -> memref<!tpu.dma_semaphore, #tpu.memory_space<semaphore_mem>>
    %dma_wait3A_27 = tpu.memref_slice %arg4[%mul3A_2] : memref<16384xi32, #tpu.memory_space<hbm>> -> memref<512xi32, #tpu.memory_space<hbm>>
    tpu.wait_dma2 semaphore(%dma_wait3A_26 : memref<!tpu.dma_semaphore, #tpu.memory_space<semaphore_mem>>) src(%dma_wait3A_27 : memref<512xi32, #tpu.memory_space<hbm>>) dst(%arg10 : memref<512xi32, #tpu.memory_space<vmem>>)
    %dma_start3A_28 = arith.constant 0 : i32
    %dma_start3A_29 = arith.constant 0 : i32
    %dma_start3A_30 = arith.constant 0 : i32
    %dma_start3A_31 = arith.constant 0 : i32
    %dma_start3A_32 = tpu.memref_slice %arg11[%dma_start3A_28, %dma_start3A_30, %dma_start3A_31] : memref<6x64x128xf32, #tpu.memory_space<vmem>> -> memref<1x64x128xf32, #tpu.memory_space<vmem>>
    %dma_start3A_33 = tpu.memref_squeeze %dma_start3A_32 : memref<1x64x128xf32, #tpu.memory_space<vmem>> -> memref<64x128xf32, #tpu.memory_space<vmem>>
    %dma_start3A_34 = arith.constant 0 : i32
    %dma_start3A_35 = tpu.memref_slice %arg8[%dma_start3A_34] : memref<512xi32, #tpu.memory_space<vmem>> -> memref<64xi32, #tpu.memory_space<vmem>>
    %dma_start3A_36 = arith.constant 0 : i32
    %dma_start3A_37 = arith.constant 0 : i32
    %dma_start3A_38 = tpu.memref_slice %arg5[%dma_start3A_36, %dma_start3A_37] : memref<100000x128xf32, #tpu.memory_space<hbm>> -> memref<100000x128xf32, #tpu.memory_space<hbm>>
    %dma_start3A_39 = tpu.memref_slice %arg14[%dma_start3A_29] : memref<6x!tpu.dma_semaphore, #tpu.memory_space<semaphore_mem>> -> memref<1x!tpu.dma_semaphore, #tpu.memory_space<semaphore_mem>>
    %dma_start3A_40 = tpu.memref_squeeze %dma_start3A_39 : memref<1x!tpu.dma_semaphore, #tpu.memory_space<semaphore_mem>> -> memref<!tpu.dma_semaphore, #tpu.memory_space<semaphore_mem>>
    tpu.enqueue_indirect_dma source(%dma_start3A_38 : memref<100000x128xf32, #tpu.memory_space<hbm>>) target(%dma_start3A_33 : memref<64x128xf32, #tpu.memory_space<vmem>>) offsets(%dma_start3A_35 : memref<64xi32, #tpu.memory_space<vmem>>) semaphore(%dma_start3A_40 : memref<!tpu.dma_semaphore, #tpu.memory_space<semaphore_mem>>)
    %dma_start3A_41 = arith.constant 0 : i32
    %dma_start3A_42 = arith.constant 0 : i32
    %dma_start3A_43 = arith.constant 0 : i32
    %dma_start3A_44 = arith.constant 0 : i32
    %dma_start3A_45 = tpu.memref_slice %arg12[%dma_start3A_41, %dma_start3A_43, %dma_start3A_44] : memref<6x64x128xf32, #tpu.memory_space<vmem>> -> memref<1x64x128xf32, #tpu.memory_space<vmem>>
    %dma_start3A_46 = tpu.memref_squeeze %dma_start3A_45 : memref<1x64x128xf32, #tpu.memory_space<vmem>> -> memref<64x128xf32, #tpu.memory_space<vmem>>
    %dma_start3A_47 = arith.constant 0 : i32
    %dma_start3A_48 = tpu.memref_slice %arg10[%dma_start3A_47] : memref<512xi32, #tpu.memory_space<vmem>> -> memref<64xi32, #tpu.memory_space<vmem>>
    %dma_start3A_49 = arith.constant 0 : i32
    %dma_start3A_50 = arith.constant 0 : i32
    %dma_start3A_51 = tpu.memref_slice %arg5[%dma_start3A_49, %dma_start3A_50] : memref<100000x128xf32, #tpu.memory_space<hbm>> -> memref<100000x128xf32, #tpu.memory_space<hbm>>
    %dma_start3A_52 = tpu.memref_slice %arg16[%dma_start3A_42] : memref<6x!tpu.dma_semaphore, #tpu.memory_space<semaphore_mem>> -> memref<1x!tpu.dma_semaphore, #tpu.memory_space<semaphore_mem>>
    %dma_start3A_53 = tpu.memref_squeeze %dma_start3A_52 : memref<1x!tpu.dma_semaphore, #tpu.memory_space<semaphore_mem>> -> memref<!tpu.dma_semaphore, #tpu.memory_space<semaphore_mem>>
    tpu.enqueue_indirect_dma source(%dma_start3A_51 : memref<100000x128xf32, #tpu.memory_space<hbm>>) target(%dma_start3A_46 : memref<64x128xf32, #tpu.memory_space<vmem>>) offsets(%dma_start3A_48 : memref<64xi32, #tpu.memory_space<vmem>>) semaphore(%dma_start3A_53 : memref<!tpu.dma_semaphore, #tpu.memory_space<semaphore_mem>>)
    %dma_start3A_54 = arith.constant 1 : i32
    %dma_start3A_55 = arith.constant 1 : i32
    %dma_start3A_56 = arith.constant 0 : i32
    %dma_start3A_57 = arith.constant 0 : i32
    %dma_start3A_58 = tpu.memref_slice %arg11[%dma_start3A_54, %dma_start3A_56, %dma_start3A_57] : memref<6x64x128xf32, #tpu.memory_space<vmem>> -> memref<1x64x128xf32, #tpu.memory_space<vmem>>
    %dma_start3A_59 = tpu.memref_squeeze %dma_start3A_58 : memref<1x64x128xf32, #tpu.memory_space<vmem>> -> memref<64x128xf32, #tpu.memory_space<vmem>>
    %dma_start3A_60 = arith.constant 64 : i32
    %dma_start3A_61 = tpu.memref_slice %arg8[%dma_start3A_60] : memref<512xi32, #tpu.memory_space<vmem>> -> memref<64xi32, #tpu.memory_space<vmem>>
    %dma_start3A_62 = arith.constant 0 : i32
    %dma_start3A_63 = arith.constant 0 : i32
    %dma_start3A_64 = tpu.memref_slice %arg5[%dma_start3A_62, %dma_start3A_63] : memref<100000x128xf32, #tpu.memory_space<hbm>> -> memref<100000x128xf32, #tpu.memory_space<hbm>>
    %dma_start3A_65 = tpu.memref_slice %arg14[%dma_start3A_55] : memref<6x!tpu.dma_semaphore, #tpu.memory_space<semaphore_mem>> -> memref<1x!tpu.dma_semaphore, #tpu.memory_space<semaphore_mem>>
    %dma_start3A_66 = tpu.memref_squeeze %dma_start3A_65 : memref<1x!tpu.dma_semaphore, #tpu.memory_space<semaphore_mem>> -> memref<!tpu.dma_semaphore, #tpu.memory_space<semaphore_mem>>
    tpu.enqueue_indirect_dma source(%dma_start3A_64 : memref<100000x128xf32, #tpu.memory_space<hbm>>) target(%dma_start3A_59 : memref<64x128xf32, #tpu.memory_space<vmem>>) offsets(%dma_start3A_61 : memref<64xi32, #tpu.memory_space<vmem>>) semaphore(%dma_start3A_66 : memref<!tpu.dma_semaphore, #tpu.memory_space<semaphore_mem>>)
    %dma_start3A_67 = arith.constant 1 : i32
    %dma_start3A_68 = arith.constant 1 : i32
    %dma_start3A_69 = arith.constant 0 : i32
    %dma_start3A_70 = arith.constant 0 : i32
    %dma_start3A_71 = tpu.memref_slice %arg12[%dma_start3A_67, %dma_start3A_69, %dma_start3A_70] : memref<6x64x128xf32, #tpu.memory_space<vmem>> -> memref<1x64x128xf32, #tpu.memory_space<vmem>>
    %dma_start3A_72 = tpu.memref_squeeze %dma_start3A_71 : memref<1x64x128xf32, #tpu.memory_space<vmem>> -> memref<64x128xf32, #tpu.memory_space<vmem>>
    %dma_start3A_73 = arith.constant 64 : i32
    %dma_start3A_74 = tpu.memref_slice %arg10[%dma_start3A_73] : memref<512xi32, #tpu.memory_space<vmem>> -> memref<64xi32, #tpu.memory_space<vmem>>
    %dma_start3A_75 = arith.constant 0 : i32
    %dma_start3A_76 = arith.constant 0 : i32
    %dma_start3A_77 = tpu.memref_slice %arg5[%dma_start3A_75, %dma_start3A_76] : memref<100000x128xf32, #tpu.memory_space<hbm>> -> memref<100000x128xf32, #tpu.memory_space<hbm>>
    %dma_start3A_78 = tpu.memref_slice %arg16[%dma_start3A_68] : memref<6x!tpu.dma_semaphore, #tpu.memory_space<semaphore_mem>> -> memref<1x!tpu.dma_semaphore, #tpu.memory_space<semaphore_mem>>
    %dma_start3A_79 = tpu.memref_squeeze %dma_start3A_78 : memref<1x!tpu.dma_semaphore, #tpu.memory_space<semaphore_mem>> -> memref<!tpu.dma_semaphore, #tpu.memory_space<semaphore_mem>>
    tpu.enqueue_indirect_dma source(%dma_start3A_77 : memref<100000x128xf32, #tpu.memory_space<hbm>>) target(%dma_start3A_72 : memref<64x128xf32, #tpu.memory_space<vmem>>) offsets(%dma_start3A_74 : memref<64xi32, #tpu.memory_space<vmem>>) semaphore(%dma_start3A_79 : memref<!tpu.dma_semaphore, #tpu.memory_space<semaphore_mem>>)
    %dma_start3A_80 = arith.constant 2 : i32
    %dma_start3A_81 = arith.constant 2 : i32
    %dma_start3A_82 = arith.constant 0 : i32
    %dma_start3A_83 = arith.constant 0 : i32
    %dma_start3A_84 = tpu.memref_slice %arg11[%dma_start3A_80, %dma_start3A_82, %dma_start3A_83] : memref<6x64x128xf32, #tpu.memory_space<vmem>> -> memref<1x64x128xf32, #tpu.memory_space<vmem>>
    %dma_start3A_85 = tpu.memref_squeeze %dma_start3A_84 : memref<1x64x128xf32, #tpu.memory_space<vmem>> -> memref<64x128xf32, #tpu.memory_space<vmem>>
    %dma_start3A_86 = arith.constant 128 : i32
    %dma_start3A_87 = tpu.memref_slice %arg8[%dma_start3A_86] : memref<512xi32, #tpu.memory_space<vmem>> -> memref<64xi32, #tpu.memory_space<vmem>>
    %dma_start3A_88 = arith.constant 0 : i32
    %dma_start3A_89 = arith.constant 0 : i32
    %dma_start3A_90 = tpu.memref_slice %arg5[%dma_start3A_88, %dma_start3A_89] : memref<100000x128xf32, #tpu.memory_space<hbm>> -> memref<100000x128xf32, #tpu.memory_space<hbm>>
    %dma_start3A_91 = tpu.memref_slice %arg14[%dma_start3A_81] : memref<6x!tpu.dma_semaphore, #tpu.memory_space<semaphore_mem>> -> memref<1x!tpu.dma_semaphore, #tpu.memory_space<semaphore_mem>>
    %dma_start3A_92 = tpu.memref_squeeze %dma_start3A_91 : memref<1x!tpu.dma_semaphore, #tpu.memory_space<semaphore_mem>> -> memref<!tpu.dma_semaphore, #tpu.memory_space<semaphore_mem>>
    tpu.enqueue_indirect_dma source(%dma_start3A_90 : memref<100000x128xf32, #tpu.memory_space<hbm>>) target(%dma_start3A_85 : memref<64x128xf32, #tpu.memory_space<vmem>>) offsets(%dma_start3A_87 : memref<64xi32, #tpu.memory_space<vmem>>) semaphore(%dma_start3A_92 : memref<!tpu.dma_semaphore, #tpu.memory_space<semaphore_mem>>)
    %dma_start3A_93 = arith.constant 2 : i32
    %dma_start3A_94 = arith.constant 2 : i32
    %dma_start3A_95 = arith.constant 0 : i32
    %dma_start3A_96 = arith.constant 0 : i32
    %dma_start3A_97 = tpu.memref_slice %arg12[%dma_start3A_93, %dma_start3A_95, %dma_start3A_96] : memref<6x64x128xf32, #tpu.memory_space<vmem>> -> memref<1x64x128xf32, #tpu.memory_space<vmem>>
    %dma_start3A_98 = tpu.memref_squeeze %dma_start3A_97 : memref<1x64x128xf32, #tpu.memory_space<vmem>> -> memref<64x128xf32, #tpu.memory_space<vmem>>
    %dma_start3A_99 = arith.constant 128 : i32
    %dma_start3A_100 = tpu.memref_slice %arg10[%dma_start3A_99] : memref<512xi32, #tpu.memory_space<vmem>> -> memref<64xi32, #tpu.memory_space<vmem>>
    %dma_start3A_101 = arith.constant 0 : i32
    %dma_start3A_102 = arith.constant 0 : i32
    %dma_start3A_103 = tpu.memref_slice %arg5[%dma_start3A_101, %dma_start3A_102] : memref<100000x128xf32, #tpu.memory_space<hbm>> -> memref<100000x128xf32, #tpu.memory_space<hbm>>
    %dma_start3A_104 = tpu.memref_slice %arg16[%dma_start3A_94] : memref<6x!tpu.dma_semaphore, #tpu.memory_space<semaphore_mem>> -> memref<1x!tpu.dma_semaphore, #tpu.memory_space<semaphore_mem>>
    %dma_start3A_105 = tpu.memref_squeeze %dma_start3A_104 : memref<1x!tpu.dma_semaphore, #tpu.memory_space<semaphore_mem>> -> memref<!tpu.dma_semaphore, #tpu.memory_space<semaphore_mem>>
    tpu.enqueue_indirect_dma source(%dma_start3A_103 : memref<100000x128xf32, #tpu.memory_space<hbm>>) target(%dma_start3A_98 : memref<64x128xf32, #tpu.memory_space<vmem>>) offsets(%dma_start3A_100 : memref<64xi32, #tpu.memory_space<vmem>>) semaphore(%dma_start3A_105 : memref<!tpu.dma_semaphore, #tpu.memory_space<semaphore_mem>>)
    %dma_start3A_106 = arith.constant 3 : i32
    %dma_start3A_107 = arith.constant 3 : i32
    %dma_start3A_108 = arith.constant 0 : i32
    %dma_start3A_109 = arith.constant 0 : i32
    %dma_start3A_110 = tpu.memref_slice %arg11[%dma_start3A_106, %dma_start3A_108, %dma_start3A_109] : memref<6x64x128xf32, #tpu.memory_space<vmem>> -> memref<1x64x128xf32, #tpu.memory_space<vmem>>
    %dma_start3A_111 = tpu.memref_squeeze %dma_start3A_110 : memref<1x64x128xf32, #tpu.memory_space<vmem>> -> memref<64x128xf32, #tpu.memory_space<vmem>>
    %dma_start3A_112 = arith.constant 192 : i32
    %dma_start3A_113 = tpu.memref_slice %arg8[%dma_start3A_112] : memref<512xi32, #tpu.memory_space<vmem>> -> memref<64xi32, #tpu.memory_space<vmem>>
    %dma_start3A_114 = arith.constant 0 : i32
    %dma_start3A_115 = arith.constant 0 : i32
    %dma_start3A_116 = tpu.memref_slice %arg5[%dma_start3A_114, %dma_start3A_115] : memref<100000x128xf32, #tpu.memory_space<hbm>> -> memref<100000x128xf32, #tpu.memory_space<hbm>>
    %dma_start3A_117 = tpu.memref_slice %arg14[%dma_start3A_107] : memref<6x!tpu.dma_semaphore, #tpu.memory_space<semaphore_mem>> -> memref<1x!tpu.dma_semaphore, #tpu.memory_space<semaphore_mem>>
    %dma_start3A_118 = tpu.memref_squeeze %dma_start3A_117 : memref<1x!tpu.dma_semaphore, #tpu.memory_space<semaphore_mem>> -> memref<!tpu.dma_semaphore, #tpu.memory_space<semaphore_mem>>
    tpu.enqueue_indirect_dma source(%dma_start3A_116 : memref<100000x128xf32, #tpu.memory_space<hbm>>) target(%dma_start3A_111 : memref<64x128xf32, #tpu.memory_space<vmem>>) offsets(%dma_start3A_113 : memref<64xi32, #tpu.memory_space<vmem>>) semaphore(%dma_start3A_118 : memref<!tpu.dma_semaphore, #tpu.memory_space<semaphore_mem>>)
    %dma_start3A_119 = arith.constant 3 : i32
    %dma_start3A_120 = arith.constant 3 : i32
    %dma_start3A_121 = arith.constant 0 : i32
    %dma_start3A_122 = arith.constant 0 : i32
    %dma_start3A_123 = tpu.memref_slice %arg12[%dma_start3A_119, %dma_start3A_121, %dma_start3A_122] : memref<6x64x128xf32, #tpu.memory_space<vmem>> -> memref<1x64x128xf32, #tpu.memory_space<vmem>>
    %dma_start3A_124 = tpu.memref_squeeze %dma_start3A_123 : memref<1x64x128xf32, #tpu.memory_space<vmem>> -> memref<64x128xf32, #tpu.memory_space<vmem>>
    %dma_start3A_125 = arith.constant 192 : i32
    %dma_start3A_126 = tpu.memref_slice %arg10[%dma_start3A_125] : memref<512xi32, #tpu.memory_space<vmem>> -> memref<64xi32, #tpu.memory_space<vmem>>
    %dma_start3A_127 = arith.constant 0 : i32
    %dma_start3A_128 = arith.constant 0 : i32
    %dma_start3A_129 = tpu.memref_slice %arg5[%dma_start3A_127, %dma_start3A_128] : memref<100000x128xf32, #tpu.memory_space<hbm>> -> memref<100000x128xf32, #tpu.memory_space<hbm>>
    %dma_start3A_130 = tpu.memref_slice %arg16[%dma_start3A_120] : memref<6x!tpu.dma_semaphore, #tpu.memory_space<semaphore_mem>> -> memref<1x!tpu.dma_semaphore, #tpu.memory_space<semaphore_mem>>
    %dma_start3A_131 = tpu.memref_squeeze %dma_start3A_130 : memref<1x!tpu.dma_semaphore, #tpu.memory_space<semaphore_mem>> -> memref<!tpu.dma_semaphore, #tpu.memory_space<semaphore_mem>>
    tpu.enqueue_indirect_dma source(%dma_start3A_129 : memref<100000x128xf32, #tpu.memory_space<hbm>>) target(%dma_start3A_124 : memref<64x128xf32, #tpu.memory_space<vmem>>) offsets(%dma_start3A_126 : memref<64xi32, #tpu.memory_space<vmem>>) semaphore(%dma_start3A_131 : memref<!tpu.dma_semaphore, #tpu.memory_space<semaphore_mem>>)
    %dma_wait3A_132 = arith.constant 2 : i32
    %dma_wait3A_133 = tpu.memref_slice %arg3[%mul3A_2] : memref<16384xi32, #tpu.memory_space<hbm>> -> memref<512xi32, #tpu.memory_space<hbm>>
    %dma_wait3A_134 = tpu.memref_slice %arg18[%dma_wait3A_132] : memref<3x!tpu.dma_semaphore, #tpu.memory_space<semaphore_mem>> -> memref<1x!tpu.dma_semaphore, #tpu.memory_space<semaphore_mem>>
    %dma_wait3A_135 = tpu.memref_squeeze %dma_wait3A_134 : memref<1x!tpu.dma_semaphore, #tpu.memory_space<semaphore_mem>> -> memref<!tpu.dma_semaphore, #tpu.memory_space<semaphore_mem>>
    %dma_wait3A_136 = tpu.memref_slice %arg3[%mul3A_2] : memref<16384xi32, #tpu.memory_space<hbm>> -> memref<512xi32, #tpu.memory_space<hbm>>
    tpu.wait_dma2 semaphore(%dma_wait3A_135 : memref<!tpu.dma_semaphore, #tpu.memory_space<semaphore_mem>>) src(%dma_wait3A_136 : memref<512xi32, #tpu.memory_space<hbm>>) dst(%arg9 : memref<512xi32, #tpu.memory_space<vmem>>)
    %barrier3A = arith.constant 0 : index
    tpu.barrier barrier_id(%barrier3A)
    %dma_wait3A_137 = arith.constant 0 : i32
    %dma_wait3A_138 = arith.constant 0 : i32
    %dma_wait3A_139 = arith.constant 0 : i32
    %dma_wait3A_140 = arith.constant 0 : i32
    %dma_wait3A_141 = tpu.memref_slice %arg11[%dma_wait3A_137, %dma_wait3A_139, %dma_wait3A_140] : memref<6x64x128xf32, #tpu.memory_space<vmem>> -> memref<1x64x128xf32, #tpu.memory_space<vmem>>
    %dma_wait3A_142 = tpu.memref_squeeze %dma_wait3A_141 : memref<1x64x128xf32, #tpu.memory_space<vmem>> -> memref<64x128xf32, #tpu.memory_space<vmem>>
    %dma_wait3A_143 = arith.constant 0 : i32
    %dma_wait3A_144 = tpu.memref_slice %arg8[%dma_wait3A_143] : memref<512xi32, #tpu.memory_space<vmem>> -> memref<64xi32, #tpu.memory_space<vmem>>
    %dma_wait3A_145 = arith.constant 0 : i32
    %dma_wait3A_146 = arith.constant 0 : i32
    %dma_wait3A_147 = tpu.memref_slice %arg5[%dma_wait3A_145, %dma_wait3A_146] : memref<100000x128xf32, #tpu.memory_space<hbm>> -> memref<100000x128xf32, #tpu.memory_space<hbm>>
    %dma_wait3A_148 = tpu.memref_slice %arg14[%dma_wait3A_138] : memref<6x!tpu.dma_semaphore, #tpu.memory_space<semaphore_mem>> -> memref<1x!tpu.dma_semaphore, #tpu.memory_space<semaphore_mem>>
    %dma_wait3A_149 = tpu.memref_squeeze %dma_wait3A_148 : memref<1x!tpu.dma_semaphore, #tpu.memory_space<semaphore_mem>> -> memref<!tpu.dma_semaphore, #tpu.memory_space<semaphore_mem>>
    tpu.wait_indirect_dma semaphore(%dma_wait3A_149 : memref<!tpu.dma_semaphore, #tpu.memory_space<semaphore_mem>>) src(%dma_wait3A_147 : memref<100000x128xf32, #tpu.memory_space<hbm>>) dst(%dma_wait3A_142 : memref<64x128xf32, #tpu.memory_space<vmem>>)
    %dma_start3A_150 = arith.constant 0 : i32
    %dma_start3A_151 = arith.constant 0 : i32
    %dma_start3A_152 = arith.constant 0 : i32
    %dma_start3A_153 = arith.constant 0 : i32
    %dma_start3A_154 = tpu.memref_slice %arg11[%dma_start3A_150, %dma_start3A_152, %dma_start3A_153] : memref<6x64x128xf32, #tpu.memory_space<vmem>> -> memref<1x64x128xf32, #tpu.memory_space<vmem>>
    %dma_start3A_155 = tpu.memref_squeeze %dma_start3A_154 : memref<1x64x128xf32, #tpu.memory_space<vmem>> -> memref<64x128xf32, #tpu.memory_space<vmem>>
    %dma_start3A_156 = arith.constant 0 : i32
    %dma_start3A_157 = tpu.memref_slice %arg9[%dma_start3A_156] : memref<512xi32, #tpu.memory_space<vmem>> -> memref<64xi32, #tpu.memory_space<vmem>>
    %dma_start3A_158 = arith.constant 0 : i32
    %dma_start3A_159 = arith.constant 0 : i32
    %dma_start3A_160 = tpu.memref_slice %arg13[%dma_start3A_158, %dma_start3A_159] : memref<1000x128xf32, #tpu.memory_space<vmem_shared>> -> memref<1000x128xf32, #tpu.memory_space<vmem_shared>>
    %dma_start3A_161 = tpu.memref_slice %arg15[%dma_start3A_151] : memref<6x!tpu.dma_semaphore, #tpu.memory_space<semaphore_mem>> -> memref<1x!tpu.dma_semaphore, #tpu.memory_space<semaphore_mem>>
    %dma_start3A_162 = tpu.memref_squeeze %dma_start3A_161 : memref<1x!tpu.dma_semaphore, #tpu.memory_space<semaphore_mem>> -> memref<!tpu.dma_semaphore, #tpu.memory_space<semaphore_mem>>
    tpu.enqueue_indirect_dma source(%dma_start3A_160 : memref<1000x128xf32, #tpu.memory_space<vmem_shared>>) target(%dma_start3A_155 : memref<64x128xf32, #tpu.memory_space<vmem>>) offsets(%dma_start3A_157 : memref<64xi32, #tpu.memory_space<vmem>>) semaphore(%dma_start3A_162 : memref<!tpu.dma_semaphore, #tpu.memory_space<semaphore_mem>>) {add = true}
    %dma_start3A_163 = arith.constant 4 : i32
    %dma_start3A_164 = arith.constant 4 : i32
    %dma_start3A_165 = arith.constant 0 : i32
    %dma_start3A_166 = arith.constant 0 : i32
    %dma_start3A_167 = tpu.memref_slice %arg11[%dma_start3A_163, %dma_start3A_165, %dma_start3A_166] : memref<6x64x128xf32, #tpu.memory_space<vmem>> -> memref<1x64x128xf32, #tpu.memory_space<vmem>>
    %dma_start3A_168 = tpu.memref_squeeze %dma_start3A_167 : memref<1x64x128xf32, #tpu.memory_space<vmem>> -> memref<64x128xf32, #tpu.memory_space<vmem>>
    %dma_start3A_169 = arith.constant 256 : i32
    %dma_start3A_170 = tpu.memref_slice %arg8[%dma_start3A_169] : memref<512xi32, #tpu.memory_space<vmem>> -> memref<64xi32, #tpu.memory_space<vmem>>
    %dma_start3A_171 = arith.constant 0 : i32
    %dma_start3A_172 = arith.constant 0 : i32
    %dma_start3A_173 = tpu.memref_slice %arg5[%dma_start3A_171, %dma_start3A_172] : memref<100000x128xf32, #tpu.memory_space<hbm>> -> memref<100000x128xf32, #tpu.memory_space<hbm>>
    %dma_start3A_174 = tpu.memref_slice %arg14[%dma_start3A_164] : memref<6x!tpu.dma_semaphore, #tpu.memory_space<semaphore_mem>> -> memref<1x!tpu.dma_semaphore, #tpu.memory_space<semaphore_mem>>
    %dma_start3A_175 = tpu.memref_squeeze %dma_start3A_174 : memref<1x!tpu.dma_semaphore, #tpu.memory_space<semaphore_mem>> -> memref<!tpu.dma_semaphore, #tpu.memory_space<semaphore_mem>>
    tpu.enqueue_indirect_dma source(%dma_start3A_173 : memref<100000x128xf32, #tpu.memory_space<hbm>>) target(%dma_start3A_168 : memref<64x128xf32, #tpu.memory_space<vmem>>) offsets(%dma_start3A_170 : memref<64xi32, #tpu.memory_space<vmem>>) semaphore(%dma_start3A_175 : memref<!tpu.dma_semaphore, #tpu.memory_space<semaphore_mem>>)
    %dma_start3A_176 = arith.constant 4 : i32
    %dma_start3A_177 = arith.constant 4 : i32
    %dma_start3A_178 = arith.constant 0 : i32
    %dma_start3A_179 = arith.constant 0 : i32
    %dma_start3A_180 = tpu.memref_slice %arg12[%dma_start3A_176, %dma_start3A_178, %dma_start3A_179] : memref<6x64x128xf32, #tpu.memory_space<vmem>> -> memref<1x64x128xf32, #tpu.memory_space<vmem>>
    %dma_start3A_181 = tpu.memref_squeeze %dma_start3A_180 : memref<1x64x128xf32, #tpu.memory_space<vmem>> -> memref<64x128xf32, #tpu.memory_space<vmem>>
    %dma_start3A_182 = arith.constant 256 : i32
    %dma_start3A_183 = tpu.memref_slice %arg10[%dma_start3A_182] : memref<512xi32, #tpu.memory_space<vmem>> -> memref<64xi32, #tpu.memory_space<vmem>>
    %dma_start3A_184 = arith.constant 0 : i32
    %dma_start3A_185 = arith.constant 0 : i32
    %dma_start3A_186 = tpu.memref_slice %arg5[%dma_start3A_184, %dma_start3A_185] : memref<100000x128xf32, #tpu.memory_space<hbm>> -> memref<100000x128xf32, #tpu.memory_space<hbm>>
    %dma_start3A_187 = tpu.memref_slice %arg16[%dma_start3A_177] : memref<6x!tpu.dma_semaphore, #tpu.memory_space<semaphore_mem>> -> memref<1x!tpu.dma_semaphore, #tpu.memory_space<semaphore_mem>>
    %dma_start3A_188 = tpu.memref_squeeze %dma_start3A_187 : memref<1x!tpu.dma_semaphore, #tpu.memory_space<semaphore_mem>> -> memref<!tpu.dma_semaphore, #tpu.memory_space<semaphore_mem>>
    tpu.enqueue_indirect_dma source(%dma_start3A_186 : memref<100000x128xf32, #tpu.memory_space<hbm>>) target(%dma_start3A_181 : memref<64x128xf32, #tpu.memory_space<vmem>>) offsets(%dma_start3A_183 : memref<64xi32, #tpu.memory_space<vmem>>) semaphore(%dma_start3A_188 : memref<!tpu.dma_semaphore, #tpu.memory_space<semaphore_mem>>)
    %dma_wait3A_189 = arith.constant 1 : i32
    %dma_wait3A_190 = arith.constant 1 : i32
    %dma_wait3A_191 = arith.constant 0 : i32
    %dma_wait3A_192 = arith.constant 0 : i32
    %dma_wait3A_193 = tpu.memref_slice %arg11[%dma_wait3A_189, %dma_wait3A_191, %dma_wait3A_192] : memref<6x64x128xf32, #tpu.memory_space<vmem>> -> memref<1x64x128xf32, #tpu.memory_space<vmem>>
    %dma_wait3A_194 = tpu.memref_squeeze %dma_wait3A_193 : memref<1x64x128xf32, #tpu.memory_space<vmem>> -> memref<64x128xf32, #tpu.memory_space<vmem>>
    %dma_wait3A_195 = arith.constant 64 : i32
    %dma_wait3A_196 = tpu.memref_slice %arg8[%dma_wait3A_195] : memref<512xi32, #tpu.memory_space<vmem>> -> memref<64xi32, #tpu.memory_space<vmem>>
    %dma_wait3A_197 = arith.constant 0 : i32
    %dma_wait3A_198 = arith.constant 0 : i32
    %dma_wait3A_199 = tpu.memref_slice %arg5[%dma_wait3A_197, %dma_wait3A_198] : memref<100000x128xf32, #tpu.memory_space<hbm>> -> memref<100000x128xf32, #tpu.memory_space<hbm>>
    %dma_wait3A_200 = tpu.memref_slice %arg14[%dma_wait3A_190] : memref<6x!tpu.dma_semaphore, #tpu.memory_space<semaphore_mem>> -> memref<1x!tpu.dma_semaphore, #tpu.memory_space<semaphore_mem>>
    %dma_wait3A_201 = tpu.memref_squeeze %dma_wait3A_200 : memref<1x!tpu.dma_semaphore, #tpu.memory_space<semaphore_mem>> -> memref<!tpu.dma_semaphore, #tpu.memory_space<semaphore_mem>>
    tpu.wait_indirect_dma semaphore(%dma_wait3A_201 : memref<!tpu.dma_semaphore, #tpu.memory_space<semaphore_mem>>) src(%dma_wait3A_199 : memref<100000x128xf32, #tpu.memory_space<hbm>>) dst(%dma_wait3A_194 : memref<64x128xf32, #tpu.memory_space<vmem>>)
    %dma_start3A_202 = arith.constant 1 : i32
    %dma_start3A_203 = arith.constant 1 : i32
    %dma_start3A_204 = arith.constant 0 : i32
    %dma_start3A_205 = arith.constant 0 : i32
    %dma_start3A_206 = tpu.memref_slice %arg11[%dma_start3A_202, %dma_start3A_204, %dma_start3A_205] : memref<6x64x128xf32, #tpu.memory_space<vmem>> -> memref<1x64x128xf32, #tpu.memory_space<vmem>>
    %dma_start3A_207 = tpu.memref_squeeze %dma_start3A_206 : memref<1x64x128xf32, #tpu.memory_space<vmem>> -> memref<64x128xf32, #tpu.memory_space<vmem>>
    %dma_start3A_208 = arith.constant 64 : i32
    %dma_start3A_209 = tpu.memref_slice %arg9[%dma_start3A_208] : memref<512xi32, #tpu.memory_space<vmem>> -> memref<64xi32, #tpu.memory_space<vmem>>
    %dma_start3A_210 = arith.constant 0 : i32
    %dma_start3A_211 = arith.constant 0 : i32
    %dma_start3A_212 = tpu.memref_slice %arg13[%dma_start3A_210, %dma_start3A_211] : memref<1000x128xf32, #tpu.memory_space<vmem_shared>> -> memref<1000x128xf32, #tpu.memory_space<vmem_shared>>
    %dma_start3A_213 = tpu.memref_slice %arg15[%dma_start3A_203] : memref<6x!tpu.dma_semaphore, #tpu.memory_space<semaphore_mem>> -> memref<1x!tpu.dma_semaphore, #tpu.memory_space<semaphore_mem>>
    %dma_start3A_214 = tpu.memref_squeeze %dma_start3A_213 : memref<1x!tpu.dma_semaphore, #tpu.memory_space<semaphore_mem>> -> memref<!tpu.dma_semaphore, #tpu.memory_space<semaphore_mem>>
    tpu.enqueue_indirect_dma source(%dma_start3A_212 : memref<1000x128xf32, #tpu.memory_space<vmem_shared>>) target(%dma_start3A_207 : memref<64x128xf32, #tpu.memory_space<vmem>>) offsets(%dma_start3A_209 : memref<64xi32, #tpu.memory_space<vmem>>) semaphore(%dma_start3A_214 : memref<!tpu.dma_semaphore, #tpu.memory_space<semaphore_mem>>) {add = true}
    %dma_wait3A_215 = arith.constant 0 : i32
    %dma_wait3A_216 = arith.constant 0 : i32
    %dma_wait3A_217 = arith.constant 0 : i32
    %dma_wait3A_218 = arith.constant 0 : i32
    %dma_wait3A_219 = tpu.memref_slice %arg11[%dma_wait3A_215, %dma_wait3A_217, %dma_wait3A_218] : memref<6x64x128xf32, #tpu.memory_space<vmem>> -> memref<1x64x128xf32, #tpu.memory_space<vmem>>
    %dma_wait3A_220 = tpu.memref_squeeze %dma_wait3A_219 : memref<1x64x128xf32, #tpu.memory_space<vmem>> -> memref<64x128xf32, #tpu.memory_space<vmem>>
    %dma_wait3A_221 = arith.constant 0 : i32
    %dma_wait3A_222 = tpu.memref_slice %arg9[%dma_wait3A_221] : memref<512xi32, #tpu.memory_space<vmem>> -> memref<64xi32, #tpu.memory_space<vmem>>
    %dma_wait3A_223 = arith.constant 0 : i32
    %dma_wait3A_224 = arith.constant 0 : i32
    %dma_wait3A_225 = tpu.memref_slice %arg13[%dma_wait3A_223, %dma_wait3A_224] : memref<1000x128xf32, #tpu.memory_space<vmem_shared>> -> memref<1000x128xf32, #tpu.memory_space<vmem_shared>>
    %dma_wait3A_226 = tpu.memref_slice %arg15[%dma_wait3A_216] : memref<6x!tpu.dma_semaphore, #tpu.memory_space<semaphore_mem>> -> memref<1x!tpu.dma_semaphore, #tpu.memory_space<semaphore_mem>>
    %dma_wait3A_227 = tpu.memref_squeeze %dma_wait3A_226 : memref<1x!tpu.dma_semaphore, #tpu.memory_space<semaphore_mem>> -> memref<!tpu.dma_semaphore, #tpu.memory_space<semaphore_mem>>
    tpu.wait_indirect_dma semaphore(%dma_wait3A_227 : memref<!tpu.dma_semaphore, #tpu.memory_space<semaphore_mem>>) src(%dma_wait3A_225 : memref<1000x128xf32, #tpu.memory_space<vmem_shared>>) dst(%dma_wait3A_220 : memref<64x128xf32, #tpu.memory_space<vmem>>)
    %dma_wait3A_228 = arith.constant 0 : i32
    %dma_wait3A_229 = arith.constant 0 : i32
    %dma_wait3A_230 = arith.constant 0 : i32
    %dma_wait3A_231 = arith.constant 0 : i32
    %dma_wait3A_232 = tpu.memref_slice %arg12[%dma_wait3A_228, %dma_wait3A_230, %dma_wait3A_231] : memref<6x64x128xf32, #tpu.memory_space<vmem>> -> memref<1x64x128xf32, #tpu.memory_space<vmem>>
    %dma_wait3A_233 = tpu.memref_squeeze %dma_wait3A_232 : memref<1x64x128xf32, #tpu.memory_space<vmem>> -> memref<64x128xf32, #tpu.memory_space<vmem>>
    %dma_wait3A_234 = arith.constant 0 : i32
    %dma_wait3A_235 = tpu.memref_slice %arg10[%dma_wait3A_234] : memref<512xi32, #tpu.memory_space<vmem>> -> memref<64xi32, #tpu.memory_space<vmem>>
    %dma_wait3A_236 = arith.constant 0 : i32
    %dma_wait3A_237 = arith.constant 0 : i32
    %dma_wait3A_238 = tpu.memref_slice %arg5[%dma_wait3A_236, %dma_wait3A_237] : memref<100000x128xf32, #tpu.memory_space<hbm>> -> memref<100000x128xf32, #tpu.memory_space<hbm>>
    %dma_wait3A_239 = tpu.memref_slice %arg16[%dma_wait3A_229] : memref<6x!tpu.dma_semaphore, #tpu.memory_space<semaphore_mem>> -> memref<1x!tpu.dma_semaphore, #tpu.memory_space<semaphore_mem>>
    %dma_wait3A_240 = tpu.memref_squeeze %dma_wait3A_239 : memref<1x!tpu.dma_semaphore, #tpu.memory_space<semaphore_mem>> -> memref<!tpu.dma_semaphore, #tpu.memory_space<semaphore_mem>>
    tpu.wait_indirect_dma semaphore(%dma_wait3A_240 : memref<!tpu.dma_semaphore, #tpu.memory_space<semaphore_mem>>) src(%dma_wait3A_238 : memref<100000x128xf32, #tpu.memory_space<hbm>>) dst(%dma_wait3A_233 : memref<64x128xf32, #tpu.memory_space<vmem>>)
    %scan3A = arith.constant 0 : i32
    %scan3A_241 = arith.constant 0 : i32
    %scan3A_242 = arith.constant 64 : i32
    %scan3A_243 = arith.addi %scan3A_241, %scan3A_242 : i32
    %scan3A_244 = arith.constant 1 : i32
    scf.for %scan3A_976 = %scan3A_241 to %scan3A_243 step %scan3A_244  : i32 {
      %get3A = arith.constant 0 : i32
      %get3A_977 = arith.index_cast %get3A : i32 to index
      %get3A_978 = arith.index_cast %scan3A_976 : i32 to index
      %get3A_979 = arith.constant 0 : index
      %get3A_980 = tpu.vector_load %arg11[%get3A_977, %get3A_978, %get3A_979] {strides = array<i32>} : memref<6x64x128xf32, #tpu.memory_space<vmem>>, vector<1x1x16xf32>,
      %get3A_981 = vector.shape_cast %get3A_980 : vector<1x1x16xf32> to vector<16xf32>
      %get3A_982 = arith.constant 0 : i32
      %get3A_983 = arith.index_cast %get3A_982 : i32 to index
      %get3A_984 = arith.index_cast %scan3A_976 : i32 to index
      %get3A_985 = arith.constant 0 : index
      %get3A_986 = tpu.vector_load %arg12[%get3A_983, %get3A_984, %get3A_985] {strides = array<i32>} : memref<6x64x128xf32, #tpu.memory_space<vmem>>, vector<1x1x16xf32>,
      %get3A_987 = vector.shape_cast %get3A_986 : vector<1x1x16xf32> to vector<16xf32>
      %sub3A = arith.subf %get3A_981, %get3A_987 : vector<16xf32>
      %swap3A = arith.constant 0 : i32
      %swap3A_988 = arith.index_cast %swap3A : i32 to index
      %swap3A_989 = arith.index_cast %scan3A_976 : i32 to index
      %swap3A_990 = arith.constant 0 : index
      %swap3A_991 = tpu.vector_load %arg12[%swap3A_988, %swap3A_989, %swap3A_990] {strides = array<i32>} : memref<6x64x128xf32, #tpu.memory_space<vmem>>, vector<1x1x16xf32>,
      %swap3A_992 = vector.shape_cast %swap3A_991 : vector<1x1x16xf32> to vector<16xf32>
      %swap3A_993 = vector.shape_cast %sub3A : vector<16xf32> to vector<1x1x16xf32>
      tpu.vector_store %arg12[%swap3A_988, %swap3A_989, %swap3A_990], %swap3A_993 {strides = array<i32>} : memref<6x64x128xf32, #tpu.memory_space<vmem>>, vector<1x1x16xf32>,
      %get3A_994 = arith.constant 0 : i32
      %get3A_995 = arith.index_cast %get3A_994 : i32 to index
      %get3A_996 = arith.index_cast %scan3A_976 : i32 to index
      %get3A_997 = arith.constant 16 : index
      %get3A_998 = tpu.vector_load %arg11[%get3A_995, %get3A_996, %get3A_997] {strides = array<i32>} : memref<6x64x128xf32, #tpu.memory_space<vmem>>, vector<1x1x16xf32>,
      %get3A_999 = vector.shape_cast %get3A_998 : vector<1x1x16xf32> to vector<16xf32>
      %get3A_1000 = arith.constant 0 : i32
      %get3A_1001 = arith.index_cast %get3A_1000 : i32 to index
      %get3A_1002 = arith.index_cast %scan3A_976 : i32 to index
      %get3A_1003 = arith.constant 16 : index
      %get3A_1004 = tpu.vector_load %arg12[%get3A_1001, %get3A_1002, %get3A_1003] {strides = array<i32>} : memref<6x64x128xf32, #tpu.memory_space<vmem>>, vector<1x1x16xf32>,
      %get3A_1005 = vector.shape_cast %get3A_1004 : vector<1x1x16xf32> to vector<16xf32>
      %sub3A_1006 = arith.subf %get3A_999, %get3A_1005 : vector<16xf32>
      %swap3A_1007 = arith.constant 0 : i32
      %swap3A_1008 = arith.index_cast %swap3A_1007 : i32 to index
      %swap3A_1009 = arith.index_cast %scan3A_976 : i32 to index
      %swap3A_1010 = arith.constant 16 : index
      %swap3A_1011 = tpu.vector_load %arg12[%swap3A_1008, %swap3A_1009, %swap3A_1010] {strides = array<i32>} : memref<6x64x128xf32, #tpu.memory_space<vmem>>, vector<1x1x16xf32>,
      %swap3A_1012 = vector.shape_cast %swap3A_1011 : vector<1x1x16xf32> to vector<16xf32>
      %swap3A_1013 = vector.shape_cast %sub3A_1006 : vector<16xf32> to vector<1x1x16xf32>
      tpu.vector_store %arg12[%swap3A_1008, %swap3A_1009, %swap3A_1010], %swap3A_1013 {strides = array<i32>} : memref<6x64x128xf32, #tpu.memory_space<vmem>>, vector<1x1x16xf32>,
      %get3A_1014 = arith.constant 0 : i32
      %get3A_1015 = arith.index_cast %get3A_1014 : i32 to index
      %get3A_1016 = arith.index_cast %scan3A_976 : i32 to index
      %get3A_1017 = arith.constant 32 : index
      %get3A_1018 = tpu.vector_load %arg11[%get3A_1015, %get3A_1016, %get3A_1017] {strides = array<i32>} : memref<6x64x128xf32, #tpu.memory_space<vmem>>, vector<1x1x16xf32>,
      %get3A_1019 = vector.shape_cast %get3A_1018 : vector<1x1x16xf32> to vector<16xf32>
      %get3A_1020 = arith.constant 0 : i32
      %get3A_1021 = arith.index_cast %get3A_1020 : i32 to index
      %get3A_1022 = arith.index_cast %scan3A_976 : i32 to index
      %get3A_1023 = arith.constant 32 : index
      %get3A_1024 = tpu.vector_load %arg12[%get3A_1021, %get3A_1022, %get3A_1023] {strides = array<i32>} : memref<6x64x128xf32, #tpu.memory_space<vmem>>, vector<1x1x16xf32>,
      %get3A_1025 = vector.shape_cast %get3A_1024 : vector<1x1x16xf32> to vector<16xf32>
      %sub3A_1026 = arith.subf %get3A_1019, %get3A_1025 : vector<16xf32>
      %swap3A_1027 = arith.constant 0 : i32
      %swap3A_1028 = arith.index_cast %swap3A_1027 : i32 to index
      %swap3A_1029 = arith.index_cast %scan3A_976 : i32 to index
      %swap3A_1030 = arith.constant 32 : index
      %swap3A_1031 = tpu.vector_load %arg12[%swap3A_1028, %swap3A_1029, %swap3A_1030] {strides = array<i32>} : memref<6x64x128xf32, #tpu.memory_space<vmem>>, vector<1x1x16xf32>,
      %swap3A_1032 = vector.shape_cast %swap3A_1031 : vector<1x1x16xf32> to vector<16xf32>
      %swap3A_1033 = vector.shape_cast %sub3A_1026 : vector<16xf32> to vector<1x1x16xf32>
      tpu.vector_store %arg12[%swap3A_1028, %swap3A_1029, %swap3A_1030], %swap3A_1033 {strides = array<i32>} : memref<6x64x128xf32, #tpu.memory_space<vmem>>, vector<1x1x16xf32>,
      %get3A_1034 = arith.constant 0 : i32
      %get3A_1035 = arith.index_cast %get3A_1034 : i32 to index
      %get3A_1036 = arith.index_cast %scan3A_976 : i32 to index
      %get3A_1037 = arith.constant 48 : index
      %get3A_1038 = tpu.vector_load %arg11[%get3A_1035, %get3A_1036, %get3A_1037] {strides = array<i32>} : memref<6x64x128xf32, #tpu.memory_space<vmem>>, vector<1x1x16xf32>,
      %get3A_1039 = vector.shape_cast %get3A_1038 : vector<1x1x16xf32> to vector<16xf32>
      %get3A_1040 = arith.constant 0 : i32
      %get3A_1041 = arith.index_cast %get3A_1040 : i32 to index
      %get3A_1042 = arith.index_cast %scan3A_976 : i32 to index
      %get3A_1043 = arith.constant 48 : index
      %get3A_1044 = tpu.vector_load %arg12[%get3A_1041, %get3A_1042, %get3A_1043] {strides = array<i32>} : memref<6x64x128xf32, #tpu.memory_space<vmem>>, vector<1x1x16xf32>,
      %get3A_1045 = vector.shape_cast %get3A_1044 : vector<1x1x16xf32> to vector<16xf32>
      %sub3A_1046 = arith.subf %get3A_1039, %get3A_1045 : vector<16xf32>
      %swap3A_1047 = arith.constant 0 : i32
      %swap3A_1048 = arith.index_cast %swap3A_1047 : i32 to index
      %swap3A_1049 = arith.index_cast %scan3A_976 : i32 to index
      %swap3A_1050 = arith.constant 48 : index
      %swap3A_1051 = tpu.vector_load %arg12[%swap3A_1048, %swap3A_1049, %swap3A_1050] {strides = array<i32>} : memref<6x64x128xf32, #tpu.memory_space<vmem>>, vector<1x1x16xf32>,
      %swap3A_1052 = vector.shape_cast %swap3A_1051 : vector<1x1x16xf32> to vector<16xf32>
      %swap3A_1053 = vector.shape_cast %sub3A_1046 : vector<16xf32> to vector<1x1x16xf32>
      tpu.vector_store %arg12[%swap3A_1048, %swap3A_1049, %swap3A_1050], %swap3A_1053 {strides = array<i32>} : memref<6x64x128xf32, #tpu.memory_space<vmem>>, vector<1x1x16xf32>,
      %get3A_1054 = arith.constant 0 : i32
      %get3A_1055 = arith.index_cast %get3A_1054 : i32 to index
      %get3A_1056 = arith.index_cast %scan3A_976 : i32 to index
      %get3A_1057 = arith.constant 64 : index
      %get3A_1058 = tpu.vector_load %arg11[%get3A_1055, %get3A_1056, %get3A_1057] {strides = array<i32>} : memref<6x64x128xf32, #tpu.memory_space<vmem>>, vector<1x1x16xf32>,
      %get3A_1059 = vector.shape_cast %get3A_1058 : vector<1x1x16xf32> to vector<16xf32>
      %get3A_1060 = arith.constant 0 : i32
      %get3A_1061 = arith.index_cast %get3A_1060 : i32 to index
      %get3A_1062 = arith.index_cast %scan3A_976 : i32 to index
      %get3A_1063 = arith.constant 64 : index
      %get3A_1064 = tpu.vector_load %arg12[%get3A_1061, %get3A_1062, %get3A_1063] {strides = array<i32>} : memref<6x64x128xf32, #tpu.memory_space<vmem>>, vector<1x1x16xf32>,
      %get3A_1065 = vector.shape_cast %get3A_1064 : vector<1x1x16xf32> to vector<16xf32>
      %sub3A_1066 = arith.subf %get3A_1059, %get3A_1065 : vector<16xf32>
      %swap3A_1067 = arith.constant 0 : i32
      %swap3A_1068 = arith.index_cast %swap3A_1067 : i32 to index
      %swap3A_1069 = arith.index_cast %scan3A_976 : i32 to index
      %swap3A_1070 = arith.constant 64 : index
      %swap3A_1071 = tpu.vector_load %arg12[%swap3A_1068, %swap3A_1069, %swap3A_1070] {strides = array<i32>} : memref<6x64x128xf32, #tpu.memory_space<vmem>>, vector<1x1x16xf32>,
      %swap3A_1072 = vector.shape_cast %swap3A_1071 : vector<1x1x16xf32> to vector<16xf32>
      %swap3A_1073 = vector.shape_cast %sub3A_1066 : vector<16xf32> to vector<1x1x16xf32>
      tpu.vector_store %arg12[%swap3A_1068, %swap3A_1069, %swap3A_1070], %swap3A_1073 {strides = array<i32>} : memref<6x64x128xf32, #tpu.memory_space<vmem>>, vector<1x1x16xf32>,
      %get3A_1074 = arith.constant 0 : i32
      %get3A_1075 = arith.index_cast %get3A_1074 : i32 to index
      %get3A_1076 = arith.index_cast %scan3A_976 : i32 to index
      %get3A_1077 = arith.constant 80 : index
      %get3A_1078 = tpu.vector_load %arg11[%get3A_1075, %get3A_1076, %get3A_1077] {strides = array<i32>} : memref<6x64x128xf32, #tpu.memory_space<vmem>>, vector<1x1x16xf32>,
      %get3A_1079 = vector.shape_cast %get3A_1078 : vector<1x1x16xf32> to vector<16xf32>
      %get3A_1080 = arith.constant 0 : i32
      %get3A_1081 = arith.index_cast %get3A_1080 : i32 to index
      %get3A_1082 = arith.index_cast %scan3A_976 : i32 to index
      %get3A_1083 = arith.constant 80 : index
      %get3A_1084 = tpu.vector_load %arg12[%get3A_1081, %get3A_1082, %get3A_1083] {strides = array<i32>} : memref<6x64x128xf32, #tpu.memory_space<vmem>>, vector<1x1x16xf32>,
      %get3A_1085 = vector.shape_cast %get3A_1084 : vector<1x1x16xf32> to vector<16xf32>
      %sub3A_1086 = arith.subf %get3A_1079, %get3A_1085 : vector<16xf32>
      %swap3A_1087 = arith.constant 0 : i32
      %swap3A_1088 = arith.index_cast %swap3A_1087 : i32 to index
      %swap3A_1089 = arith.index_cast %scan3A_976 : i32 to index
      %swap3A_1090 = arith.constant 80 : index
      %swap3A_1091 = tpu.vector_load %arg12[%swap3A_1088, %swap3A_1089, %swap3A_1090] {strides = array<i32>} : memref<6x64x128xf32, #tpu.memory_space<vmem>>, vector<1x1x16xf32>,
      %swap3A_1092 = vector.shape_cast %swap3A_1091 : vector<1x1x16xf32> to vector<16xf32>
      %swap3A_1093 = vector.shape_cast %sub3A_1086 : vector<16xf32> to vector<1x1x16xf32>
      tpu.vector_store %arg12[%swap3A_1088, %swap3A_1089, %swap3A_1090], %swap3A_1093 {strides = array<i32>} : memref<6x64x128xf32, #tpu.memory_space<vmem>>, vector<1x1x16xf32>,
      %get3A_1094 = arith.constant 0 : i32
      %get3A_1095 = arith.index_cast %get3A_1094 : i32 to index
      %get3A_1096 = arith.index_cast %scan3A_976 : i32 to index
      %get3A_1097 = arith.constant 96 : index
      %get3A_1098 = tpu.vector_load %arg11[%get3A_1095, %get3A_1096, %get3A_1097] {strides = array<i32>} : memref<6x64x128xf32, #tpu.memory_space<vmem>>, vector<1x1x16xf32>,
      %get3A_1099 = vector.shape_cast %get3A_1098 : vector<1x1x16xf32> to vector<16xf32>
      %get3A_1100 = arith.constant 0 : i32
      %get3A_1101 = arith.index_cast %get3A_1100 : i32 to index
      %get3A_1102 = arith.index_cast %scan3A_976 : i32 to index
      %get3A_1103 = arith.constant 96 : index
      %get3A_1104 = tpu.vector_load %arg12[%get3A_1101, %get3A_1102, %get3A_1103] {strides = array<i32>} : memref<6x64x128xf32, #tpu.memory_space<vmem>>, vector<1x1x16xf32>,
      %get3A_1105 = vector.shape_cast %get3A_1104 : vector<1x1x16xf32> to vector<16xf32>
      %sub3A_1106 = arith.subf %get3A_1099, %get3A_1105 : vector<16xf32>
      %swap3A_1107 = arith.constant 0 : i32
      %swap3A_1108 = arith.index_cast %swap3A_1107 : i32 to index
      %swap3A_1109 = arith.index_cast %scan3A_976 : i32 to index
      %swap3A_1110 = arith.constant 96 : index
      %swap3A_1111 = tpu.vector_load %arg12[%swap3A_1108, %swap3A_1109, %swap3A_1110] {strides = array<i32>} : memref<6x64x128xf32, #tpu.memory_space<vmem>>, vector<1x1x16xf32>,
      %swap3A_1112 = vector.shape_cast %swap3A_1111 : vector<1x1x16xf32> to vector<16xf32>
      %swap3A_1113 = vector.shape_cast %sub3A_1106 : vector<16xf32> to vector<1x1x16xf32>
      tpu.vector_store %arg12[%swap3A_1108, %swap3A_1109, %swap3A_1110], %swap3A_1113 {strides = array<i32>} : memref<6x64x128xf32, #tpu.memory_space<vmem>>, vector<1x1x16xf32>,
      %get3A_1114 = arith.constant 0 : i32
      %get3A_1115 = arith.index_cast %get3A_1114 : i32 to index
      %get3A_1116 = arith.index_cast %scan3A_976 : i32 to index
      %get3A_1117 = arith.constant 112 : index
      %get3A_1118 = tpu.vector_load %arg11[%get3A_1115, %get3A_1116, %get3A_1117] {strides = array<i32>} : memref<6x64x128xf32, #tpu.memory_space<vmem>>, vector<1x1x16xf32>,
      %get3A_1119 = vector.shape_cast %get3A_1118 : vector<1x1x16xf32> to vector<16xf32>
      %get3A_1120 = arith.constant 0 : i32
      %get3A_1121 = arith.index_cast %get3A_1120 : i32 to index
      %get3A_1122 = arith.index_cast %scan3A_976 : i32 to index
      %get3A_1123 = arith.constant 112 : index
      %get3A_1124 = tpu.vector_load %arg12[%get3A_1121, %get3A_1122, %get3A_1123] {strides = array<i32>} : memref<6x64x128xf32, #tpu.memory_space<vmem>>, vector<1x1x16xf32>,
      %get3A_1125 = vector.shape_cast %get3A_1124 : vector<1x1x16xf32> to vector<16xf32>
      %sub3A_1126 = arith.subf %get3A_1119, %get3A_1125 : vector<16xf32>
      %swap3A_1127 = arith.constant 0 : i32
      %swap3A_1128 = arith.index_cast %swap3A_1127 : i32 to index
      %swap3A_1129 = arith.index_cast %scan3A_976 : i32 to index
      %swap3A_1130 = arith.constant 112 : index
      %swap3A_1131 = tpu.vector_load %arg12[%swap3A_1128, %swap3A_1129, %swap3A_1130] {strides = array<i32>} : memref<6x64x128xf32, #tpu.memory_space<vmem>>, vector<1x1x16xf32>,
      %swap3A_1132 = vector.shape_cast %swap3A_1131 : vector<1x1x16xf32> to vector<16xf32>
      %swap3A_1133 = vector.shape_cast %sub3A_1126 : vector<16xf32> to vector<1x1x16xf32>
      tpu.vector_store %arg12[%swap3A_1128, %swap3A_1129, %swap3A_1130], %swap3A_1133 {strides = array<i32>} : memref<6x64x128xf32, #tpu.memory_space<vmem>>, vector<1x1x16xf32>,
    }
    %scan3A_245 = arith.constant 64 : i32
    %add3A_246 = arith.constant 0 : i32
    %add3A_247 = arith.addi %mul3A_2, %add3A_246 : i32
    %dma_start3A_248 = arith.constant 0 : i32
    %dma_start3A_249 = arith.constant 0 : i32
    %dma_start3A_250 = arith.constant 0 : i32
    %dma_start3A_251 = arith.constant 0 : i32
    %dma_start3A_252 = tpu.memref_slice %arg12[%dma_start3A_248, %dma_start3A_250, %dma_start3A_251] : memref<6x64x128xf32, #tpu.memory_space<vmem>> -> memref<1x64x128xf32, #tpu.memory_space<vmem>>
    %dma_start3A_253 = tpu.memref_squeeze %dma_start3A_252 : memref<1x64x128xf32, #tpu.memory_space<vmem>> -> memref<64x128xf32, #tpu.memory_space<vmem>>
    %dma_start3A_254 = arith.constant 0 : i32
    %dma_start3A_255 = tpu.memref_slice %arg7[%add3A_247, %dma_start3A_254] : memref<16384x128xf32, #tpu.memory_space<hbm>> -> memref<64x128xf32, #tpu.memory_space<hbm>>
    %dma_start3A_256 = tpu.memref_slice %arg17[%dma_start3A_249] : memref<6x!tpu.dma_semaphore, #tpu.memory_space<semaphore_mem>> -> memref<1x!tpu.dma_semaphore, #tpu.memory_space<semaphore_mem>>
    %dma_start3A_257 = tpu.memref_squeeze %dma_start3A_256 : memref<1x!tpu.dma_semaphore, #tpu.memory_space<semaphore_mem>> -> memref<!tpu.dma_semaphore, #tpu.memory_space<semaphore_mem>>
    %dma_start3A_258 = arith.constant 0 : i32
    %dma_start3A_259 = tpu.memref_slice %arg7[%add3A_247, %dma_start3A_258] : memref<16384x128xf32, #tpu.memory_space<hbm>> -> memref<64x128xf32, #tpu.memory_space<hbm>>
    %dma_start3A_260 = arith.constant 0 : i32
    %dma_start3A_261 = arith.constant 0 : i32
    %dma_start3A_262 = tpu.memref_slice %arg12[%dma_start3A_248, %dma_start3A_260, %dma_start3A_261] : memref<6x64x128xf32, #tpu.memory_space<vmem>> -> memref<1x64x128xf32, #tpu.memory_space<vmem>>
    %dma_start3A_263 = tpu.memref_squeeze %dma_start3A_262 : memref<1x64x128xf32, #tpu.memory_space<vmem>> -> memref<64x128xf32, #tpu.memory_space<vmem>>
    tpu.enqueue_dma source(%dma_start3A_263 : memref<64x128xf32, #tpu.memory_space<vmem>>) target(%dma_start3A_259 : memref<64x128xf32, #tpu.memory_space<hbm>>) target_semaphore(%dma_start3A_257 : memref<!tpu.dma_semaphore, #tpu.memory_space<semaphore_mem>>)
    %dma_start3A_264 = arith.constant 5 : i32
    %dma_start3A_265 = arith.constant 5 : i32
    %dma_start3A_266 = arith.constant 0 : i32
    %dma_start3A_267 = arith.constant 0 : i32
    %dma_start3A_268 = tpu.memref_slice %arg11[%dma_start3A_264, %dma_start3A_266, %dma_start3A_267] : memref<6x64x128xf32, #tpu.memory_space<vmem>> -> memref<1x64x128xf32, #tpu.memory_space<vmem>>
    %dma_start3A_269 = tpu.memref_squeeze %dma_start3A_268 : memref<1x64x128xf32, #tpu.memory_space<vmem>> -> memref<64x128xf32, #tpu.memory_space<vmem>>
    %dma_start3A_270 = arith.constant 320 : i32
    %dma_start3A_271 = tpu.memref_slice %arg8[%dma_start3A_270] : memref<512xi32, #tpu.memory_space<vmem>> -> memref<64xi32, #tpu.memory_space<vmem>>
    %dma_start3A_272 = arith.constant 0 : i32
    %dma_start3A_273 = arith.constant 0 : i32
    %dma_start3A_274 = tpu.memref_slice %arg5[%dma_start3A_272, %dma_start3A_273] : memref<100000x128xf32, #tpu.memory_space<hbm>> -> memref<100000x128xf32, #tpu.memory_space<hbm>>
    %dma_start3A_275 = tpu.memref_slice %arg14[%dma_start3A_265] : memref<6x!tpu.dma_semaphore, #tpu.memory_space<semaphore_mem>> -> memref<1x!tpu.dma_semaphore, #tpu.memory_space<semaphore_mem>>
    %dma_start3A_276 = tpu.memref_squeeze %dma_start3A_275 : memref<1x!tpu.dma_semaphore, #tpu.memory_space<semaphore_mem>> -> memref<!tpu.dma_semaphore, #tpu.memory_space<semaphore_mem>>
    tpu.enqueue_indirect_dma source(%dma_start3A_274 : memref<100000x128xf32, #tpu.memory_space<hbm>>) target(%dma_start3A_269 : memref<64x128xf32, #tpu.memory_space<vmem>>) offsets(%dma_start3A_271 : memref<64xi32, #tpu.memory_space<vmem>>) semaphore(%dma_start3A_276 : memref<!tpu.dma_semaphore, #tpu.memory_space<semaphore_mem>>)
    %dma_start3A_277 = arith.constant 5 : i32
    %dma_start3A_278 = arith.constant 5 : i32
    %dma_start3A_279 = arith.constant 0 : i32
    %dma_start3A_280 = arith.constant 0 : i32
    %dma_start3A_281 = tpu.memref_slice %arg12[%dma_start3A_277, %dma_start3A_279, %dma_start3A_280] : memref<6x64x128xf32, #tpu.memory_space<vmem>> -> memref<1x64x128xf32, #tpu.memory_space<vmem>>
    %dma_start3A_282 = tpu.memref_squeeze %dma_start3A_281 : memref<1x64x128xf32, #tpu.memory_space<vmem>> -> memref<64x128xf32, #tpu.memory_space<vmem>>
    %dma_start3A_283 = arith.constant 320 : i32
    %dma_start3A_284 = tpu.memref_slice %arg10[%dma_start3A_283] : memref<512xi32, #tpu.memory_space<vmem>> -> memref<64xi32, #tpu.memory_space<vmem>>
    %dma_start3A_285 = arith.constant 0 : i32
    %dma_start3A_286 = arith.constant 0 : i32
    %dma_start3A_287 = tpu.memref_slice %arg5[%dma_start3A_285, %dma_start3A_286] : memref<100000x128xf32, #tpu.memory_space<hbm>> -> memref<100000x128xf32, #tpu.memory_space<hbm>>
    %dma_start3A_288 = tpu.memref_slice %arg16[%dma_start3A_278] : memref<6x!tpu.dma_semaphore, #tpu.memory_space<semaphore_mem>> -> memref<1x!tpu.dma_semaphore, #tpu.memory_space<semaphore_mem>>
    %dma_start3A_289 = tpu.memref_squeeze %dma_start3A_288 : memref<1x!tpu.dma_semaphore, #tpu.memory_space<semaphore_mem>> -> memref<!tpu.dma_semaphore, #tpu.memory_space<semaphore_mem>>
    tpu.enqueue_indirect_dma source(%dma_start3A_287 : memref<100000x128xf32, #tpu.memory_space<hbm>>) target(%dma_start3A_282 : memref<64x128xf32, #tpu.memory_space<vmem>>) offsets(%dma_start3A_284 : memref<64xi32, #tpu.memory_space<vmem>>) semaphore(%dma_start3A_289 : memref<!tpu.dma_semaphore, #tpu.memory_space<semaphore_mem>>)
    %dma_wait3A_290 = arith.constant 2 : i32
    %dma_wait3A_291 = arith.constant 2 : i32
    %dma_wait3A_292 = arith.constant 0 : i32
    %dma_wait3A_293 = arith.constant 0 : i32
    %dma_wait3A_294 = tpu.memref_slice %arg11[%dma_wait3A_290, %dma_wait3A_292, %dma_wait3A_293] : memref<6x64x128xf32, #tpu.memory_space<vmem>> -> memref<1x64x128xf32, #tpu.memory_space<vmem>>
    %dma_wait3A_295 = tpu.memref_squeeze %dma_wait3A_294 : memref<1x64x128xf32, #tpu.memory_space<vmem>> -> memref<64x128xf32, #tpu.memory_space<vmem>>
    %dma_wait3A_296 = arith.constant 128 : i32
    %dma_wait3A_297 = tpu.memref_slice %arg8[%dma_wait3A_296] : memref<512xi32, #tpu.memory_space<vmem>> -> memref<64xi32, #tpu.memory_space<vmem>>
    %dma_wait3A_298 = arith.constant 0 : i32
    %dma_wait3A_299 = arith.constant 0 : i32
    %dma_wait3A_300 = tpu.memref_slice %arg5[%dma_wait3A_298, %dma_wait3A_299] : memref<100000x128xf32, #tpu.memory_space<hbm>> -> memref<100000x128xf32, #tpu.memory_space<hbm>>
    %dma_wait3A_301 = tpu.memref_slice %arg14[%dma_wait3A_291] : memref<6x!tpu.dma_semaphore, #tpu.memory_space<semaphore_mem>> -> memref<1x!tpu.dma_semaphore, #tpu.memory_space<semaphore_mem>>
    %dma_wait3A_302 = tpu.memref_squeeze %dma_wait3A_301 : memref<1x!tpu.dma_semaphore, #tpu.memory_space<semaphore_mem>> -> memref<!tpu.dma_semaphore, #tpu.memory_space<semaphore_mem>>
    tpu.wait_indirect_dma semaphore(%dma_wait3A_302 : memref<!tpu.dma_semaphore, #tpu.memory_space<semaphore_mem>>) src(%dma_wait3A_300 : memref<100000x128xf32, #tpu.memory_space<hbm>>) dst(%dma_wait3A_295 : memref<64x128xf32, #tpu.memory_space<vmem>>)
    %dma_start3A_303 = arith.constant 2 : i32
    %dma_start3A_304 = arith.constant 2 : i32
    %dma_start3A_305 = arith.constant 0 : i32
    %dma_start3A_306 = arith.constant 0 : i32
    %dma_start3A_307 = tpu.memref_slice %arg11[%dma_start3A_303, %dma_start3A_305, %dma_start3A_306] : memref<6x64x128xf32, #tpu.memory_space<vmem>> -> memref<1x64x128xf32, #tpu.memory_space<vmem>>
    %dma_start3A_308 = tpu.memref_squeeze %dma_start3A_307 : memref<1x64x128xf32, #tpu.memory_space<vmem>> -> memref<64x128xf32, #tpu.memory_space<vmem>>
    %dma_start3A_309 = arith.constant 128 : i32
    %dma_start3A_310 = tpu.memref_slice %arg9[%dma_start3A_309] : memref<512xi32, #tpu.memory_space<vmem>> -> memref<64xi32, #tpu.memory_space<vmem>>
    %dma_start3A_311 = arith.constant 0 : i32
    %dma_start3A_312 = arith.constant 0 : i32
    %dma_start3A_313 = tpu.memref_slice %arg13[%dma_start3A_311, %dma_start3A_312] : memref<1000x128xf32, #tpu.memory_space<vmem_shared>> -> memref<1000x128xf32, #tpu.memory_space<vmem_shared>>
    %dma_start3A_314 = tpu.memref_slice %arg15[%dma_start3A_304] : memref<6x!tpu.dma_semaphore, #tpu.memory_space<semaphore_mem>> -> memref<1x!tpu.dma_semaphore, #tpu.memory_space<semaphore_mem>>
    %dma_start3A_315 = tpu.memref_squeeze %dma_start3A_314 : memref<1x!tpu.dma_semaphore, #tpu.memory_space<semaphore_mem>> -> memref<!tpu.dma_semaphore, #tpu.memory_space<semaphore_mem>>
    tpu.enqueue_indirect_dma source(%dma_start3A_313 : memref<1000x128xf32, #tpu.memory_space<vmem_shared>>) target(%dma_start3A_308 : memref<64x128xf32, #tpu.memory_space<vmem>>) offsets(%dma_start3A_310 : memref<64xi32, #tpu.memory_space<vmem>>) semaphore(%dma_start3A_315 : memref<!tpu.dma_semaphore, #tpu.memory_space<semaphore_mem>>) {add = true}
    %dma_wait3A_316 = arith.constant 1 : i32
    %dma_wait3A_317 = arith.constant 1 : i32
    %dma_wait3A_318 = arith.constant 0 : i32
    %dma_wait3A_319 = arith.constant 0 : i32
    %dma_wait3A_320 = tpu.memref_slice %arg11[%dma_wait3A_316, %dma_wait3A_318, %dma_wait3A_319] : memref<6x64x128xf32, #tpu.memory_space<vmem>> -> memref<1x64x128xf32, #tpu.memory_space<vmem>>
    %dma_wait3A_321 = tpu.memref_squeeze %dma_wait3A_320 : memref<1x64x128xf32, #tpu.memory_space<vmem>> -> memref<64x128xf32, #tpu.memory_space<vmem>>
    %dma_wait3A_322 = arith.constant 64 : i32
    %dma_wait3A_323 = tpu.memref_slice %arg9[%dma_wait3A_322] : memref<512xi32, #tpu.memory_space<vmem>> -> memref<64xi32, #tpu.memory_space<vmem>>
    %dma_wait3A_324 = arith.constant 0 : i32
    %dma_wait3A_325 = arith.constant 0 : i32
    %dma_wait3A_326 = tpu.memref_slice %arg13[%dma_wait3A_324, %dma_wait3A_325] : memref<1000x128xf32, #tpu.memory_space<vmem_shared>> -> memref<1000x128xf32, #tpu.memory_space<vmem_shared>>
    %dma_wait3A_327 = tpu.memref_slice %arg15[%dma_wait3A_317] : memref<6x!tpu.dma_semaphore, #tpu.memory_space<semaphore_mem>> -> memref<1x!tpu.dma_semaphore, #tpu.memory_space<semaphore_mem>>
    %dma_wait3A_328 = tpu.memref_squeeze %dma_wait3A_327 : memref<1x!tpu.dma_semaphore, #tpu.memory_space<semaphore_mem>> -> memref<!tpu.dma_semaphore, #tpu.memory_space<semaphore_mem>>
    tpu.wait_indirect_dma semaphore(%dma_wait3A_328 : memref<!tpu.dma_semaphore, #tpu.memory_space<semaphore_mem>>) src(%dma_wait3A_326 : memref<1000x128xf32, #tpu.memory_space<vmem_shared>>) dst(%dma_wait3A_321 : memref<64x128xf32, #tpu.memory_space<vmem>>)
    %dma_wait3A_329 = arith.constant 1 : i32
    %dma_wait3A_330 = arith.constant 1 : i32
    %dma_wait3A_331 = arith.constant 0 : i32
    %dma_wait3A_332 = arith.constant 0 : i32
    %dma_wait3A_333 = tpu.memref_slice %arg12[%dma_wait3A_329, %dma_wait3A_331, %dma_wait3A_332] : memref<6x64x128xf32, #tpu.memory_space<vmem>> -> memref<1x64x128xf32, #tpu.memory_space<vmem>>
    %dma_wait3A_334 = tpu.memref_squeeze %dma_wait3A_333 : memref<1x64x128xf32, #tpu.memory_space<vmem>> -> memref<64x128xf32, #tpu.memory_space<vmem>>
    %dma_wait3A_335 = arith.constant 64 : i32
    %dma_wait3A_336 = tpu.memref_slice %arg10[%dma_wait3A_335] : memref<512xi32, #tpu.memory_space<vmem>> -> memref<64xi32, #tpu.memory_space<vmem>>
    %dma_wait3A_337 = arith.constant 0 : i32
    %dma_wait3A_338 = arith.constant 0 : i32
    %dma_wait3A_339 = tpu.memref_slice %arg5[%dma_wait3A_337, %dma_wait3A_338] : memref<100000x128xf32, #tpu.memory_space<hbm>> -> memref<100000x128xf32, #tpu.memory_space<hbm>>
    %dma_wait3A_340 = tpu.memref_slice %arg16[%dma_wait3A_330] : memref<6x!tpu.dma_semaphore, #tpu.memory_space<semaphore_mem>> -> memref<1x!tpu.dma_semaphore, #tpu.memory_space<semaphore_mem>>
    %dma_wait3A_341 = tpu.memref_squeeze %dma_wait3A_340 : memref<1x!tpu.dma_semaphore, #tpu.memory_space<semaphore_mem>> -> memref<!tpu.dma_semaphore, #tpu.memory_space<semaphore_mem>>
    tpu.wait_indirect_dma semaphore(%dma_wait3A_341 : memref<!tpu.dma_semaphore, #tpu.memory_space<semaphore_mem>>) src(%dma_wait3A_339 : memref<100000x128xf32, #tpu.memory_space<hbm>>) dst(%dma_wait3A_334 : memref<64x128xf32, #tpu.memory_space<vmem>>)
    %scan3A_342 = arith.constant 0 : i32
    %scan3A_343 = arith.constant 0 : i32
    %scan3A_344 = arith.constant 64 : i32
    %scan3A_345 = arith.addi %scan3A_343, %scan3A_344 : i32
    %scan3A_346 = arith.constant 1 : i32
    scf.for %scan3A_976 = %scan3A_343 to %scan3A_345 step %scan3A_346  : i32 {
      %get3A = arith.constant 1 : i32
      %get3A_977 = arith.index_cast %get3A : i32 to index
      %get3A_978 = arith.index_cast %scan3A_976 : i32 to index
      %get3A_979 = arith.constant 0 : index
      %get3A_980 = tpu.vector_load %arg11[%get3A_977, %get3A_978, %get3A_979] {strides = array<i32>} : memref<6x64x128xf32, #tpu.memory_space<vmem>>, vector<1x1x16xf32>,
      %get3A_981 = vector.shape_cast %get3A_980 : vector<1x1x16xf32> to vector<16xf32>
      %get3A_982 = arith.constant 1 : i32
      %get3A_983 = arith.index_cast %get3A_982 : i32 to index
      %get3A_984 = arith.index_cast %scan3A_976 : i32 to index
      %get3A_985 = arith.constant 0 : index
      %get3A_986 = tpu.vector_load %arg12[%get3A_983, %get3A_984, %get3A_985] {strides = array<i32>} : memref<6x64x128xf32, #tpu.memory_space<vmem>>, vector<1x1x16xf32>,
      %get3A_987 = vector.shape_cast %get3A_986 : vector<1x1x16xf32> to vector<16xf32>
      %sub3A = arith.subf %get3A_981, %get3A_987 : vector<16xf32>
      %swap3A = arith.constant 1 : i32
      %swap3A_988 = arith.index_cast %swap3A : i32 to index
      %swap3A_989 = arith.index_cast %scan3A_976 : i32 to index
      %swap3A_990 = arith.constant 0 : index
      %swap3A_991 = tpu.vector_load %arg12[%swap3A_988, %swap3A_989, %swap3A_990] {strides = array<i32>} : memref<6x64x128xf32, #tpu.memory_space<vmem>>, vector<1x1x16xf32>,
      %swap3A_992 = vector.shape_cast %swap3A_991 : vector<1x1x16xf32> to vector<16xf32>
      %swap3A_993 = vector.shape_cast %sub3A : vector<16xf32> to vector<1x1x16xf32>
      tpu.vector_store %arg12[%swap3A_988, %swap3A_989, %swap3A_990], %swap3A_993 {strides = array<i32>} : memref<6x64x128xf32, #tpu.memory_space<vmem>>, vector<1x1x16xf32>,
      %get3A_994 = arith.constant 1 : i32
      %get3A_995 = arith.index_cast %get3A_994 : i32 to index
      %get3A_996 = arith.index_cast %scan3A_976 : i32 to index
      %get3A_997 = arith.constant 16 : index
      %get3A_998 = tpu.vector_load %arg11[%get3A_995, %get3A_996, %get3A_997] {strides = array<i32>} : memref<6x64x128xf32, #tpu.memory_space<vmem>>, vector<1x1x16xf32>,
      %get3A_999 = vector.shape_cast %get3A_998 : vector<1x1x16xf32> to vector<16xf32>
      %get3A_1000 = arith.constant 1 : i32
      %get3A_1001 = arith.index_cast %get3A_1000 : i32 to index
      %get3A_1002 = arith.index_cast %scan3A_976 : i32 to index
      %get3A_1003 = arith.constant 16 : index
      %get3A_1004 = tpu.vector_load %arg12[%get3A_1001, %get3A_1002, %get3A_1003] {strides = array<i32>} : memref<6x64x128xf32, #tpu.memory_space<vmem>>, vector<1x1x16xf32>,
      %get3A_1005 = vector.shape_cast %get3A_1004 : vector<1x1x16xf32> to vector<16xf32>
      %sub3A_1006 = arith.subf %get3A_999, %get3A_1005 : vector<16xf32>
      %swap3A_1007 = arith.constant 1 : i32
      %swap3A_1008 = arith.index_cast %swap3A_1007 : i32 to index
      %swap3A_1009 = arith.index_cast %scan3A_976 : i32 to index
      %swap3A_1010 = arith.constant 16 : index
      %swap3A_1011 = tpu.vector_load %arg12[%swap3A_1008, %swap3A_1009, %swap3A_1010] {strides = array<i32>} : memref<6x64x128xf32, #tpu.memory_space<vmem>>, vector<1x1x16xf32>,
      %swap3A_1012 = vector.shape_cast %swap3A_1011 : vector<1x1x16xf32> to vector<16xf32>
      %swap3A_1013 = vector.shape_cast %sub3A_1006 : vector<16xf32> to vector<1x1x16xf32>
      tpu.vector_store %arg12[%swap3A_1008, %swap3A_1009, %swap3A_1010], %swap3A_1013 {strides = array<i32>} : memref<6x64x128xf32, #tpu.memory_space<vmem>>, vector<1x1x16xf32>,
      %get3A_1014 = arith.constant 1 : i32
      %get3A_1015 = arith.index_cast %get3A_1014 : i32 to index
      %get3A_1016 = arith.index_cast %scan3A_976 : i32 to index
      %get3A_1017 = arith.constant 32 : index
      %get3A_1018 = tpu.vector_load %arg11[%get3A_1015, %get3A_1016, %get3A_1017] {strides = array<i32>} : memref<6x64x128xf32, #tpu.memory_space<vmem>>, vector<1x1x16xf32>,
      %get3A_1019 = vector.shape_cast %get3A_1018 : vector<1x1x16xf32> to vector<16xf32>
      %get3A_1020 = arith.constant 1 : i32
      %get3A_1021 = arith.index_cast %get3A_1020 : i32 to index
      %get3A_1022 = arith.index_cast %scan3A_976 : i32 to index
      %get3A_1023 = arith.constant 32 : index
      %get3A_1024 = tpu.vector_load %arg12[%get3A_1021, %get3A_1022, %get3A_1023] {strides = array<i32>} : memref<6x64x128xf32, #tpu.memory_space<vmem>>, vector<1x1x16xf32>,
      %get3A_1025 = vector.shape_cast %get3A_1024 : vector<1x1x16xf32> to vector<16xf32>
      %sub3A_1026 = arith.subf %get3A_1019, %get3A_1025 : vector<16xf32>
      %swap3A_1027 = arith.constant 1 : i32
      %swap3A_1028 = arith.index_cast %swap3A_1027 : i32 to index
      %swap3A_1029 = arith.index_cast %scan3A_976 : i32 to index
      %swap3A_1030 = arith.constant 32 : index
      %swap3A_1031 = tpu.vector_load %arg12[%swap3A_1028, %swap3A_1029, %swap3A_1030] {strides = array<i32>} : memref<6x64x128xf32, #tpu.memory_space<vmem>>, vector<1x1x16xf32>,
      %swap3A_1032 = vector.shape_cast %swap3A_1031 : vector<1x1x16xf32> to vector<16xf32>
      %swap3A_1033 = vector.shape_cast %sub3A_1026 : vector<16xf32> to vector<1x1x16xf32>
      tpu.vector_store %arg12[%swap3A_1028, %swap3A_1029, %swap3A_1030], %swap3A_1033 {strides = array<i32>} : memref<6x64x128xf32, #tpu.memory_space<vmem>>, vector<1x1x16xf32>,
      %get3A_1034 = arith.constant 1 : i32
      %get3A_1035 = arith.index_cast %get3A_1034 : i32 to index
      %get3A_1036 = arith.index_cast %scan3A_976 : i32 to index
      %get3A_1037 = arith.constant 48 : index
      %get3A_1038 = tpu.vector_load %arg11[%get3A_1035, %get3A_1036, %get3A_1037] {strides = array<i32>} : memref<6x64x128xf32, #tpu.memory_space<vmem>>, vector<1x1x16xf32>,
      %get3A_1039 = vector.shape_cast %get3A_1038 : vector<1x1x16xf32> to vector<16xf32>
      %get3A_1040 = arith.constant 1 : i32
      %get3A_1041 = arith.index_cast %get3A_1040 : i32 to index
      %get3A_1042 = arith.index_cast %scan3A_976 : i32 to index
      %get3A_1043 = arith.constant 48 : index
      %get3A_1044 = tpu.vector_load %arg12[%get3A_1041, %get3A_1042, %get3A_1043] {strides = array<i32>} : memref<6x64x128xf32, #tpu.memory_space<vmem>>, vector<1x1x16xf32>,
      %get3A_1045 = vector.shape_cast %get3A_1044 : vector<1x1x16xf32> to vector<16xf32>
      %sub3A_1046 = arith.subf %get3A_1039, %get3A_1045 : vector<16xf32>
      %swap3A_1047 = arith.constant 1 : i32
      %swap3A_1048 = arith.index_cast %swap3A_1047 : i32 to index
      %swap3A_1049 = arith.index_cast %scan3A_976 : i32 to index
      %swap3A_1050 = arith.constant 48 : index
      %swap3A_1051 = tpu.vector_load %arg12[%swap3A_1048, %swap3A_1049, %swap3A_1050] {strides = array<i32>} : memref<6x64x128xf32, #tpu.memory_space<vmem>>, vector<1x1x16xf32>,
      %swap3A_1052 = vector.shape_cast %swap3A_1051 : vector<1x1x16xf32> to vector<16xf32>
      %swap3A_1053 = vector.shape_cast %sub3A_1046 : vector<16xf32> to vector<1x1x16xf32>
      tpu.vector_store %arg12[%swap3A_1048, %swap3A_1049, %swap3A_1050], %swap3A_1053 {strides = array<i32>} : memref<6x64x128xf32, #tpu.memory_space<vmem>>, vector<1x1x16xf32>,
      %get3A_1054 = arith.constant 1 : i32
      %get3A_1055 = arith.index_cast %get3A_1054 : i32 to index
      %get3A_1056 = arith.index_cast %scan3A_976 : i32 to index
      %get3A_1057 = arith.constant 64 : index
      %get3A_1058 = tpu.vector_load %arg11[%get3A_1055, %get3A_1056, %get3A_1057] {strides = array<i32>} : memref<6x64x128xf32, #tpu.memory_space<vmem>>, vector<1x1x16xf32>,
      %get3A_1059 = vector.shape_cast %get3A_1058 : vector<1x1x16xf32> to vector<16xf32>
      %get3A_1060 = arith.constant 1 : i32
      %get3A_1061 = arith.index_cast %get3A_1060 : i32 to index
      %get3A_1062 = arith.index_cast %scan3A_976 : i32 to index
      %get3A_1063 = arith.constant 64 : index
      %get3A_1064 = tpu.vector_load %arg12[%get3A_1061, %get3A_1062, %get3A_1063] {strides = array<i32>} : memref<6x64x128xf32, #tpu.memory_space<vmem>>, vector<1x1x16xf32>,
      %get3A_1065 = vector.shape_cast %get3A_1064 : vector<1x1x16xf32> to vector<16xf32>
      %sub3A_1066 = arith.subf %get3A_1059, %get3A_1065 : vector<16xf32>
      %swap3A_1067 = arith.constant 1 : i32
      %swap3A_1068 = arith.index_cast %swap3A_1067 : i32 to index
      %swap3A_1069 = arith.index_cast %scan3A_976 : i32 to index
      %swap3A_1070 = arith.constant 64 : index
      %swap3A_1071 = tpu.vector_load %arg12[%swap3A_1068, %swap3A_1069, %swap3A_1070] {strides = array<i32>} : memref<6x64x128xf32, #tpu.memory_space<vmem>>, vector<1x1x16xf32>,
      %swap3A_1072 = vector.shape_cast %swap3A_1071 : vector<1x1x16xf32> to vector<16xf32>
      %swap3A_1073 = vector.shape_cast %sub3A_1066 : vector<16xf32> to vector<1x1x16xf32>
      tpu.vector_store %arg12[%swap3A_1068, %swap3A_1069, %swap3A_1070], %swap3A_1073 {strides = array<i32>} : memref<6x64x128xf32, #tpu.memory_space<vmem>>, vector<1x1x16xf32>,
      %get3A_1074 = arith.constant 1 : i32
      %get3A_1075 = arith.index_cast %get3A_1074 : i32 to index
      %get3A_1076 = arith.index_cast %scan3A_976 : i32 to index
      %get3A_1077 = arith.constant 80 : index
      %get3A_1078 = tpu.vector_load %arg11[%get3A_1075, %get3A_1076, %get3A_1077] {strides = array<i32>} : memref<6x64x128xf32, #tpu.memory_space<vmem>>, vector<1x1x16xf32>,
      %get3A_1079 = vector.shape_cast %get3A_1078 : vector<1x1x16xf32> to vector<16xf32>
      %get3A_1080 = arith.constant 1 : i32
      %get3A_1081 = arith.index_cast %get3A_1080 : i32 to index
      %get3A_1082 = arith.index_cast %scan3A_976 : i32 to index
      %get3A_1083 = arith.constant 80 : index
      %get3A_1084 = tpu.vector_load %arg12[%get3A_1081, %get3A_1082, %get3A_1083] {strides = array<i32>} : memref<6x64x128xf32, #tpu.memory_space<vmem>>, vector<1x1x16xf32>,
      %get3A_1085 = vector.shape_cast %get3A_1084 : vector<1x1x16xf32> to vector<16xf32>
      %sub3A_1086 = arith.subf %get3A_1079, %get3A_1085 : vector<16xf32>
      %swap3A_1087 = arith.constant 1 : i32
      %swap3A_1088 = arith.index_cast %swap3A_1087 : i32 to index
      %swap3A_1089 = arith.index_cast %scan3A_976 : i32 to index
      %swap3A_1090 = arith.constant 80 : index
      %swap3A_1091 = tpu.vector_load %arg12[%swap3A_1088, %swap3A_1089, %swap3A_1090] {strides = array<i32>} : memref<6x64x128xf32, #tpu.memory_space<vmem>>, vector<1x1x16xf32>,
      %swap3A_1092 = vector.shape_cast %swap3A_1091 : vector<1x1x16xf32> to vector<16xf32>
      %swap3A_1093 = vector.shape_cast %sub3A_1086 : vector<16xf32> to vector<1x1x16xf32>
      tpu.vector_store %arg12[%swap3A_1088, %swap3A_1089, %swap3A_1090], %swap3A_1093 {strides = array<i32>} : memref<6x64x128xf32, #tpu.memory_space<vmem>>, vector<1x1x16xf32>,
      %get3A_1094 = arith.constant 1 : i32
      %get3A_1095 = arith.index_cast %get3A_1094 : i32 to index
      %get3A_1096 = arith.index_cast %scan3A_976 : i32 to index
      %get3A_1097 = arith.constant 96 : index
      %get3A_1098 = tpu.vector_load %arg11[%get3A_1095, %get3A_1096, %get3A_1097] {strides = array<i32>} : memref<6x64x128xf32, #tpu.memory_space<vmem>>, vector<1x1x16xf32>,
      %get3A_1099 = vector.shape_cast %get3A_1098 : vector<1x1x16xf32> to vector<16xf32>
      %get3A_1100 = arith.constant 1 : i32
      %get3A_1101 = arith.index_cast %get3A_1100 : i32 to index
      %get3A_1102 = arith.index_cast %scan3A_976 : i32 to index
      %get3A_1103 = arith.constant 96 : index
      %get3A_1104 = tpu.vector_load %arg12[%get3A_1101, %get3A_1102, %get3A_1103] {strides = array<i32>} : memref<6x64x128xf32, #tpu.memory_space<vmem>>, vector<1x1x16xf32>,
      %get3A_1105 = vector.shape_cast %get3A_1104 : vector<1x1x16xf32> to vector<16xf32>
      %sub3A_1106 = arith.subf %get3A_1099, %get3A_1105 : vector<16xf32>
      %swap3A_1107 = arith.constant 1 : i32
      %swap3A_1108 = arith.index_cast %swap3A_1107 : i32 to index
      %swap3A_1109 = arith.index_cast %scan3A_976 : i32 to index
      %swap3A_1110 = arith.constant 96 : index
      %swap3A_1111 = tpu.vector_load %arg12[%swap3A_1108, %swap3A_1109, %swap3A_1110] {strides = array<i32>} : memref<6x64x128xf32, #tpu.memory_space<vmem>>, vector<1x1x16xf32>,
      %swap3A_1112 = vector.shape_cast %swap3A_1111 : vector<1x1x16xf32> to vector<16xf32>
      %swap3A_1113 = vector.shape_cast %sub3A_1106 : vector<16xf32> to vector<1x1x16xf32>
      tpu.vector_store %arg12[%swap3A_1108, %swap3A_1109, %swap3A_1110], %swap3A_1113 {strides = array<i32>} : memref<6x64x128xf32, #tpu.memory_space<vmem>>, vector<1x1x16xf32>,
      %get3A_1114 = arith.constant 1 : i32
      %get3A_1115 = arith.index_cast %get3A_1114 : i32 to index
      %get3A_1116 = arith.index_cast %scan3A_976 : i32 to index
      %get3A_1117 = arith.constant 112 : index
      %get3A_1118 = tpu.vector_load %arg11[%get3A_1115, %get3A_1116, %get3A_1117] {strides = array<i32>} : memref<6x64x128xf32, #tpu.memory_space<vmem>>, vector<1x1x16xf32>,
      %get3A_1119 = vector.shape_cast %get3A_1118 : vector<1x1x16xf32> to vector<16xf32>
      %get3A_1120 = arith.constant 1 : i32
      %get3A_1121 = arith.index_cast %get3A_1120 : i32 to index
      %get3A_1122 = arith.index_cast %scan3A_976 : i32 to index
      %get3A_1123 = arith.constant 112 : index
      %get3A_1124 = tpu.vector_load %arg12[%get3A_1121, %get3A_1122, %get3A_1123] {strides = array<i32>} : memref<6x64x128xf32, #tpu.memory_space<vmem>>, vector<1x1x16xf32>,
      %get3A_1125 = vector.shape_cast %get3A_1124 : vector<1x1x16xf32> to vector<16xf32>
      %sub3A_1126 = arith.subf %get3A_1119, %get3A_1125 : vector<16xf32>
      %swap3A_1127 = arith.constant 1 : i32
      %swap3A_1128 = arith.index_cast %swap3A_1127 : i32 to index
      %swap3A_1129 = arith.index_cast %scan3A_976 : i32 to index
      %swap3A_1130 = arith.constant 112 : index
      %swap3A_1131 = tpu.vector_load %arg12[%swap3A_1128, %swap3A_1129, %swap3A_1130] {strides = array<i32>} : memref<6x64x128xf32, #tpu.memory_space<vmem>>, vector<1x1x16xf32>,
      %swap3A_1132 = vector.shape_cast %swap3A_1131 : vector<1x1x16xf32> to vector<16xf32>
      %swap3A_1133 = vector.shape_cast %sub3A_1126 : vector<16xf32> to vector<1x1x16xf32>
      tpu.vector_store %arg12[%swap3A_1128, %swap3A_1129, %swap3A_1130], %swap3A_1133 {strides = array<i32>} : memref<6x64x128xf32, #tpu.memory_space<vmem>>, vector<1x1x16xf32>,
    }
    %scan3A_347 = arith.constant 64 : i32
    %add3A_348 = arith.constant 64 : i32
    %add3A_349 = arith.addi %mul3A_2, %add3A_348 : i32
    %dma_start3A_350 = arith.constant 1 : i32
    %dma_start3A_351 = arith.constant 1 : i32
    %dma_start3A_352 = arith.constant 0 : i32
    %dma_start3A_353 = arith.constant 0 : i32
    %dma_start3A_354 = tpu.memref_slice %arg12[%dma_start3A_350, %dma_start3A_352, %dma_start3A_353] : memref<6x64x128xf32, #tpu.memory_space<vmem>> -> memref<1x64x128xf32, #tpu.memory_space<vmem>>
    %dma_start3A_355 = tpu.memref_squeeze %dma_start3A_354 : memref<1x64x128xf32, #tpu.memory_space<vmem>> -> memref<64x128xf32, #tpu.memory_space<vmem>>
    %dma_start3A_356 = arith.constant 0 : i32
    %dma_start3A_357 = tpu.memref_slice %arg7[%add3A_349, %dma_start3A_356] : memref<16384x128xf32, #tpu.memory_space<hbm>> -> memref<64x128xf32, #tpu.memory_space<hbm>>
    %dma_start3A_358 = tpu.memref_slice %arg17[%dma_start3A_351] : memref<6x!tpu.dma_semaphore, #tpu.memory_space<semaphore_mem>> -> memref<1x!tpu.dma_semaphore, #tpu.memory_space<semaphore_mem>>
    %dma_start3A_359 = tpu.memref_squeeze %dma_start3A_358 : memref<1x!tpu.dma_semaphore, #tpu.memory_space<semaphore_mem>> -> memref<!tpu.dma_semaphore, #tpu.memory_space<semaphore_mem>>
    %dma_start3A_360 = arith.constant 0 : i32
    %dma_start3A_361 = tpu.memref_slice %arg7[%add3A_349, %dma_start3A_360] : memref<16384x128xf32, #tpu.memory_space<hbm>> -> memref<64x128xf32, #tpu.memory_space<hbm>>
    %dma_start3A_362 = arith.constant 0 : i32
    %dma_start3A_363 = arith.constant 0 : i32
    %dma_start3A_364 = tpu.memref_slice %arg12[%dma_start3A_350, %dma_start3A_362, %dma_start3A_363] : memref<6x64x128xf32, #tpu.memory_space<vmem>> -> memref<1x64x128xf32, #tpu.memory_space<vmem>>
    %dma_start3A_365 = tpu.memref_squeeze %dma_start3A_364 : memref<1x64x128xf32, #tpu.memory_space<vmem>> -> memref<64x128xf32, #tpu.memory_space<vmem>>
    tpu.enqueue_dma source(%dma_start3A_365 : memref<64x128xf32, #tpu.memory_space<vmem>>) target(%dma_start3A_361 : memref<64x128xf32, #tpu.memory_space<hbm>>) target_semaphore(%dma_start3A_359 : memref<!tpu.dma_semaphore, #tpu.memory_space<semaphore_mem>>)
    %dma_wait3A_366 = arith.constant 0 : i32
    %dma_wait3A_367 = arith.constant 0 : i32
    %dma_wait3A_368 = arith.constant 0 : i32
    %dma_wait3A_369 = arith.constant 0 : i32
    %dma_wait3A_370 = tpu.memref_slice %arg12[%dma_wait3A_366, %dma_wait3A_368, %dma_wait3A_369] : memref<6x64x128xf32, #tpu.memory_space<vmem>> -> memref<1x64x128xf32, #tpu.memory_space<vmem>>
    %dma_wait3A_371 = tpu.memref_squeeze %dma_wait3A_370 : memref<1x64x128xf32, #tpu.memory_space<vmem>> -> memref<64x128xf32, #tpu.memory_space<vmem>>
    %dma_wait3A_372 = arith.constant 0 : i32
    %dma_wait3A_373 = tpu.memref_slice %arg7[%add3A_247, %dma_wait3A_372] : memref<16384x128xf32, #tpu.memory_space<hbm>> -> memref<64x128xf32, #tpu.memory_space<hbm>>
    %dma_wait3A_374 = tpu.memref_slice %arg17[%dma_wait3A_367] : memref<6x!tpu.dma_semaphore, #tpu.memory_space<semaphore_mem>> -> memref<1x!tpu.dma_semaphore, #tpu.memory_space<semaphore_mem>>
    %dma_wait3A_375 = tpu.memref_squeeze %dma_wait3A_374 : memref<1x!tpu.dma_semaphore, #tpu.memory_space<semaphore_mem>> -> memref<!tpu.dma_semaphore, #tpu.memory_space<semaphore_mem>>
    %dma_wait3A_376 = arith.constant 0 : i32
    %dma_wait3A_377 = tpu.memref_slice %arg7[%add3A_247, %dma_wait3A_376] : memref<16384x128xf32, #tpu.memory_space<hbm>> -> memref<64x128xf32, #tpu.memory_space<hbm>>
    %dma_wait3A_378 = arith.constant 0 : i32
    %dma_wait3A_379 = arith.constant 0 : i32
    %dma_wait3A_380 = tpu.memref_slice %arg12[%dma_wait3A_366, %dma_wait3A_378, %dma_wait3A_379] : memref<6x64x128xf32, #tpu.memory_space<vmem>> -> memref<1x64x128xf32, #tpu.memory_space<vmem>>
    %dma_wait3A_381 = tpu.memref_squeeze %dma_wait3A_380 : memref<1x64x128xf32, #tpu.memory_space<vmem>> -> memref<64x128xf32, #tpu.memory_space<vmem>>
    tpu.wait_dma2 semaphore(%dma_wait3A_375 : memref<!tpu.dma_semaphore, #tpu.memory_space<semaphore_mem>>) src(%dma_wait3A_381 : memref<64x128xf32, #tpu.memory_space<vmem>>) dst(%dma_wait3A_377 : memref<64x128xf32, #tpu.memory_space<hbm>>)
    %dma_start3A_382 = arith.constant 0 : i32
    %dma_start3A_383 = arith.constant 0 : i32
    %dma_start3A_384 = arith.constant 0 : i32
    %dma_start3A_385 = arith.constant 0 : i32
    %dma_start3A_386 = tpu.memref_slice %arg11[%dma_start3A_382, %dma_start3A_384, %dma_start3A_385] : memref<6x64x128xf32, #tpu.memory_space<vmem>> -> memref<1x64x128xf32, #tpu.memory_space<vmem>>
    %dma_start3A_387 = tpu.memref_squeeze %dma_start3A_386 : memref<1x64x128xf32, #tpu.memory_space<vmem>> -> memref<64x128xf32, #tpu.memory_space<vmem>>
    %dma_start3A_388 = arith.constant 384 : i32
    %dma_start3A_389 = tpu.memref_slice %arg8[%dma_start3A_388] : memref<512xi32, #tpu.memory_space<vmem>> -> memref<64xi32, #tpu.memory_space<vmem>>
    %dma_start3A_390 = arith.constant 0 : i32
    %dma_start3A_391 = arith.constant 0 : i32
    %dma_start3A_392 = tpu.memref_slice %arg5[%dma_start3A_390, %dma_start3A_391] : memref<100000x128xf32, #tpu.memory_space<hbm>> -> memref<100000x128xf32, #tpu.memory_space<hbm>>
    %dma_start3A_393 = tpu.memref_slice %arg14[%dma_start3A_383] : memref<6x!tpu.dma_semaphore, #tpu.memory_space<semaphore_mem>> -> memref<1x!tpu.dma_semaphore, #tpu.memory_space<semaphore_mem>>
    %dma_start3A_394 = tpu.memref_squeeze %dma_start3A_393 : memref<1x!tpu.dma_semaphore, #tpu.memory_space<semaphore_mem>> -> memref<!tpu.dma_semaphore, #tpu.memory_space<semaphore_mem>>
    tpu.enqueue_indirect_dma source(%dma_start3A_392 : memref<100000x128xf32, #tpu.memory_space<hbm>>) target(%dma_start3A_387 : memref<64x128xf32, #tpu.memory_space<vmem>>) offsets(%dma_start3A_389 : memref<64xi32, #tpu.memory_space<vmem>>) semaphore(%dma_start3A_394 : memref<!tpu.dma_semaphore, #tpu.memory_space<semaphore_mem>>)
    %dma_start3A_395 = arith.constant 0 : i32
    %dma_start3A_396 = arith.constant 0 : i32
    %dma_start3A_397 = arith.constant 0 : i32
    %dma_start3A_398 = arith.constant 0 : i32
    %dma_start3A_399 = tpu.memref_slice %arg12[%dma_start3A_395, %dma_start3A_397, %dma_start3A_398] : memref<6x64x128xf32, #tpu.memory_space<vmem>> -> memref<1x64x128xf32, #tpu.memory_space<vmem>>
    %dma_start3A_400 = tpu.memref_squeeze %dma_start3A_399 : memref<1x64x128xf32, #tpu.memory_space<vmem>> -> memref<64x128xf32, #tpu.memory_space<vmem>>
    %dma_start3A_401 = arith.constant 384 : i32
    %dma_start3A_402 = tpu.memref_slice %arg10[%dma_start3A_401] : memref<512xi32, #tpu.memory_space<vmem>> -> memref<64xi32, #tpu.memory_space<vmem>>
    %dma_start3A_403 = arith.constant 0 : i32
    %dma_start3A_404 = arith.constant 0 : i32
    %dma_start3A_405 = tpu.memref_slice %arg5[%dma_start3A_403, %dma_start3A_404] : memref<100000x128xf32, #tpu.memory_space<hbm>> -> memref<100000x128xf32, #tpu.memory_space<hbm>>
    %dma_start3A_406 = tpu.memref_slice %arg16[%dma_start3A_396] : memref<6x!tpu.dma_semaphore, #tpu.memory_space<semaphore_mem>> -> memref<1x!tpu.dma_semaphore, #tpu.memory_space<semaphore_mem>>
    %dma_start3A_407 = tpu.memref_squeeze %dma_start3A_406 : memref<1x!tpu.dma_semaphore, #tpu.memory_space<semaphore_mem>> -> memref<!tpu.dma_semaphore, #tpu.memory_space<semaphore_mem>>
    tpu.enqueue_indirect_dma source(%dma_start3A_405 : memref<100000x128xf32, #tpu.memory_space<hbm>>) target(%dma_start3A_400 : memref<64x128xf32, #tpu.memory_space<vmem>>) offsets(%dma_start3A_402 : memref<64xi32, #tpu.memory_space<vmem>>) semaphore(%dma_start3A_407 : memref<!tpu.dma_semaphore, #tpu.memory_space<semaphore_mem>>)
    %dma_wait3A_408 = arith.constant 3 : i32
    %dma_wait3A_409 = arith.constant 3 : i32
    %dma_wait3A_410 = arith.constant 0 : i32
    %dma_wait3A_411 = arith.constant 0 : i32
    %dma_wait3A_412 = tpu.memref_slice %arg11[%dma_wait3A_408, %dma_wait3A_410, %dma_wait3A_411] : memref<6x64x128xf32, #tpu.memory_space<vmem>> -> memref<1x64x128xf32, #tpu.memory_space<vmem>>
    %dma_wait3A_413 = tpu.memref_squeeze %dma_wait3A_412 : memref<1x64x128xf32, #tpu.memory_space<vmem>> -> memref<64x128xf32, #tpu.memory_space<vmem>>
    %dma_wait3A_414 = arith.constant 192 : i32
    %dma_wait3A_415 = tpu.memref_slice %arg8[%dma_wait3A_414] : memref<512xi32, #tpu.memory_space<vmem>> -> memref<64xi32, #tpu.memory_space<vmem>>
    %dma_wait3A_416 = arith.constant 0 : i32
    %dma_wait3A_417 = arith.constant 0 : i32
    %dma_wait3A_418 = tpu.memref_slice %arg5[%dma_wait3A_416, %dma_wait3A_417] : memref<100000x128xf32, #tpu.memory_space<hbm>> -> memref<100000x128xf32, #tpu.memory_space<hbm>>
    %dma_wait3A_419 = tpu.memref_slice %arg14[%dma_wait3A_409] : memref<6x!tpu.dma_semaphore, #tpu.memory_space<semaphore_mem>> -> memref<1x!tpu.dma_semaphore, #tpu.memory_space<semaphore_mem>>
    %dma_wait3A_420 = tpu.memref_squeeze %dma_wait3A_419 : memref<1x!tpu.dma_semaphore, #tpu.memory_space<semaphore_mem>> -> memref<!tpu.dma_semaphore, #tpu.memory_space<semaphore_mem>>
    tpu.wait_indirect_dma semaphore(%dma_wait3A_420 : memref<!tpu.dma_semaphore, #tpu.memory_space<semaphore_mem>>) src(%dma_wait3A_418 : memref<100000x128xf32, #tpu.memory_space<hbm>>) dst(%dma_wait3A_413 : memref<64x128xf32, #tpu.memory_space<vmem>>)
    %dma_start3A_421 = arith.constant 3 : i32
    %dma_start3A_422 = arith.constant 3 : i32
    %dma_start3A_423 = arith.constant 0 : i32
    %dma_start3A_424 = arith.constant 0 : i32
    %dma_start3A_425 = tpu.memref_slice %arg11[%dma_start3A_421, %dma_start3A_423, %dma_start3A_424] : memref<6x64x128xf32, #tpu.memory_space<vmem>> -> memref<1x64x128xf32, #tpu.memory_space<vmem>>
    %dma_start3A_426 = tpu.memref_squeeze %dma_start3A_425 : memref<1x64x128xf32, #tpu.memory_space<vmem>> -> memref<64x128xf32, #tpu.memory_space<vmem>>
    %dma_start3A_427 = arith.constant 192 : i32
    %dma_start3A_428 = tpu.memref_slice %arg9[%dma_start3A_427] : memref<512xi32, #tpu.memory_space<vmem>> -> memref<64xi32, #tpu.memory_space<vmem>>
    %dma_start3A_429 = arith.constant 0 : i32
    %dma_start3A_430 = arith.constant 0 : i32
    %dma_start3A_431 = tpu.memref_slice %arg13[%dma_start3A_429, %dma_start3A_430] : memref<1000x128xf32, #tpu.memory_space<vmem_shared>> -> memref<1000x128xf32, #tpu.memory_space<vmem_shared>>
    %dma_start3A_432 = tpu.memref_slice %arg15[%dma_start3A_422] : memref<6x!tpu.dma_semaphore, #tpu.memory_space<semaphore_mem>> -> memref<1x!tpu.dma_semaphore, #tpu.memory_space<semaphore_mem>>
    %dma_start3A_433 = tpu.memref_squeeze %dma_start3A_432 : memref<1x!tpu.dma_semaphore, #tpu.memory_space<semaphore_mem>> -> memref<!tpu.dma_semaphore, #tpu.memory_space<semaphore_mem>>
    tpu.enqueue_indirect_dma source(%dma_start3A_431 : memref<1000x128xf32, #tpu.memory_space<vmem_shared>>) target(%dma_start3A_426 : memref<64x128xf32, #tpu.memory_space<vmem>>) offsets(%dma_start3A_428 : memref<64xi32, #tpu.memory_space<vmem>>) semaphore(%dma_start3A_433 : memref<!tpu.dma_semaphore, #tpu.memory_space<semaphore_mem>>) {add = true}
    %dma_wait3A_434 = arith.constant 2 : i32
    %dma_wait3A_435 = arith.constant 2 : i32
    %dma_wait3A_436 = arith.constant 0 : i32
    %dma_wait3A_437 = arith.constant 0 : i32
    %dma_wait3A_438 = tpu.memref_slice %arg11[%dma_wait3A_434, %dma_wait3A_436, %dma_wait3A_437] : memref<6x64x128xf32, #tpu.memory_space<vmem>> -> memref<1x64x128xf32, #tpu.memory_space<vmem>>
    %dma_wait3A_439 = tpu.memref_squeeze %dma_wait3A_438 : memref<1x64x128xf32, #tpu.memory_space<vmem>> -> memref<64x128xf32, #tpu.memory_space<vmem>>
    %dma_wait3A_440 = arith.constant 128 : i32
    %dma_wait3A_441 = tpu.memref_slice %arg9[%dma_wait3A_440] : memref<512xi32, #tpu.memory_space<vmem>> -> memref<64xi32, #tpu.memory_space<vmem>>
    %dma_wait3A_442 = arith.constant 0 : i32
    %dma_wait3A_443 = arith.constant 0 : i32
    %dma_wait3A_444 = tpu.memref_slice %arg13[%dma_wait3A_442, %dma_wait3A_443] : memref<1000x128xf32, #tpu.memory_space<vmem_shared>> -> memref<1000x128xf32, #tpu.memory_space<vmem_shared>>
    %dma_wait3A_445 = tpu.memref_slice %arg15[%dma_wait3A_435] : memref<6x!tpu.dma_semaphore, #tpu.memory_space<semaphore_mem>> -> memref<1x!tpu.dma_semaphore, #tpu.memory_space<semaphore_mem>>
    %dma_wait3A_446 = tpu.memref_squeeze %dma_wait3A_445 : memref<1x!tpu.dma_semaphore, #tpu.memory_space<semaphore_mem>> -> memref<!tpu.dma_semaphore, #tpu.memory_space<semaphore_mem>>
    tpu.wait_indirect_dma semaphore(%dma_wait3A_446 : memref<!tpu.dma_semaphore, #tpu.memory_space<semaphore_mem>>) src(%dma_wait3A_444 : memref<1000x128xf32, #tpu.memory_space<vmem_shared>>) dst(%dma_wait3A_439 : memref<64x128xf32, #tpu.memory_space<vmem>>)
    %dma_wait3A_447 = arith.constant 2 : i32
    %dma_wait3A_448 = arith.constant 2 : i32
    %dma_wait3A_449 = arith.constant 0 : i32
    %dma_wait3A_450 = arith.constant 0 : i32
    %dma_wait3A_451 = tpu.memref_slice %arg12[%dma_wait3A_447, %dma_wait3A_449, %dma_wait3A_450] : memref<6x64x128xf32, #tpu.memory_space<vmem>> -> memref<1x64x128xf32, #tpu.memory_space<vmem>>
    %dma_wait3A_452 = tpu.memref_squeeze %dma_wait3A_451 : memref<1x64x128xf32, #tpu.memory_space<vmem>> -> memref<64x128xf32, #tpu.memory_space<vmem>>
    %dma_wait3A_453 = arith.constant 128 : i32
    %dma_wait3A_454 = tpu.memref_slice %arg10[%dma_wait3A_453] : memref<512xi32, #tpu.memory_space<vmem>> -> memref<64xi32, #tpu.memory_space<vmem>>
    %dma_wait3A_455 = arith.constant 0 : i32
    %dma_wait3A_456 = arith.constant 0 : i32
    %dma_wait3A_457 = tpu.memref_slice %arg5[%dma_wait3A_455, %dma_wait3A_456] : memref<100000x128xf32, #tpu.memory_space<hbm>> -> memref<100000x128xf32, #tpu.memory_space<hbm>>
    %dma_wait3A_458 = tpu.memref_slice %arg16[%dma_wait3A_448] : memref<6x!tpu.dma_semaphore, #tpu.memory_space<semaphore_mem>> -> memref<1x!tpu.dma_semaphore, #tpu.memory_space<semaphore_mem>>
    %dma_wait3A_459 = tpu.memref_squeeze %dma_wait3A_458 : memref<1x!tpu.dma_semaphore, #tpu.memory_space<semaphore_mem>> -> memref<!tpu.dma_semaphore, #tpu.memory_space<semaphore_mem>>
    tpu.wait_indirect_dma semaphore(%dma_wait3A_459 : memref<!tpu.dma_semaphore, #tpu.memory_space<semaphore_mem>>) src(%dma_wait3A_457 : memref<100000x128xf32, #tpu.memory_space<hbm>>) dst(%dma_wait3A_452 : memref<64x128xf32, #tpu.memory_space<vmem>>)
    %scan3A_460 = arith.constant 0 : i32
    %scan3A_461 = arith.constant 0 : i32
    %scan3A_462 = arith.constant 64 : i32
    %scan3A_463 = arith.addi %scan3A_461, %scan3A_462 : i32
    %scan3A_464 = arith.constant 1 : i32
    scf.for %scan3A_976 = %scan3A_461 to %scan3A_463 step %scan3A_464  : i32 {
      %get3A = arith.constant 2 : i32
      %get3A_977 = arith.index_cast %get3A : i32 to index
      %get3A_978 = arith.index_cast %scan3A_976 : i32 to index
      %get3A_979 = arith.constant 0 : index
      %get3A_980 = tpu.vector_load %arg11[%get3A_977, %get3A_978, %get3A_979] {strides = array<i32>} : memref<6x64x128xf32, #tpu.memory_space<vmem>>, vector<1x1x16xf32>,
      %get3A_981 = vector.shape_cast %get3A_980 : vector<1x1x16xf32> to vector<16xf32>
      %get3A_982 = arith.constant 2 : i32
      %get3A_983 = arith.index_cast %get3A_982 : i32 to index
      %get3A_984 = arith.index_cast %scan3A_976 : i32 to index
      %get3A_985 = arith.constant 0 : index
      %get3A_986 = tpu.vector_load %arg12[%get3A_983, %get3A_984, %get3A_985] {strides = array<i32>} : memref<6x64x128xf32, #tpu.memory_space<vmem>>, vector<1x1x16xf32>,
      %get3A_987 = vector.shape_cast %get3A_986 : vector<1x1x16xf32> to vector<16xf32>
      %sub3A = arith.subf %get3A_981, %get3A_987 : vector<16xf32>
      %swap3A = arith.constant 2 : i32
      %swap3A_988 = arith.index_cast %swap3A : i32 to index
      %swap3A_989 = arith.index_cast %scan3A_976 : i32 to index
      %swap3A_990 = arith.constant 0 : index
      %swap3A_991 = tpu.vector_load %arg12[%swap3A_988, %swap3A_989, %swap3A_990] {strides = array<i32>} : memref<6x64x128xf32, #tpu.memory_space<vmem>>, vector<1x1x16xf32>,
      %swap3A_992 = vector.shape_cast %swap3A_991 : vector<1x1x16xf32> to vector<16xf32>
      %swap3A_993 = vector.shape_cast %sub3A : vector<16xf32> to vector<1x1x16xf32>
      tpu.vector_store %arg12[%swap3A_988, %swap3A_989, %swap3A_990], %swap3A_993 {strides = array<i32>} : memref<6x64x128xf32, #tpu.memory_space<vmem>>, vector<1x1x16xf32>,
      %get3A_994 = arith.constant 2 : i32
      %get3A_995 = arith.index_cast %get3A_994 : i32 to index
      %get3A_996 = arith.index_cast %scan3A_976 : i32 to index
      %get3A_997 = arith.constant 16 : index
      %get3A_998 = tpu.vector_load %arg11[%get3A_995, %get3A_996, %get3A_997] {strides = array<i32>} : memref<6x64x128xf32, #tpu.memory_space<vmem>>, vector<1x1x16xf32>,
      %get3A_999 = vector.shape_cast %get3A_998 : vector<1x1x16xf32> to vector<16xf32>
      %get3A_1000 = arith.constant 2 : i32
      %get3A_1001 = arith.index_cast %get3A_1000 : i32 to index
      %get3A_1002 = arith.index_cast %scan3A_976 : i32 to index
      %get3A_1003 = arith.constant 16 : index
      %get3A_1004 = tpu.vector_load %arg12[%get3A_1001, %get3A_1002, %get3A_1003] {strides = array<i32>} : memref<6x64x128xf32, #tpu.memory_space<vmem>>, vector<1x1x16xf32>,
      %get3A_1005 = vector.shape_cast %get3A_1004 : vector<1x1x16xf32> to vector<16xf32>
      %sub3A_1006 = arith.subf %get3A_999, %get3A_1005 : vector<16xf32>
      %swap3A_1007 = arith.constant 2 : i32
      %swap3A_1008 = arith.index_cast %swap3A_1007 : i32 to index
      %swap3A_1009 = arith.index_cast %scan3A_976 : i32 to index
      %swap3A_1010 = arith.constant 16 : index
      %swap3A_1011 = tpu.vector_load %arg12[%swap3A_1008, %swap3A_1009, %swap3A_1010] {strides = array<i32>} : memref<6x64x128xf32, #tpu.memory_space<vmem>>, vector<1x1x16xf32>,
      %swap3A_1012 = vector.shape_cast %swap3A_1011 : vector<1x1x16xf32> to vector<16xf32>
      %swap3A_1013 = vector.shape_cast %sub3A_1006 : vector<16xf32> to vector<1x1x16xf32>
      tpu.vector_store %arg12[%swap3A_1008, %swap3A_1009, %swap3A_1010], %swap3A_1013 {strides = array<i32>} : memref<6x64x128xf32, #tpu.memory_space<vmem>>, vector<1x1x16xf32>,
      %get3A_1014 = arith.constant 2 : i32
      %get3A_1015 = arith.index_cast %get3A_1014 : i32 to index
      %get3A_1016 = arith.index_cast %scan3A_976 : i32 to index
      %get3A_1017 = arith.constant 32 : index
      %get3A_1018 = tpu.vector_load %arg11[%get3A_1015, %get3A_1016, %get3A_1017] {strides = array<i32>} : memref<6x64x128xf32, #tpu.memory_space<vmem>>, vector<1x1x16xf32>,
      %get3A_1019 = vector.shape_cast %get3A_1018 : vector<1x1x16xf32> to vector<16xf32>
      %get3A_1020 = arith.constant 2 : i32
      %get3A_1021 = arith.index_cast %get3A_1020 : i32 to index
      %get3A_1022 = arith.index_cast %scan3A_976 : i32 to index
      %get3A_1023 = arith.constant 32 : index
      %get3A_1024 = tpu.vector_load %arg12[%get3A_1021, %get3A_1022, %get3A_1023] {strides = array<i32>} : memref<6x64x128xf32, #tpu.memory_space<vmem>>, vector<1x1x16xf32>,
      %get3A_1025 = vector.shape_cast %get3A_1024 : vector<1x1x16xf32> to vector<16xf32>
      %sub3A_1026 = arith.subf %get3A_1019, %get3A_1025 : vector<16xf32>
      %swap3A_1027 = arith.constant 2 : i32
      %swap3A_1028 = arith.index_cast %swap3A_1027 : i32 to index
      %swap3A_1029 = arith.index_cast %scan3A_976 : i32 to index
      %swap3A_1030 = arith.constant 32 : index
      %swap3A_1031 = tpu.vector_load %arg12[%swap3A_1028, %swap3A_1029, %swap3A_1030] {strides = array<i32>} : memref<6x64x128xf32, #tpu.memory_space<vmem>>, vector<1x1x16xf32>,
      %swap3A_1032 = vector.shape_cast %swap3A_1031 : vector<1x1x16xf32> to vector<16xf32>
      %swap3A_1033 = vector.shape_cast %sub3A_1026 : vector<16xf32> to vector<1x1x16xf32>
      tpu.vector_store %arg12[%swap3A_1028, %swap3A_1029, %swap3A_1030], %swap3A_1033 {strides = array<i32>} : memref<6x64x128xf32, #tpu.memory_space<vmem>>, vector<1x1x16xf32>,
      %get3A_1034 = arith.constant 2 : i32
      %get3A_1035 = arith.index_cast %get3A_1034 : i32 to index
      %get3A_1036 = arith.index_cast %scan3A_976 : i32 to index
      %get3A_1037 = arith.constant 48 : index
      %get3A_1038 = tpu.vector_load %arg11[%get3A_1035, %get3A_1036, %get3A_1037] {strides = array<i32>} : memref<6x64x128xf32, #tpu.memory_space<vmem>>, vector<1x1x16xf32>,
      %get3A_1039 = vector.shape_cast %get3A_1038 : vector<1x1x16xf32> to vector<16xf32>
      %get3A_1040 = arith.constant 2 : i32
      %get3A_1041 = arith.index_cast %get3A_1040 : i32 to index
      %get3A_1042 = arith.index_cast %scan3A_976 : i32 to index
      %get3A_1043 = arith.constant 48 : index
      %get3A_1044 = tpu.vector_load %arg12[%get3A_1041, %get3A_1042, %get3A_1043] {strides = array<i32>} : memref<6x64x128xf32, #tpu.memory_space<vmem>>, vector<1x1x16xf32>,
      %get3A_1045 = vector.shape_cast %get3A_1044 : vector<1x1x16xf32> to vector<16xf32>
      %sub3A_1046 = arith.subf %get3A_1039, %get3A_1045 : vector<16xf32>
      %swap3A_1047 = arith.constant 2 : i32
      %swap3A_1048 = arith.index_cast %swap3A_1047 : i32 to index
      %swap3A_1049 = arith.index_cast %scan3A_976 : i32 to index
      %swap3A_1050 = arith.constant 48 : index
      %swap3A_1051 = tpu.vector_load %arg12[%swap3A_1048, %swap3A_1049, %swap3A_1050] {strides = array<i32>} : memref<6x64x128xf32, #tpu.memory_space<vmem>>, vector<1x1x16xf32>,
      %swap3A_1052 = vector.shape_cast %swap3A_1051 : vector<1x1x16xf32> to vector<16xf32>
      %swap3A_1053 = vector.shape_cast %sub3A_1046 : vector<16xf32> to vector<1x1x16xf32>
      tpu.vector_store %arg12[%swap3A_1048, %swap3A_1049, %swap3A_1050], %swap3A_1053 {strides = array<i32>} : memref<6x64x128xf32, #tpu.memory_space<vmem>>, vector<1x1x16xf32>,
      %get3A_1054 = arith.constant 2 : i32
      %get3A_1055 = arith.index_cast %get3A_1054 : i32 to index
      %get3A_1056 = arith.index_cast %scan3A_976 : i32 to index
      %get3A_1057 = arith.constant 64 : index
      %get3A_1058 = tpu.vector_load %arg11[%get3A_1055, %get3A_1056, %get3A_1057] {strides = array<i32>} : memref<6x64x128xf32, #tpu.memory_space<vmem>>, vector<1x1x16xf32>,
      %get3A_1059 = vector.shape_cast %get3A_1058 : vector<1x1x16xf32> to vector<16xf32>
      %get3A_1060 = arith.constant 2 : i32
      %get3A_1061 = arith.index_cast %get3A_1060 : i32 to index
      %get3A_1062 = arith.index_cast %scan3A_976 : i32 to index
      %get3A_1063 = arith.constant 64 : index
      %get3A_1064 = tpu.vector_load %arg12[%get3A_1061, %get3A_1062, %get3A_1063] {strides = array<i32>} : memref<6x64x128xf32, #tpu.memory_space<vmem>>, vector<1x1x16xf32>,
      %get3A_1065 = vector.shape_cast %get3A_1064 : vector<1x1x16xf32> to vector<16xf32>
      %sub3A_1066 = arith.subf %get3A_1059, %get3A_1065 : vector<16xf32>
      %swap3A_1067 = arith.constant 2 : i32
      %swap3A_1068 = arith.index_cast %swap3A_1067 : i32 to index
      %swap3A_1069 = arith.index_cast %scan3A_976 : i32 to index
      %swap3A_1070 = arith.constant 64 : index
      %swap3A_1071 = tpu.vector_load %arg12[%swap3A_1068, %swap3A_1069, %swap3A_1070] {strides = array<i32>} : memref<6x64x128xf32, #tpu.memory_space<vmem>>, vector<1x1x16xf32>,
      %swap3A_1072 = vector.shape_cast %swap3A_1071 : vector<1x1x16xf32> to vector<16xf32>
      %swap3A_1073 = vector.shape_cast %sub3A_1066 : vector<16xf32> to vector<1x1x16xf32>
      tpu.vector_store %arg12[%swap3A_1068, %swap3A_1069, %swap3A_1070], %swap3A_1073 {strides = array<i32>} : memref<6x64x128xf32, #tpu.memory_space<vmem>>, vector<1x1x16xf32>,
      %get3A_1074 = arith.constant 2 : i32
      %get3A_1075 = arith.index_cast %get3A_1074 : i32 to index
      %get3A_1076 = arith.index_cast %scan3A_976 : i32 to index
      %get3A_1077 = arith.constant 80 : index
      %get3A_1078 = tpu.vector_load %arg11[%get3A_1075, %get3A_1076, %get3A_1077] {strides = array<i32>} : memref<6x64x128xf32, #tpu.memory_space<vmem>>, vector<1x1x16xf32>,
      %get3A_1079 = vector.shape_cast %get3A_1078 : vector<1x1x16xf32> to vector<16xf32>
      %get3A_1080 = arith.constant 2 : i32
      %get3A_1081 = arith.index_cast %get3A_1080 : i32 to index
      %get3A_1082 = arith.index_cast %scan3A_976 : i32 to index
      %get3A_1083 = arith.constant 80 : index
      %get3A_1084 = tpu.vector_load %arg12[%get3A_1081, %get3A_1082, %get3A_1083] {strides = array<i32>} : memref<6x64x128xf32, #tpu.memory_space<vmem>>, vector<1x1x16xf32>,
      %get3A_1085 = vector.shape_cast %get3A_1084 : vector<1x1x16xf32> to vector<16xf32>
      %sub3A_1086 = arith.subf %get3A_1079, %get3A_1085 : vector<16xf32>
      %swap3A_1087 = arith.constant 2 : i32
      %swap3A_1088 = arith.index_cast %swap3A_1087 : i32 to index
      %swap3A_1089 = arith.index_cast %scan3A_976 : i32 to index
      %swap3A_1090 = arith.constant 80 : index
      %swap3A_1091 = tpu.vector_load %arg12[%swap3A_1088, %swap3A_1089, %swap3A_1090] {strides = array<i32>} : memref<6x64x128xf32, #tpu.memory_space<vmem>>, vector<1x1x16xf32>,
      %swap3A_1092 = vector.shape_cast %swap3A_1091 : vector<1x1x16xf32> to vector<16xf32>
      %swap3A_1093 = vector.shape_cast %sub3A_1086 : vector<16xf32> to vector<1x1x16xf32>
      tpu.vector_store %arg12[%swap3A_1088, %swap3A_1089, %swap3A_1090], %swap3A_1093 {strides = array<i32>} : memref<6x64x128xf32, #tpu.memory_space<vmem>>, vector<1x1x16xf32>,
      %get3A_1094 = arith.constant 2 : i32
      %get3A_1095 = arith.index_cast %get3A_1094 : i32 to index
      %get3A_1096 = arith.index_cast %scan3A_976 : i32 to index
      %get3A_1097 = arith.constant 96 : index
      %get3A_1098 = tpu.vector_load %arg11[%get3A_1095, %get3A_1096, %get3A_1097] {strides = array<i32>} : memref<6x64x128xf32, #tpu.memory_space<vmem>>, vector<1x1x16xf32>,
      %get3A_1099 = vector.shape_cast %get3A_1098 : vector<1x1x16xf32> to vector<16xf32>
      %get3A_1100 = arith.constant 2 : i32
      %get3A_1101 = arith.index_cast %get3A_1100 : i32 to index
      %get3A_1102 = arith.index_cast %scan3A_976 : i32 to index
      %get3A_1103 = arith.constant 96 : index
      %get3A_1104 = tpu.vector_load %arg12[%get3A_1101, %get3A_1102, %get3A_1103] {strides = array<i32>} : memref<6x64x128xf32, #tpu.memory_space<vmem>>, vector<1x1x16xf32>,
      %get3A_1105 = vector.shape_cast %get3A_1104 : vector<1x1x16xf32> to vector<16xf32>
      %sub3A_1106 = arith.subf %get3A_1099, %get3A_1105 : vector<16xf32>
      %swap3A_1107 = arith.constant 2 : i32
      %swap3A_1108 = arith.index_cast %swap3A_1107 : i32 to index
      %swap3A_1109 = arith.index_cast %scan3A_976 : i32 to index
      %swap3A_1110 = arith.constant 96 : index
      %swap3A_1111 = tpu.vector_load %arg12[%swap3A_1108, %swap3A_1109, %swap3A_1110] {strides = array<i32>} : memref<6x64x128xf32, #tpu.memory_space<vmem>>, vector<1x1x16xf32>,
      %swap3A_1112 = vector.shape_cast %swap3A_1111 : vector<1x1x16xf32> to vector<16xf32>
      %swap3A_1113 = vector.shape_cast %sub3A_1106 : vector<16xf32> to vector<1x1x16xf32>
      tpu.vector_store %arg12[%swap3A_1108, %swap3A_1109, %swap3A_1110], %swap3A_1113 {strides = array<i32>} : memref<6x64x128xf32, #tpu.memory_space<vmem>>, vector<1x1x16xf32>,
      %get3A_1114 = arith.constant 2 : i32
      %get3A_1115 = arith.index_cast %get3A_1114 : i32 to index
      %get3A_1116 = arith.index_cast %scan3A_976 : i32 to index
      %get3A_1117 = arith.constant 112 : index
      %get3A_1118 = tpu.vector_load %arg11[%get3A_1115, %get3A_1116, %get3A_1117] {strides = array<i32>} : memref<6x64x128xf32, #tpu.memory_space<vmem>>, vector<1x1x16xf32>,
      %get3A_1119 = vector.shape_cast %get3A_1118 : vector<1x1x16xf32> to vector<16xf32>
      %get3A_1120 = arith.constant 2 : i32
      %get3A_1121 = arith.index_cast %get3A_1120 : i32 to index
      %get3A_1122 = arith.index_cast %scan3A_976 : i32 to index
      %get3A_1123 = arith.constant 112 : index
      %get3A_1124 = tpu.vector_load %arg12[%get3A_1121, %get3A_1122, %get3A_1123] {strides = array<i32>} : memref<6x64x128xf32, #tpu.memory_space<vmem>>, vector<1x1x16xf32>,
      %get3A_1125 = vector.shape_cast %get3A_1124 : vector<1x1x16xf32> to vector<16xf32>
      %sub3A_1126 = arith.subf %get3A_1119, %get3A_1125 : vector<16xf32>
      %swap3A_1127 = arith.constant 2 : i32
      %swap3A_1128 = arith.index_cast %swap3A_1127 : i32 to index
      %swap3A_1129 = arith.index_cast %scan3A_976 : i32 to index
      %swap3A_1130 = arith.constant 112 : index
      %swap3A_1131 = tpu.vector_load %arg12[%swap3A_1128, %swap3A_1129, %swap3A_1130] {strides = array<i32>} : memref<6x64x128xf32, #tpu.memory_space<vmem>>, vector<1x1x16xf32>,
      %swap3A_1132 = vector.shape_cast %swap3A_1131 : vector<1x1x16xf32> to vector<16xf32>
      %swap3A_1133 = vector.shape_cast %sub3A_1126 : vector<16xf32> to vector<1x1x16xf32>
      tpu.vector_store %arg12[%swap3A_1128, %swap3A_1129, %swap3A_1130], %swap3A_1133 {strides = array<i32>} : memref<6x64x128xf32, #tpu.memory_space<vmem>>, vector<1x1x16xf32>,
    }
    %scan3A_465 = arith.constant 64 : i32
    %add3A_466 = arith.constant 128 : i32
    %add3A_467 = arith.addi %mul3A_2, %add3A_466 : i32
    %dma_start3A_468 = arith.constant 2 : i32
    %dma_start3A_469 = arith.constant 2 : i32
    %dma_start3A_470 = arith.constant 0 : i32
    %dma_start3A_471 = arith.constant 0 : i32
    %dma_start3A_472 = tpu.memref_slice %arg12[%dma_start3A_468, %dma_start3A_470, %dma_start3A_471] : memref<6x64x128xf32, #tpu.memory_space<vmem>> -> memref<1x64x128xf32, #tpu.memory_space<vmem>>
    %dma_start3A_473 = tpu.memref_squeeze %dma_start3A_472 : memref<1x64x128xf32, #tpu.memory_space<vmem>> -> memref<64x128xf32, #tpu.memory_space<vmem>>
    %dma_start3A_474 = arith.constant 0 : i32
    %dma_start3A_475 = tpu.memref_slice %arg7[%add3A_467, %dma_start3A_474] : memref<16384x128xf32, #tpu.memory_space<hbm>> -> memref<64x128xf32, #tpu.memory_space<hbm>>
    %dma_start3A_476 = tpu.memref_slice %arg17[%dma_start3A_469] : memref<6x!tpu.dma_semaphore, #tpu.memory_space<semaphore_mem>> -> memref<1x!tpu.dma_semaphore, #tpu.memory_space<semaphore_mem>>
    %dma_start3A_477 = tpu.memref_squeeze %dma_start3A_476 : memref<1x!tpu.dma_semaphore, #tpu.memory_space<semaphore_mem>> -> memref<!tpu.dma_semaphore, #tpu.memory_space<semaphore_mem>>
    %dma_start3A_478 = arith.constant 0 : i32
    %dma_start3A_479 = tpu.memref_slice %arg7[%add3A_467, %dma_start3A_478] : memref<16384x128xf32, #tpu.memory_space<hbm>> -> memref<64x128xf32, #tpu.memory_space<hbm>>
    %dma_start3A_480 = arith.constant 0 : i32
    %dma_start3A_481 = arith.constant 0 : i32
    %dma_start3A_482 = tpu.memref_slice %arg12[%dma_start3A_468, %dma_start3A_480, %dma_start3A_481] : memref<6x64x128xf32, #tpu.memory_space<vmem>> -> memref<1x64x128xf32, #tpu.memory_space<vmem>>
    %dma_start3A_483 = tpu.memref_squeeze %dma_start3A_482 : memref<1x64x128xf32, #tpu.memory_space<vmem>> -> memref<64x128xf32, #tpu.memory_space<vmem>>
    tpu.enqueue_dma source(%dma_start3A_483 : memref<64x128xf32, #tpu.memory_space<vmem>>) target(%dma_start3A_479 : memref<64x128xf32, #tpu.memory_space<hbm>>) target_semaphore(%dma_start3A_477 : memref<!tpu.dma_semaphore, #tpu.memory_space<semaphore_mem>>)
    %dma_wait3A_484 = arith.constant 1 : i32
    %dma_wait3A_485 = arith.constant 1 : i32
    %dma_wait3A_486 = arith.constant 0 : i32
    %dma_wait3A_487 = arith.constant 0 : i32
    %dma_wait3A_488 = tpu.memref_slice %arg12[%dma_wait3A_484, %dma_wait3A_486, %dma_wait3A_487] : memref<6x64x128xf32, #tpu.memory_space<vmem>> -> memref<1x64x128xf32, #tpu.memory_space<vmem>>
    %dma_wait3A_489 = tpu.memref_squeeze %dma_wait3A_488 : memref<1x64x128xf32, #tpu.memory_space<vmem>> -> memref<64x128xf32, #tpu.memory_space<vmem>>
    %dma_wait3A_490 = arith.constant 0 : i32
    %dma_wait3A_491 = tpu.memref_slice %arg7[%add3A_349, %dma_wait3A_490] : memref<16384x128xf32, #tpu.memory_space<hbm>> -> memref<64x128xf32, #tpu.memory_space<hbm>>
    %dma_wait3A_492 = tpu.memref_slice %arg17[%dma_wait3A_485] : memref<6x!tpu.dma_semaphore, #tpu.memory_space<semaphore_mem>> -> memref<1x!tpu.dma_semaphore, #tpu.memory_space<semaphore_mem>>
    %dma_wait3A_493 = tpu.memref_squeeze %dma_wait3A_492 : memref<1x!tpu.dma_semaphore, #tpu.memory_space<semaphore_mem>> -> memref<!tpu.dma_semaphore, #tpu.memory_space<semaphore_mem>>
    %dma_wait3A_494 = arith.constant 0 : i32
    %dma_wait3A_495 = tpu.memref_slice %arg7[%add3A_349, %dma_wait3A_494] : memref<16384x128xf32, #tpu.memory_space<hbm>> -> memref<64x128xf32, #tpu.memory_space<hbm>>
    %dma_wait3A_496 = arith.constant 0 : i32
    %dma_wait3A_497 = arith.constant 0 : i32
    %dma_wait3A_498 = tpu.memref_slice %arg12[%dma_wait3A_484, %dma_wait3A_496, %dma_wait3A_497] : memref<6x64x128xf32, #tpu.memory_space<vmem>> -> memref<1x64x128xf32, #tpu.memory_space<vmem>>
    %dma_wait3A_499 = tpu.memref_squeeze %dma_wait3A_498 : memref<1x64x128xf32, #tpu.memory_space<vmem>> -> memref<64x128xf32, #tpu.memory_space<vmem>>
    tpu.wait_dma2 semaphore(%dma_wait3A_493 : memref<!tpu.dma_semaphore, #tpu.memory_space<semaphore_mem>>) src(%dma_wait3A_499 : memref<64x128xf32, #tpu.memory_space<vmem>>) dst(%dma_wait3A_495 : memref<64x128xf32, #tpu.memory_space<hbm>>)
    %dma_start3A_500 = arith.constant 1 : i32
    %dma_start3A_501 = arith.constant 1 : i32
    %dma_start3A_502 = arith.constant 0 : i32
    %dma_start3A_503 = arith.constant 0 : i32
    %dma_start3A_504 = tpu.memref_slice %arg11[%dma_start3A_500, %dma_start3A_502, %dma_start3A_503] : memref<6x64x128xf32, #tpu.memory_space<vmem>> -> memref<1x64x128xf32, #tpu.memory_space<vmem>>
    %dma_start3A_505 = tpu.memref_squeeze %dma_start3A_504 : memref<1x64x128xf32, #tpu.memory_space<vmem>> -> memref<64x128xf32, #tpu.memory_space<vmem>>
    %dma_start3A_506 = arith.constant 448 : i32
    %dma_start3A_507 = tpu.memref_slice %arg8[%dma_start3A_506] : memref<512xi32, #tpu.memory_space<vmem>> -> memref<64xi32, #tpu.memory_space<vmem>>
    %dma_start3A_508 = arith.constant 0 : i32
    %dma_start3A_509 = arith.constant 0 : i32
    %dma_start3A_510 = tpu.memref_slice %arg5[%dma_start3A_508, %dma_start3A_509] : memref<100000x128xf32, #tpu.memory_space<hbm>> -> memref<100000x128xf32, #tpu.memory_space<hbm>>
    %dma_start3A_511 = tpu.memref_slice %arg14[%dma_start3A_501] : memref<6x!tpu.dma_semaphore, #tpu.memory_space<semaphore_mem>> -> memref<1x!tpu.dma_semaphore, #tpu.memory_space<semaphore_mem>>
    %dma_start3A_512 = tpu.memref_squeeze %dma_start3A_511 : memref<1x!tpu.dma_semaphore, #tpu.memory_space<semaphore_mem>> -> memref<!tpu.dma_semaphore, #tpu.memory_space<semaphore_mem>>
    tpu.enqueue_indirect_dma source(%dma_start3A_510 : memref<100000x128xf32, #tpu.memory_space<hbm>>) target(%dma_start3A_505 : memref<64x128xf32, #tpu.memory_space<vmem>>) offsets(%dma_start3A_507 : memref<64xi32, #tpu.memory_space<vmem>>) semaphore(%dma_start3A_512 : memref<!tpu.dma_semaphore, #tpu.memory_space<semaphore_mem>>)
    %dma_start3A_513 = arith.constant 1 : i32
    %dma_start3A_514 = arith.constant 1 : i32
    %dma_start3A_515 = arith.constant 0 : i32
    %dma_start3A_516 = arith.constant 0 : i32
    %dma_start3A_517 = tpu.memref_slice %arg12[%dma_start3A_513, %dma_start3A_515, %dma_start3A_516] : memref<6x64x128xf32, #tpu.memory_space<vmem>> -> memref<1x64x128xf32, #tpu.memory_space<vmem>>
    %dma_start3A_518 = tpu.memref_squeeze %dma_start3A_517 : memref<1x64x128xf32, #tpu.memory_space<vmem>> -> memref<64x128xf32, #tpu.memory_space<vmem>>
    %dma_start3A_519 = arith.constant 448 : i32
    %dma_start3A_520 = tpu.memref_slice %arg10[%dma_start3A_519] : memref<512xi32, #tpu.memory_space<vmem>> -> memref<64xi32, #tpu.memory_space<vmem>>
    %dma_start3A_521 = arith.constant 0 : i32
    %dma_start3A_522 = arith.constant 0 : i32
    %dma_start3A_523 = tpu.memref_slice %arg5[%dma_start3A_521, %dma_start3A_522] : memref<100000x128xf32, #tpu.memory_space<hbm>> -> memref<100000x128xf32, #tpu.memory_space<hbm>>
    %dma_start3A_524 = tpu.memref_slice %arg16[%dma_start3A_514] : memref<6x!tpu.dma_semaphore, #tpu.memory_space<semaphore_mem>> -> memref<1x!tpu.dma_semaphore, #tpu.memory_space<semaphore_mem>>
    %dma_start3A_525 = tpu.memref_squeeze %dma_start3A_524 : memref<1x!tpu.dma_semaphore, #tpu.memory_space<semaphore_mem>> -> memref<!tpu.dma_semaphore, #tpu.memory_space<semaphore_mem>>
    tpu.enqueue_indirect_dma source(%dma_start3A_523 : memref<100000x128xf32, #tpu.memory_space<hbm>>) target(%dma_start3A_518 : memref<64x128xf32, #tpu.memory_space<vmem>>) offsets(%dma_start3A_520 : memref<64xi32, #tpu.memory_space<vmem>>) semaphore(%dma_start3A_525 : memref<!tpu.dma_semaphore, #tpu.memory_space<semaphore_mem>>)
    %dma_wait3A_526 = arith.constant 4 : i32
    %dma_wait3A_527 = arith.constant 4 : i32
    %dma_wait3A_528 = arith.constant 0 : i32
    %dma_wait3A_529 = arith.constant 0 : i32
    %dma_wait3A_530 = tpu.memref_slice %arg11[%dma_wait3A_526, %dma_wait3A_528, %dma_wait3A_529] : memref<6x64x128xf32, #tpu.memory_space<vmem>> -> memref<1x64x128xf32, #tpu.memory_space<vmem>>
    %dma_wait3A_531 = tpu.memref_squeeze %dma_wait3A_530 : memref<1x64x128xf32, #tpu.memory_space<vmem>> -> memref<64x128xf32, #tpu.memory_space<vmem>>
    %dma_wait3A_532 = arith.constant 256 : i32
    %dma_wait3A_533 = tpu.memref_slice %arg8[%dma_wait3A_532] : memref<512xi32, #tpu.memory_space<vmem>> -> memref<64xi32, #tpu.memory_space<vmem>>
    %dma_wait3A_534 = arith.constant 0 : i32
    %dma_wait3A_535 = arith.constant 0 : i32
    %dma_wait3A_536 = tpu.memref_slice %arg5[%dma_wait3A_534, %dma_wait3A_535] : memref<100000x128xf32, #tpu.memory_space<hbm>> -> memref<100000x128xf32, #tpu.memory_space<hbm>>
    %dma_wait3A_537 = tpu.memref_slice %arg14[%dma_wait3A_527] : memref<6x!tpu.dma_semaphore, #tpu.memory_space<semaphore_mem>> -> memref<1x!tpu.dma_semaphore, #tpu.memory_space<semaphore_mem>>
    %dma_wait3A_538 = tpu.memref_squeeze %dma_wait3A_537 : memref<1x!tpu.dma_semaphore, #tpu.memory_space<semaphore_mem>> -> memref<!tpu.dma_semaphore, #tpu.memory_space<semaphore_mem>>
    tpu.wait_indirect_dma semaphore(%dma_wait3A_538 : memref<!tpu.dma_semaphore, #tpu.memory_space<semaphore_mem>>) src(%dma_wait3A_536 : memref<100000x128xf32, #tpu.memory_space<hbm>>) dst(%dma_wait3A_531 : memref<64x128xf32, #tpu.memory_space<vmem>>)
    %dma_start3A_539 = arith.constant 4 : i32
    %dma_start3A_540 = arith.constant 4 : i32
    %dma_start3A_541 = arith.constant 0 : i32
    %dma_start3A_542 = arith.constant 0 : i32
    %dma_start3A_543 = tpu.memref_slice %arg11[%dma_start3A_539, %dma_start3A_541, %dma_start3A_542] : memref<6x64x128xf32, #tpu.memory_space<vmem>> -> memref<1x64x128xf32, #tpu.memory_space<vmem>>
    %dma_start3A_544 = tpu.memref_squeeze %dma_start3A_543 : memref<1x64x128xf32, #tpu.memory_space<vmem>> -> memref<64x128xf32, #tpu.memory_space<vmem>>
    %dma_start3A_545 = arith.constant 256 : i32
    %dma_start3A_546 = tpu.memref_slice %arg9[%dma_start3A_545] : memref<512xi32, #tpu.memory_space<vmem>> -> memref<64xi32, #tpu.memory_space<vmem>>
    %dma_start3A_547 = arith.constant 0 : i32
    %dma_start3A_548 = arith.constant 0 : i32
    %dma_start3A_549 = tpu.memref_slice %arg13[%dma_start3A_547, %dma_start3A_548] : memref<1000x128xf32, #tpu.memory_space<vmem_shared>> -> memref<1000x128xf32, #tpu.memory_space<vmem_shared>>
    %dma_start3A_550 = tpu.memref_slice %arg15[%dma_start3A_540] : memref<6x!tpu.dma_semaphore, #tpu.memory_space<semaphore_mem>> -> memref<1x!tpu.dma_semaphore, #tpu.memory_space<semaphore_mem>>
    %dma_start3A_551 = tpu.memref_squeeze %dma_start3A_550 : memref<1x!tpu.dma_semaphore, #tpu.memory_space<semaphore_mem>> -> memref<!tpu.dma_semaphore, #tpu.memory_space<semaphore_mem>>
    tpu.enqueue_indirect_dma source(%dma_start3A_549 : memref<1000x128xf32, #tpu.memory_space<vmem_shared>>) target(%dma_start3A_544 : memref<64x128xf32, #tpu.memory_space<vmem>>) offsets(%dma_start3A_546 : memref<64xi32, #tpu.memory_space<vmem>>) semaphore(%dma_start3A_551 : memref<!tpu.dma_semaphore, #tpu.memory_space<semaphore_mem>>) {add = true}
    %dma_wait3A_552 = arith.constant 3 : i32
    %dma_wait3A_553 = arith.constant 3 : i32
    %dma_wait3A_554 = arith.constant 0 : i32
    %dma_wait3A_555 = arith.constant 0 : i32
    %dma_wait3A_556 = tpu.memref_slice %arg11[%dma_wait3A_552, %dma_wait3A_554, %dma_wait3A_555] : memref<6x64x128xf32, #tpu.memory_space<vmem>> -> memref<1x64x128xf32, #tpu.memory_space<vmem>>
    %dma_wait3A_557 = tpu.memref_squeeze %dma_wait3A_556 : memref<1x64x128xf32, #tpu.memory_space<vmem>> -> memref<64x128xf32, #tpu.memory_space<vmem>>
    %dma_wait3A_558 = arith.constant 192 : i32
    %dma_wait3A_559 = tpu.memref_slice %arg9[%dma_wait3A_558] : memref<512xi32, #tpu.memory_space<vmem>> -> memref<64xi32, #tpu.memory_space<vmem>>
    %dma_wait3A_560 = arith.constant 0 : i32
    %dma_wait3A_561 = arith.constant 0 : i32
    %dma_wait3A_562 = tpu.memref_slice %arg13[%dma_wait3A_560, %dma_wait3A_561] : memref<1000x128xf32, #tpu.memory_space<vmem_shared>> -> memref<1000x128xf32, #tpu.memory_space<vmem_shared>>
    %dma_wait3A_563 = tpu.memref_slice %arg15[%dma_wait3A_553] : memref<6x!tpu.dma_semaphore, #tpu.memory_space<semaphore_mem>> -> memref<1x!tpu.dma_semaphore, #tpu.memory_space<semaphore_mem>>
    %dma_wait3A_564 = tpu.memref_squeeze %dma_wait3A_563 : memref<1x!tpu.dma_semaphore, #tpu.memory_space<semaphore_mem>> -> memref<!tpu.dma_semaphore, #tpu.memory_space<semaphore_mem>>
    tpu.wait_indirect_dma semaphore(%dma_wait3A_564 : memref<!tpu.dma_semaphore, #tpu.memory_space<semaphore_mem>>) src(%dma_wait3A_562 : memref<1000x128xf32, #tpu.memory_space<vmem_shared>>) dst(%dma_wait3A_557 : memref<64x128xf32, #tpu.memory_space<vmem>>)
    %dma_wait3A_565 = arith.constant 3 : i32
    %dma_wait3A_566 = arith.constant 3 : i32
    %dma_wait3A_567 = arith.constant 0 : i32
    %dma_wait3A_568 = arith.constant 0 : i32
    %dma_wait3A_569 = tpu.memref_slice %arg12[%dma_wait3A_565, %dma_wait3A_567, %dma_wait3A_568] : memref<6x64x128xf32, #tpu.memory_space<vmem>> -> memref<1x64x128xf32, #tpu.memory_space<vmem>>
    %dma_wait3A_570 = tpu.memref_squeeze %dma_wait3A_569 : memref<1x64x128xf32, #tpu.memory_space<vmem>> -> memref<64x128xf32, #tpu.memory_space<vmem>>
    %dma_wait3A_571 = arith.constant 192 : i32
    %dma_wait3A_572 = tpu.memref_slice %arg10[%dma_wait3A_571] : memref<512xi32, #tpu.memory_space<vmem>> -> memref<64xi32, #tpu.memory_space<vmem>>
    %dma_wait3A_573 = arith.constant 0 : i32
    %dma_wait3A_574 = arith.constant 0 : i32
    %dma_wait3A_575 = tpu.memref_slice %arg5[%dma_wait3A_573, %dma_wait3A_574] : memref<100000x128xf32, #tpu.memory_space<hbm>> -> memref<100000x128xf32, #tpu.memory_space<hbm>>
    %dma_wait3A_576 = tpu.memref_slice %arg16[%dma_wait3A_566] : memref<6x!tpu.dma_semaphore, #tpu.memory_space<semaphore_mem>> -> memref<1x!tpu.dma_semaphore, #tpu.memory_space<semaphore_mem>>
    %dma_wait3A_577 = tpu.memref_squeeze %dma_wait3A_576 : memref<1x!tpu.dma_semaphore, #tpu.memory_space<semaphore_mem>> -> memref<!tpu.dma_semaphore, #tpu.memory_space<semaphore_mem>>
    tpu.wait_indirect_dma semaphore(%dma_wait3A_577 : memref<!tpu.dma_semaphore, #tpu.memory_space<semaphore_mem>>) src(%dma_wait3A_575 : memref<100000x128xf32, #tpu.memory_space<hbm>>) dst(%dma_wait3A_570 : memref<64x128xf32, #tpu.memory_space<vmem>>)
    %scan3A_578 = arith.constant 0 : i32
    %scan3A_579 = arith.constant 0 : i32
    %scan3A_580 = arith.constant 64 : i32
    %scan3A_581 = arith.addi %scan3A_579, %scan3A_580 : i32
    %scan3A_582 = arith.constant 1 : i32
    scf.for %scan3A_976 = %scan3A_579 to %scan3A_581 step %scan3A_582  : i32 {
      %get3A = arith.constant 3 : i32
      %get3A_977 = arith.index_cast %get3A : i32 to index
      %get3A_978 = arith.index_cast %scan3A_976 : i32 to index
      %get3A_979 = arith.constant 0 : index
      %get3A_980 = tpu.vector_load %arg11[%get3A_977, %get3A_978, %get3A_979] {strides = array<i32>} : memref<6x64x128xf32, #tpu.memory_space<vmem>>, vector<1x1x16xf32>,
      %get3A_981 = vector.shape_cast %get3A_980 : vector<1x1x16xf32> to vector<16xf32>
      %get3A_982 = arith.constant 3 : i32
      %get3A_983 = arith.index_cast %get3A_982 : i32 to index
      %get3A_984 = arith.index_cast %scan3A_976 : i32 to index
      %get3A_985 = arith.constant 0 : index
      %get3A_986 = tpu.vector_load %arg12[%get3A_983, %get3A_984, %get3A_985] {strides = array<i32>} : memref<6x64x128xf32, #tpu.memory_space<vmem>>, vector<1x1x16xf32>,
      %get3A_987 = vector.shape_cast %get3A_986 : vector<1x1x16xf32> to vector<16xf32>
      %sub3A = arith.subf %get3A_981, %get3A_987 : vector<16xf32>
      %swap3A = arith.constant 3 : i32
      %swap3A_988 = arith.index_cast %swap3A : i32 to index
      %swap3A_989 = arith.index_cast %scan3A_976 : i32 to index
      %swap3A_990 = arith.constant 0 : index
      %swap3A_991 = tpu.vector_load %arg12[%swap3A_988, %swap3A_989, %swap3A_990] {strides = array<i32>} : memref<6x64x128xf32, #tpu.memory_space<vmem>>, vector<1x1x16xf32>,
      %swap3A_992 = vector.shape_cast %swap3A_991 : vector<1x1x16xf32> to vector<16xf32>
      %swap3A_993 = vector.shape_cast %sub3A : vector<16xf32> to vector<1x1x16xf32>
      tpu.vector_store %arg12[%swap3A_988, %swap3A_989, %swap3A_990], %swap3A_993 {strides = array<i32>} : memref<6x64x128xf32, #tpu.memory_space<vmem>>, vector<1x1x16xf32>,
      %get3A_994 = arith.constant 3 : i32
      %get3A_995 = arith.index_cast %get3A_994 : i32 to index
      %get3A_996 = arith.index_cast %scan3A_976 : i32 to index
      %get3A_997 = arith.constant 16 : index
      %get3A_998 = tpu.vector_load %arg11[%get3A_995, %get3A_996, %get3A_997] {strides = array<i32>} : memref<6x64x128xf32, #tpu.memory_space<vmem>>, vector<1x1x16xf32>,
      %get3A_999 = vector.shape_cast %get3A_998 : vector<1x1x16xf32> to vector<16xf32>
      %get3A_1000 = arith.constant 3 : i32
      %get3A_1001 = arith.index_cast %get3A_1000 : i32 to index
      %get3A_1002 = arith.index_cast %scan3A_976 : i32 to index
      %get3A_1003 = arith.constant 16 : index
      %get3A_1004 = tpu.vector_load %arg12[%get3A_1001, %get3A_1002, %get3A_1003] {strides = array<i32>} : memref<6x64x128xf32, #tpu.memory_space<vmem>>, vector<1x1x16xf32>,
      %get3A_1005 = vector.shape_cast %get3A_1004 : vector<1x1x16xf32> to vector<16xf32>
      %sub3A_1006 = arith.subf %get3A_999, %get3A_1005 : vector<16xf32>
      %swap3A_1007 = arith.constant 3 : i32
      %swap3A_1008 = arith.index_cast %swap3A_1007 : i32 to index
      %swap3A_1009 = arith.index_cast %scan3A_976 : i32 to index
      %swap3A_1010 = arith.constant 16 : index
      %swap3A_1011 = tpu.vector_load %arg12[%swap3A_1008, %swap3A_1009, %swap3A_1010] {strides = array<i32>} : memref<6x64x128xf32, #tpu.memory_space<vmem>>, vector<1x1x16xf32>,
      %swap3A_1012 = vector.shape_cast %swap3A_1011 : vector<1x1x16xf32> to vector<16xf32>
      %swap3A_1013 = vector.shape_cast %sub3A_1006 : vector<16xf32> to vector<1x1x16xf32>
      tpu.vector_store %arg12[%swap3A_1008, %swap3A_1009, %swap3A_1010], %swap3A_1013 {strides = array<i32>} : memref<6x64x128xf32, #tpu.memory_space<vmem>>, vector<1x1x16xf32>,
      %get3A_1014 = arith.constant 3 : i32
      %get3A_1015 = arith.index_cast %get3A_1014 : i32 to index
      %get3A_1016 = arith.index_cast %scan3A_976 : i32 to index
      %get3A_1017 = arith.constant 32 : index
      %get3A_1018 = tpu.vector_load %arg11[%get3A_1015, %get3A_1016, %get3A_1017] {strides = array<i32>} : memref<6x64x128xf32, #tpu.memory_space<vmem>>, vector<1x1x16xf32>,
      %get3A_1019 = vector.shape_cast %get3A_1018 : vector<1x1x16xf32> to vector<16xf32>
      %get3A_1020 = arith.constant 3 : i32
      %get3A_1021 = arith.index_cast %get3A_1020 : i32 to index
      %get3A_1022 = arith.index_cast %scan3A_976 : i32 to index
      %get3A_1023 = arith.constant 32 : index
      %get3A_1024 = tpu.vector_load %arg12[%get3A_1021, %get3A_1022, %get3A_1023] {strides = array<i32>} : memref<6x64x128xf32, #tpu.memory_space<vmem>>, vector<1x1x16xf32>,
      %get3A_1025 = vector.shape_cast %get3A_1024 : vector<1x1x16xf32> to vector<16xf32>
      %sub3A_1026 = arith.subf %get3A_1019, %get3A_1025 : vector<16xf32>
      %swap3A_1027 = arith.constant 3 : i32
      %swap3A_1028 = arith.index_cast %swap3A_1027 : i32 to index
      %swap3A_1029 = arith.index_cast %scan3A_976 : i32 to index
      %swap3A_1030 = arith.constant 32 : index
      %swap3A_1031 = tpu.vector_load %arg12[%swap3A_1028, %swap3A_1029, %swap3A_1030] {strides = array<i32>} : memref<6x64x128xf32, #tpu.memory_space<vmem>>, vector<1x1x16xf32>,
      %swap3A_1032 = vector.shape_cast %swap3A_1031 : vector<1x1x16xf32> to vector<16xf32>
      %swap3A_1033 = vector.shape_cast %sub3A_1026 : vector<16xf32> to vector<1x1x16xf32>
      tpu.vector_store %arg12[%swap3A_1028, %swap3A_1029, %swap3A_1030], %swap3A_1033 {strides = array<i32>} : memref<6x64x128xf32, #tpu.memory_space<vmem>>, vector<1x1x16xf32>,
      %get3A_1034 = arith.constant 3 : i32
      %get3A_1035 = arith.index_cast %get3A_1034 : i32 to index
      %get3A_1036 = arith.index_cast %scan3A_976 : i32 to index
      %get3A_1037 = arith.constant 48 : index
      %get3A_1038 = tpu.vector_load %arg11[%get3A_1035, %get3A_1036, %get3A_1037] {strides = array<i32>} : memref<6x64x128xf32, #tpu.memory_space<vmem>>, vector<1x1x16xf32>,
      %get3A_1039 = vector.shape_cast %get3A_1038 : vector<1x1x16xf32> to vector<16xf32>
      %get3A_1040 = arith.constant 3 : i32
      %get3A_1041 = arith.index_cast %get3A_1040 : i32 to index
      %get3A_1042 = arith.index_cast %scan3A_976 : i32 to index
      %get3A_1043 = arith.constant 48 : index
      %get3A_1044 = tpu.vector_load %arg12[%get3A_1041, %get3A_1042, %get3A_1043] {strides = array<i32>} : memref<6x64x128xf32, #tpu.memory_space<vmem>>, vector<1x1x16xf32>,
      %get3A_1045 = vector.shape_cast %get3A_1044 : vector<1x1x16xf32> to vector<16xf32>
      %sub3A_1046 = arith.subf %get3A_1039, %get3A_1045 : vector<16xf32>
      %swap3A_1047 = arith.constant 3 : i32
      %swap3A_1048 = arith.index_cast %swap3A_1047 : i32 to index
      %swap3A_1049 = arith.index_cast %scan3A_976 : i32 to index
      %swap3A_1050 = arith.constant 48 : index
      %swap3A_1051 = tpu.vector_load %arg12[%swap3A_1048, %swap3A_1049, %swap3A_1050] {strides = array<i32>} : memref<6x64x128xf32, #tpu.memory_space<vmem>>, vector<1x1x16xf32>,
      %swap3A_1052 = vector.shape_cast %swap3A_1051 : vector<1x1x16xf32> to vector<16xf32>
      %swap3A_1053 = vector.shape_cast %sub3A_1046 : vector<16xf32> to vector<1x1x16xf32>
      tpu.vector_store %arg12[%swap3A_1048, %swap3A_1049, %swap3A_1050], %swap3A_1053 {strides = array<i32>} : memref<6x64x128xf32, #tpu.memory_space<vmem>>, vector<1x1x16xf32>,
      %get3A_1054 = arith.constant 3 : i32
      %get3A_1055 = arith.index_cast %get3A_1054 : i32 to index
      %get3A_1056 = arith.index_cast %scan3A_976 : i32 to index
      %get3A_1057 = arith.constant 64 : index
      %get3A_1058 = tpu.vector_load %arg11[%get3A_1055, %get3A_1056, %get3A_1057] {strides = array<i32>} : memref<6x64x128xf32, #tpu.memory_space<vmem>>, vector<1x1x16xf32>,
      %get3A_1059 = vector.shape_cast %get3A_1058 : vector<1x1x16xf32> to vector<16xf32>
      %get3A_1060 = arith.constant 3 : i32
      %get3A_1061 = arith.index_cast %get3A_1060 : i32 to index
      %get3A_1062 = arith.index_cast %scan3A_976 : i32 to index
      %get3A_1063 = arith.constant 64 : index
      %get3A_1064 = tpu.vector_load %arg12[%get3A_1061, %get3A_1062, %get3A_1063] {strides = array<i32>} : memref<6x64x128xf32, #tpu.memory_space<vmem>>, vector<1x1x16xf32>,
      %get3A_1065 = vector.shape_cast %get3A_1064 : vector<1x1x16xf32> to vector<16xf32>
      %sub3A_1066 = arith.subf %get3A_1059, %get3A_1065 : vector<16xf32>
      %swap3A_1067 = arith.constant 3 : i32
      %swap3A_1068 = arith.index_cast %swap3A_1067 : i32 to index
      %swap3A_1069 = arith.index_cast %scan3A_976 : i32 to index
      %swap3A_1070 = arith.constant 64 : index
      %swap3A_1071 = tpu.vector_load %arg12[%swap3A_1068, %swap3A_1069, %swap3A_1070] {strides = array<i32>} : memref<6x64x128xf32, #tpu.memory_space<vmem>>, vector<1x1x16xf32>,
      %swap3A_1072 = vector.shape_cast %swap3A_1071 : vector<1x1x16xf32> to vector<16xf32>
      %swap3A_1073 = vector.shape_cast %sub3A_1066 : vector<16xf32> to vector<1x1x16xf32>
      tpu.vector_store %arg12[%swap3A_1068, %swap3A_1069, %swap3A_1070], %swap3A_1073 {strides = array<i32>} : memref<6x64x128xf32, #tpu.memory_space<vmem>>, vector<1x1x16xf32>,
      %get3A_1074 = arith.constant 3 : i32
      %get3A_1075 = arith.index_cast %get3A_1074 : i32 to index
      %get3A_1076 = arith.index_cast %scan3A_976 : i32 to index
      %get3A_1077 = arith.constant 80 : index
      %get3A_1078 = tpu.vector_load %arg11[%get3A_1075, %get3A_1076, %get3A_1077] {strides = array<i32>} : memref<6x64x128xf32, #tpu.memory_space<vmem>>, vector<1x1x16xf32>,
      %get3A_1079 = vector.shape_cast %get3A_1078 : vector<1x1x16xf32> to vector<16xf32>
      %get3A_1080 = arith.constant 3 : i32
      %get3A_1081 = arith.index_cast %get3A_1080 : i32 to index
      %get3A_1082 = arith.index_cast %scan3A_976 : i32 to index
      %get3A_1083 = arith.constant 80 : index
      %get3A_1084 = tpu.vector_load %arg12[%get3A_1081, %get3A_1082, %get3A_1083] {strides = array<i32>} : memref<6x64x128xf32, #tpu.memory_space<vmem>>, vector<1x1x16xf32>,
      %get3A_1085 = vector.shape_cast %get3A_1084 : vector<1x1x16xf32> to vector<16xf32>
      %sub3A_1086 = arith.subf %get3A_1079, %get3A_1085 : vector<16xf32>
      %swap3A_1087 = arith.constant 3 : i32
      %swap3A_1088 = arith.index_cast %swap3A_1087 : i32 to index
      %swap3A_1089 = arith.index_cast %scan3A_976 : i32 to index
      %swap3A_1090 = arith.constant 80 : index
      %swap3A_1091 = tpu.vector_load %arg12[%swap3A_1088, %swap3A_1089, %swap3A_1090] {strides = array<i32>} : memref<6x64x128xf32, #tpu.memory_space<vmem>>, vector<1x1x16xf32>,
      %swap3A_1092 = vector.shape_cast %swap3A_1091 : vector<1x1x16xf32> to vector<16xf32>
      %swap3A_1093 = vector.shape_cast %sub3A_1086 : vector<16xf32> to vector<1x1x16xf32>
      tpu.vector_store %arg12[%swap3A_1088, %swap3A_1089, %swap3A_1090], %swap3A_1093 {strides = array<i32>} : memref<6x64x128xf32, #tpu.memory_space<vmem>>, vector<1x1x16xf32>,
      %get3A_1094 = arith.constant 3 : i32
      %get3A_1095 = arith.index_cast %get3A_1094 : i32 to index
      %get3A_1096 = arith.index_cast %scan3A_976 : i32 to index
      %get3A_1097 = arith.constant 96 : index
      %get3A_1098 = tpu.vector_load %arg11[%get3A_1095, %get3A_1096, %get3A_1097] {strides = array<i32>} : memref<6x64x128xf32, #tpu.memory_space<vmem>>, vector<1x1x16xf32>,
      %get3A_1099 = vector.shape_cast %get3A_1098 : vector<1x1x16xf32> to vector<16xf32>
      %get3A_1100 = arith.constant 3 : i32
      %get3A_1101 = arith.index_cast %get3A_1100 : i32 to index
      %get3A_1102 = arith.index_cast %scan3A_976 : i32 to index
      %get3A_1103 = arith.constant 96 : index
      %get3A_1104 = tpu.vector_load %arg12[%get3A_1101, %get3A_1102, %get3A_1103] {strides = array<i32>} : memref<6x64x128xf32, #tpu.memory_space<vmem>>, vector<1x1x16xf32>,
      %get3A_1105 = vector.shape_cast %get3A_1104 : vector<1x1x16xf32> to vector<16xf32>
      %sub3A_1106 = arith.subf %get3A_1099, %get3A_1105 : vector<16xf32>
      %swap3A_1107 = arith.constant 3 : i32
      %swap3A_1108 = arith.index_cast %swap3A_1107 : i32 to index
      %swap3A_1109 = arith.index_cast %scan3A_976 : i32 to index
      %swap3A_1110 = arith.constant 96 : index
      %swap3A_1111 = tpu.vector_load %arg12[%swap3A_1108, %swap3A_1109, %swap3A_1110] {strides = array<i32>} : memref<6x64x128xf32, #tpu.memory_space<vmem>>, vector<1x1x16xf32>,
      %swap3A_1112 = vector.shape_cast %swap3A_1111 : vector<1x1x16xf32> to vector<16xf32>
      %swap3A_1113 = vector.shape_cast %sub3A_1106 : vector<16xf32> to vector<1x1x16xf32>
      tpu.vector_store %arg12[%swap3A_1108, %swap3A_1109, %swap3A_1110], %swap3A_1113 {strides = array<i32>} : memref<6x64x128xf32, #tpu.memory_space<vmem>>, vector<1x1x16xf32>,
      %get3A_1114 = arith.constant 3 : i32
      %get3A_1115 = arith.index_cast %get3A_1114 : i32 to index
      %get3A_1116 = arith.index_cast %scan3A_976 : i32 to index
      %get3A_1117 = arith.constant 112 : index
      %get3A_1118 = tpu.vector_load %arg11[%get3A_1115, %get3A_1116, %get3A_1117] {strides = array<i32>} : memref<6x64x128xf32, #tpu.memory_space<vmem>>, vector<1x1x16xf32>,
      %get3A_1119 = vector.shape_cast %get3A_1118 : vector<1x1x16xf32> to vector<16xf32>
      %get3A_1120 = arith.constant 3 : i32
      %get3A_1121 = arith.index_cast %get3A_1120 : i32 to index
      %get3A_1122 = arith.index_cast %scan3A_976 : i32 to index
      %get3A_1123 = arith.constant 112 : index
      %get3A_1124 = tpu.vector_load %arg12[%get3A_1121, %get3A_1122, %get3A_1123] {strides = array<i32>} : memref<6x64x128xf32, #tpu.memory_space<vmem>>, vector<1x1x16xf32>,
      %get3A_1125 = vector.shape_cast %get3A_1124 : vector<1x1x16xf32> to vector<16xf32>
      %sub3A_1126 = arith.subf %get3A_1119, %get3A_1125 : vector<16xf32>
      %swap3A_1127 = arith.constant 3 : i32
      %swap3A_1128 = arith.index_cast %swap3A_1127 : i32 to index
      %swap3A_1129 = arith.index_cast %scan3A_976 : i32 to index
      %swap3A_1130 = arith.constant 112 : index
      %swap3A_1131 = tpu.vector_load %arg12[%swap3A_1128, %swap3A_1129, %swap3A_1130] {strides = array<i32>} : memref<6x64x128xf32, #tpu.memory_space<vmem>>, vector<1x1x16xf32>,
      %swap3A_1132 = vector.shape_cast %swap3A_1131 : vector<1x1x16xf32> to vector<16xf32>
      %swap3A_1133 = vector.shape_cast %sub3A_1126 : vector<16xf32> to vector<1x1x16xf32>
      tpu.vector_store %arg12[%swap3A_1128, %swap3A_1129, %swap3A_1130], %swap3A_1133 {strides = array<i32>} : memref<6x64x128xf32, #tpu.memory_space<vmem>>, vector<1x1x16xf32>,
    }
    %scan3A_583 = arith.constant 64 : i32
    %add3A_584 = arith.constant 192 : i32
    %add3A_585 = arith.addi %mul3A_2, %add3A_584 : i32
    %dma_start3A_586 = arith.constant 3 : i32
    %dma_start3A_587 = arith.constant 3 : i32
    %dma_start3A_588 = arith.constant 0 : i32
    %dma_start3A_589 = arith.constant 0 : i32
    %dma_start3A_590 = tpu.memref_slice %arg12[%dma_start3A_586, %dma_start3A_588, %dma_start3A_589] : memref<6x64x128xf32, #tpu.memory_space<vmem>> -> memref<1x64x128xf32, #tpu.memory_space<vmem>>
    %dma_start3A_591 = tpu.memref_squeeze %dma_start3A_590 : memref<1x64x128xf32, #tpu.memory_space<vmem>> -> memref<64x128xf32, #tpu.memory_space<vmem>>
    %dma_start3A_592 = arith.constant 0 : i32
    %dma_start3A_593 = tpu.memref_slice %arg7[%add3A_585, %dma_start3A_592] : memref<16384x128xf32, #tpu.memory_space<hbm>> -> memref<64x128xf32, #tpu.memory_space<hbm>>
    %dma_start3A_594 = tpu.memref_slice %arg17[%dma_start3A_587] : memref<6x!tpu.dma_semaphore, #tpu.memory_space<semaphore_mem>> -> memref<1x!tpu.dma_semaphore, #tpu.memory_space<semaphore_mem>>
    %dma_start3A_595 = tpu.memref_squeeze %dma_start3A_594 : memref<1x!tpu.dma_semaphore, #tpu.memory_space<semaphore_mem>> -> memref<!tpu.dma_semaphore, #tpu.memory_space<semaphore_mem>>
    %dma_start3A_596 = arith.constant 0 : i32
    %dma_start3A_597 = tpu.memref_slice %arg7[%add3A_585, %dma_start3A_596] : memref<16384x128xf32, #tpu.memory_space<hbm>> -> memref<64x128xf32, #tpu.memory_space<hbm>>
    %dma_start3A_598 = arith.constant 0 : i32
    %dma_start3A_599 = arith.constant 0 : i32
    %dma_start3A_600 = tpu.memref_slice %arg12[%dma_start3A_586, %dma_start3A_598, %dma_start3A_599] : memref<6x64x128xf32, #tpu.memory_space<vmem>> -> memref<1x64x128xf32, #tpu.memory_space<vmem>>
    %dma_start3A_601 = tpu.memref_squeeze %dma_start3A_600 : memref<1x64x128xf32, #tpu.memory_space<vmem>> -> memref<64x128xf32, #tpu.memory_space<vmem>>
    tpu.enqueue_dma source(%dma_start3A_601 : memref<64x128xf32, #tpu.memory_space<vmem>>) target(%dma_start3A_597 : memref<64x128xf32, #tpu.memory_space<hbm>>) target_semaphore(%dma_start3A_595 : memref<!tpu.dma_semaphore, #tpu.memory_space<semaphore_mem>>)
    %dma_wait3A_602 = arith.constant 5 : i32
    %dma_wait3A_603 = arith.constant 5 : i32
    %dma_wait3A_604 = arith.constant 0 : i32
    %dma_wait3A_605 = arith.constant 0 : i32
    %dma_wait3A_606 = tpu.memref_slice %arg11[%dma_wait3A_602, %dma_wait3A_604, %dma_wait3A_605] : memref<6x64x128xf32, #tpu.memory_space<vmem>> -> memref<1x64x128xf32, #tpu.memory_space<vmem>>
    %dma_wait3A_607 = tpu.memref_squeeze %dma_wait3A_606 : memref<1x64x128xf32, #tpu.memory_space<vmem>> -> memref<64x128xf32, #tpu.memory_space<vmem>>
    %dma_wait3A_608 = arith.constant 320 : i32
    %dma_wait3A_609 = tpu.memref_slice %arg8[%dma_wait3A_608] : memref<512xi32, #tpu.memory_space<vmem>> -> memref<64xi32, #tpu.memory_space<vmem>>
    %dma_wait3A_610 = arith.constant 0 : i32
    %dma_wait3A_611 = arith.constant 0 : i32
    %dma_wait3A_612 = tpu.memref_slice %arg5[%dma_wait3A_610, %dma_wait3A_611] : memref<100000x128xf32, #tpu.memory_space<hbm>> -> memref<100000x128xf32, #tpu.memory_space<hbm>>
    %dma_wait3A_613 = tpu.memref_slice %arg14[%dma_wait3A_603] : memref<6x!tpu.dma_semaphore, #tpu.memory_space<semaphore_mem>> -> memref<1x!tpu.dma_semaphore, #tpu.memory_space<semaphore_mem>>
    %dma_wait3A_614 = tpu.memref_squeeze %dma_wait3A_613 : memref<1x!tpu.dma_semaphore, #tpu.memory_space<semaphore_mem>> -> memref<!tpu.dma_semaphore, #tpu.memory_space<semaphore_mem>>
    tpu.wait_indirect_dma semaphore(%dma_wait3A_614 : memref<!tpu.dma_semaphore, #tpu.memory_space<semaphore_mem>>) src(%dma_wait3A_612 : memref<100000x128xf32, #tpu.memory_space<hbm>>) dst(%dma_wait3A_607 : memref<64x128xf32, #tpu.memory_space<vmem>>)
    %dma_start3A_615 = arith.constant 5 : i32
    %dma_start3A_616 = arith.constant 5 : i32
    %dma_start3A_617 = arith.constant 0 : i32
    %dma_start3A_618 = arith.constant 0 : i32
    %dma_start3A_619 = tpu.memref_slice %arg11[%dma_start3A_615, %dma_start3A_617, %dma_start3A_618] : memref<6x64x128xf32, #tpu.memory_space<vmem>> -> memref<1x64x128xf32, #tpu.memory_space<vmem>>
    %dma_start3A_620 = tpu.memref_squeeze %dma_start3A_619 : memref<1x64x128xf32, #tpu.memory_space<vmem>> -> memref<64x128xf32, #tpu.memory_space<vmem>>
    %dma_start3A_621 = arith.constant 320 : i32
    %dma_start3A_622 = tpu.memref_slice %arg9[%dma_start3A_621] : memref<512xi32, #tpu.memory_space<vmem>> -> memref<64xi32, #tpu.memory_space<vmem>>
    %dma_start3A_623 = arith.constant 0 : i32
    %dma_start3A_624 = arith.constant 0 : i32
    %dma_start3A_625 = tpu.memref_slice %arg13[%dma_start3A_623, %dma_start3A_624] : memref<1000x128xf32, #tpu.memory_space<vmem_shared>> -> memref<1000x128xf32, #tpu.memory_space<vmem_shared>>
    %dma_start3A_626 = tpu.memref_slice %arg15[%dma_start3A_616] : memref<6x!tpu.dma_semaphore, #tpu.memory_space<semaphore_mem>> -> memref<1x!tpu.dma_semaphore, #tpu.memory_space<semaphore_mem>>
    %dma_start3A_627 = tpu.memref_squeeze %dma_start3A_626 : memref<1x!tpu.dma_semaphore, #tpu.memory_space<semaphore_mem>> -> memref<!tpu.dma_semaphore, #tpu.memory_space<semaphore_mem>>
    tpu.enqueue_indirect_dma source(%dma_start3A_625 : memref<1000x128xf32, #tpu.memory_space<vmem_shared>>) target(%dma_start3A_620 : memref<64x128xf32, #tpu.memory_space<vmem>>) offsets(%dma_start3A_622 : memref<64xi32, #tpu.memory_space<vmem>>) semaphore(%dma_start3A_627 : memref<!tpu.dma_semaphore, #tpu.memory_space<semaphore_mem>>) {add = true}
    %dma_wait3A_628 = arith.constant 4 : i32
    %dma_wait3A_629 = arith.constant 4 : i32
    %dma_wait3A_630 = arith.constant 0 : i32
    %dma_wait3A_631 = arith.constant 0 : i32
    %dma_wait3A_632 = tpu.memref_slice %arg11[%dma_wait3A_628, %dma_wait3A_630, %dma_wait3A_631] : memref<6x64x128xf32, #tpu.memory_space<vmem>> -> memref<1x64x128xf32, #tpu.memory_space<vmem>>
    %dma_wait3A_633 = tpu.memref_squeeze %dma_wait3A_632 : memref<1x64x128xf32, #tpu.memory_space<vmem>> -> memref<64x128xf32, #tpu.memory_space<vmem>>
    %dma_wait3A_634 = arith.constant 256 : i32
    %dma_wait3A_635 = tpu.memref_slice %arg9[%dma_wait3A_634] : memref<512xi32, #tpu.memory_space<vmem>> -> memref<64xi32, #tpu.memory_space<vmem>>
    %dma_wait3A_636 = arith.constant 0 : i32
    %dma_wait3A_637 = arith.constant 0 : i32
    %dma_wait3A_638 = tpu.memref_slice %arg13[%dma_wait3A_636, %dma_wait3A_637] : memref<1000x128xf32, #tpu.memory_space<vmem_shared>> -> memref<1000x128xf32, #tpu.memory_space<vmem_shared>>
    %dma_wait3A_639 = tpu.memref_slice %arg15[%dma_wait3A_629] : memref<6x!tpu.dma_semaphore, #tpu.memory_space<semaphore_mem>> -> memref<1x!tpu.dma_semaphore, #tpu.memory_space<semaphore_mem>>
    %dma_wait3A_640 = tpu.memref_squeeze %dma_wait3A_639 : memref<1x!tpu.dma_semaphore, #tpu.memory_space<semaphore_mem>> -> memref<!tpu.dma_semaphore, #tpu.memory_space<semaphore_mem>>
    tpu.wait_indirect_dma semaphore(%dma_wait3A_640 : memref<!tpu.dma_semaphore, #tpu.memory_space<semaphore_mem>>) src(%dma_wait3A_638 : memref<1000x128xf32, #tpu.memory_space<vmem_shared>>) dst(%dma_wait3A_633 : memref<64x128xf32, #tpu.memory_space<vmem>>)
    %dma_wait3A_641 = arith.constant 4 : i32
    %dma_wait3A_642 = arith.constant 4 : i32
    %dma_wait3A_643 = arith.constant 0 : i32
    %dma_wait3A_644 = arith.constant 0 : i32
    %dma_wait3A_645 = tpu.memref_slice %arg12[%dma_wait3A_641, %dma_wait3A_643, %dma_wait3A_644] : memref<6x64x128xf32, #tpu.memory_space<vmem>> -> memref<1x64x128xf32, #tpu.memory_space<vmem>>
    %dma_wait3A_646 = tpu.memref_squeeze %dma_wait3A_645 : memref<1x64x128xf32, #tpu.memory_space<vmem>> -> memref<64x128xf32, #tpu.memory_space<vmem>>
    %dma_wait3A_647 = arith.constant 256 : i32
    %dma_wait3A_648 = tpu.memref_slice %arg10[%dma_wait3A_647] : memref<512xi32, #tpu.memory_space<vmem>> -> memref<64xi32, #tpu.memory_space<vmem>>
    %dma_wait3A_649 = arith.constant 0 : i32
    %dma_wait3A_650 = arith.constant 0 : i32
    %dma_wait3A_651 = tpu.memref_slice %arg5[%dma_wait3A_649, %dma_wait3A_650] : memref<100000x128xf32, #tpu.memory_space<hbm>> -> memref<100000x128xf32, #tpu.memory_space<hbm>>
    %dma_wait3A_652 = tpu.memref_slice %arg16[%dma_wait3A_642] : memref<6x!tpu.dma_semaphore, #tpu.memory_space<semaphore_mem>> -> memref<1x!tpu.dma_semaphore, #tpu.memory_space<semaphore_mem>>
    %dma_wait3A_653 = tpu.memref_squeeze %dma_wait3A_652 : memref<1x!tpu.dma_semaphore, #tpu.memory_space<semaphore_mem>> -> memref<!tpu.dma_semaphore, #tpu.memory_space<semaphore_mem>>
    tpu.wait_indirect_dma semaphore(%dma_wait3A_653 : memref<!tpu.dma_semaphore, #tpu.memory_space<semaphore_mem>>) src(%dma_wait3A_651 : memref<100000x128xf32, #tpu.memory_space<hbm>>) dst(%dma_wait3A_646 : memref<64x128xf32, #tpu.memory_space<vmem>>)
    %scan3A_654 = arith.constant 0 : i32
    %scan3A_655 = arith.constant 0 : i32
    %scan3A_656 = arith.constant 64 : i32
    %scan3A_657 = arith.addi %scan3A_655, %scan3A_656 : i32
    %scan3A_658 = arith.constant 1 : i32
    scf.for %scan3A_976 = %scan3A_655 to %scan3A_657 step %scan3A_658  : i32 {
      %get3A = arith.constant 4 : i32
      %get3A_977 = arith.index_cast %get3A : i32 to index
      %get3A_978 = arith.index_cast %scan3A_976 : i32 to index
      %get3A_979 = arith.constant 0 : index
      %get3A_980 = tpu.vector_load %arg11[%get3A_977, %get3A_978, %get3A_979] {strides = array<i32>} : memref<6x64x128xf32, #tpu.memory_space<vmem>>, vector<1x1x16xf32>,
      %get3A_981 = vector.shape_cast %get3A_980 : vector<1x1x16xf32> to vector<16xf32>
      %get3A_982 = arith.constant 4 : i32
      %get3A_983 = arith.index_cast %get3A_982 : i32 to index
      %get3A_984 = arith.index_cast %scan3A_976 : i32 to index
      %get3A_985 = arith.constant 0 : index
      %get3A_986 = tpu.vector_load %arg12[%get3A_983, %get3A_984, %get3A_985] {strides = array<i32>} : memref<6x64x128xf32, #tpu.memory_space<vmem>>, vector<1x1x16xf32>,
      %get3A_987 = vector.shape_cast %get3A_986 : vector<1x1x16xf32> to vector<16xf32>
      %sub3A = arith.subf %get3A_981, %get3A_987 : vector<16xf32>
      %swap3A = arith.constant 4 : i32
      %swap3A_988 = arith.index_cast %swap3A : i32 to index
      %swap3A_989 = arith.index_cast %scan3A_976 : i32 to index
      %swap3A_990 = arith.constant 0 : index
      %swap3A_991 = tpu.vector_load %arg12[%swap3A_988, %swap3A_989, %swap3A_990] {strides = array<i32>} : memref<6x64x128xf32, #tpu.memory_space<vmem>>, vector<1x1x16xf32>,
      %swap3A_992 = vector.shape_cast %swap3A_991 : vector<1x1x16xf32> to vector<16xf32>
      %swap3A_993 = vector.shape_cast %sub3A : vector<16xf32> to vector<1x1x16xf32>
      tpu.vector_store %arg12[%swap3A_988, %swap3A_989, %swap3A_990], %swap3A_993 {strides = array<i32>} : memref<6x64x128xf32, #tpu.memory_space<vmem>>, vector<1x1x16xf32>,
      %get3A_994 = arith.constant 4 : i32
      %get3A_995 = arith.index_cast %get3A_994 : i32 to index
      %get3A_996 = arith.index_cast %scan3A_976 : i32 to index
      %get3A_997 = arith.constant 16 : index
      %get3A_998 = tpu.vector_load %arg11[%get3A_995, %get3A_996, %get3A_997] {strides = array<i32>} : memref<6x64x128xf32, #tpu.memory_space<vmem>>, vector<1x1x16xf32>,
      %get3A_999 = vector.shape_cast %get3A_998 : vector<1x1x16xf32> to vector<16xf32>
      %get3A_1000 = arith.constant 4 : i32
      %get3A_1001 = arith.index_cast %get3A_1000 : i32 to index
      %get3A_1002 = arith.index_cast %scan3A_976 : i32 to index
      %get3A_1003 = arith.constant 16 : index
      %get3A_1004 = tpu.vector_load %arg12[%get3A_1001, %get3A_1002, %get3A_1003] {strides = array<i32>} : memref<6x64x128xf32, #tpu.memory_space<vmem>>, vector<1x1x16xf32>,
      %get3A_1005 = vector.shape_cast %get3A_1004 : vector<1x1x16xf32> to vector<16xf32>
      %sub3A_1006 = arith.subf %get3A_999, %get3A_1005 : vector<16xf32>
      %swap3A_1007 = arith.constant 4 : i32
      %swap3A_1008 = arith.index_cast %swap3A_1007 : i32 to index
      %swap3A_1009 = arith.index_cast %scan3A_976 : i32 to index
      %swap3A_1010 = arith.constant 16 : index
      %swap3A_1011 = tpu.vector_load %arg12[%swap3A_1008, %swap3A_1009, %swap3A_1010] {strides = array<i32>} : memref<6x64x128xf32, #tpu.memory_space<vmem>>, vector<1x1x16xf32>,
      %swap3A_1012 = vector.shape_cast %swap3A_1011 : vector<1x1x16xf32> to vector<16xf32>
      %swap3A_1013 = vector.shape_cast %sub3A_1006 : vector<16xf32> to vector<1x1x16xf32>
      tpu.vector_store %arg12[%swap3A_1008, %swap3A_1009, %swap3A_1010], %swap3A_1013 {strides = array<i32>} : memref<6x64x128xf32, #tpu.memory_space<vmem>>, vector<1x1x16xf32>,
      %get3A_1014 = arith.constant 4 : i32
      %get3A_1015 = arith.index_cast %get3A_1014 : i32 to index
      %get3A_1016 = arith.index_cast %scan3A_976 : i32 to index
      %get3A_1017 = arith.constant 32 : index
      %get3A_1018 = tpu.vector_load %arg11[%get3A_1015, %get3A_1016, %get3A_1017] {strides = array<i32>} : memref<6x64x128xf32, #tpu.memory_space<vmem>>, vector<1x1x16xf32>,
      %get3A_1019 = vector.shape_cast %get3A_1018 : vector<1x1x16xf32> to vector<16xf32>
      %get3A_1020 = arith.constant 4 : i32
      %get3A_1021 = arith.index_cast %get3A_1020 : i32 to index
      %get3A_1022 = arith.index_cast %scan3A_976 : i32 to index
      %get3A_1023 = arith.constant 32 : index
      %get3A_1024 = tpu.vector_load %arg12[%get3A_1021, %get3A_1022, %get3A_1023] {strides = array<i32>} : memref<6x64x128xf32, #tpu.memory_space<vmem>>, vector<1x1x16xf32>,
      %get3A_1025 = vector.shape_cast %get3A_1024 : vector<1x1x16xf32> to vector<16xf32>
      %sub3A_1026 = arith.subf %get3A_1019, %get3A_1025 : vector<16xf32>
      %swap3A_1027 = arith.constant 4 : i32
      %swap3A_1028 = arith.index_cast %swap3A_1027 : i32 to index
      %swap3A_1029 = arith.index_cast %scan3A_976 : i32 to index
      %swap3A_1030 = arith.constant 32 : index
      %swap3A_1031 = tpu.vector_load %arg12[%swap3A_1028, %swap3A_1029, %swap3A_1030] {strides = array<i32>} : memref<6x64x128xf32, #tpu.memory_space<vmem>>, vector<1x1x16xf32>,
      %swap3A_1032 = vector.shape_cast %swap3A_1031 : vector<1x1x16xf32> to vector<16xf32>
      %swap3A_1033 = vector.shape_cast %sub3A_1026 : vector<16xf32> to vector<1x1x16xf32>
      tpu.vector_store %arg12[%swap3A_1028, %swap3A_1029, %swap3A_1030], %swap3A_1033 {strides = array<i32>} : memref<6x64x128xf32, #tpu.memory_space<vmem>>, vector<1x1x16xf32>,
      %get3A_1034 = arith.constant 4 : i32
      %get3A_1035 = arith.index_cast %get3A_1034 : i32 to index
      %get3A_1036 = arith.index_cast %scan3A_976 : i32 to index
      %get3A_1037 = arith.constant 48 : index
      %get3A_1038 = tpu.vector_load %arg11[%get3A_1035, %get3A_1036, %get3A_1037] {strides = array<i32>} : memref<6x64x128xf32, #tpu.memory_space<vmem>>, vector<1x1x16xf32>,
      %get3A_1039 = vector.shape_cast %get3A_1038 : vector<1x1x16xf32> to vector<16xf32>
      %get3A_1040 = arith.constant 4 : i32
      %get3A_1041 = arith.index_cast %get3A_1040 : i32 to index
      %get3A_1042 = arith.index_cast %scan3A_976 : i32 to index
      %get3A_1043 = arith.constant 48 : index
      %get3A_1044 = tpu.vector_load %arg12[%get3A_1041, %get3A_1042, %get3A_1043] {strides = array<i32>} : memref<6x64x128xf32, #tpu.memory_space<vmem>>, vector<1x1x16xf32>,
      %get3A_1045 = vector.shape_cast %get3A_1044 : vector<1x1x16xf32> to vector<16xf32>
      %sub3A_1046 = arith.subf %get3A_1039, %get3A_1045 : vector<16xf32>
      %swap3A_1047 = arith.constant 4 : i32
      %swap3A_1048 = arith.index_cast %swap3A_1047 : i32 to index
      %swap3A_1049 = arith.index_cast %scan3A_976 : i32 to index
      %swap3A_1050 = arith.constant 48 : index
      %swap3A_1051 = tpu.vector_load %arg12[%swap3A_1048, %swap3A_1049, %swap3A_1050] {strides = array<i32>} : memref<6x64x128xf32, #tpu.memory_space<vmem>>, vector<1x1x16xf32>,
      %swap3A_1052 = vector.shape_cast %swap3A_1051 : vector<1x1x16xf32> to vector<16xf32>
      %swap3A_1053 = vector.shape_cast %sub3A_1046 : vector<16xf32> to vector<1x1x16xf32>
      tpu.vector_store %arg12[%swap3A_1048, %swap3A_1049, %swap3A_1050], %swap3A_1053 {strides = array<i32>} : memref<6x64x128xf32, #tpu.memory_space<vmem>>, vector<1x1x16xf32>,
      %get3A_1054 = arith.constant 4 : i32
      %get3A_1055 = arith.index_cast %get3A_1054 : i32 to index
      %get3A_1056 = arith.index_cast %scan3A_976 : i32 to index
      %get3A_1057 = arith.constant 64 : index
      %get3A_1058 = tpu.vector_load %arg11[%get3A_1055, %get3A_1056, %get3A_1057] {strides = array<i32>} : memref<6x64x128xf32, #tpu.memory_space<vmem>>, vector<1x1x16xf32>,
      %get3A_1059 = vector.shape_cast %get3A_1058 : vector<1x1x16xf32> to vector<16xf32>
      %get3A_1060 = arith.constant 4 : i32
      %get3A_1061 = arith.index_cast %get3A_1060 : i32 to index
      %get3A_1062 = arith.index_cast %scan3A_976 : i32 to index
      %get3A_1063 = arith.constant 64 : index
      %get3A_1064 = tpu.vector_load %arg12[%get3A_1061, %get3A_1062, %get3A_1063] {strides = array<i32>} : memref<6x64x128xf32, #tpu.memory_space<vmem>>, vector<1x1x16xf32>,
      %get3A_1065 = vector.shape_cast %get3A_1064 : vector<1x1x16xf32> to vector<16xf32>
      %sub3A_1066 = arith.subf %get3A_1059, %get3A_1065 : vector<16xf32>
      %swap3A_1067 = arith.constant 4 : i32
      %swap3A_1068 = arith.index_cast %swap3A_1067 : i32 to index
      %swap3A_1069 = arith.index_cast %scan3A_976 : i32 to index
      %swap3A_1070 = arith.constant 64 : index
      %swap3A_1071 = tpu.vector_load %arg12[%swap3A_1068, %swap3A_1069, %swap3A_1070] {strides = array<i32>} : memref<6x64x128xf32, #tpu.memory_space<vmem>>, vector<1x1x16xf32>,
      %swap3A_1072 = vector.shape_cast %swap3A_1071 : vector<1x1x16xf32> to vector<16xf32>
      %swap3A_1073 = vector.shape_cast %sub3A_1066 : vector<16xf32> to vector<1x1x16xf32>
      tpu.vector_store %arg12[%swap3A_1068, %swap3A_1069, %swap3A_1070], %swap3A_1073 {strides = array<i32>} : memref<6x64x128xf32, #tpu.memory_space<vmem>>, vector<1x1x16xf32>,
      %get3A_1074 = arith.constant 4 : i32
      %get3A_1075 = arith.index_cast %get3A_1074 : i32 to index
      %get3A_1076 = arith.index_cast %scan3A_976 : i32 to index
      %get3A_1077 = arith.constant 80 : index
      %get3A_1078 = tpu.vector_load %arg11[%get3A_1075, %get3A_1076, %get3A_1077] {strides = array<i32>} : memref<6x64x128xf32, #tpu.memory_space<vmem>>, vector<1x1x16xf32>,
      %get3A_1079 = vector.shape_cast %get3A_1078 : vector<1x1x16xf32> to vector<16xf32>
      %get3A_1080 = arith.constant 4 : i32
      %get3A_1081 = arith.index_cast %get3A_1080 : i32 to index
      %get3A_1082 = arith.index_cast %scan3A_976 : i32 to index
      %get3A_1083 = arith.constant 80 : index
      %get3A_1084 = tpu.vector_load %arg12[%get3A_1081, %get3A_1082, %get3A_1083] {strides = array<i32>} : memref<6x64x128xf32, #tpu.memory_space<vmem>>, vector<1x1x16xf32>,
      %get3A_1085 = vector.shape_cast %get3A_1084 : vector<1x1x16xf32> to vector<16xf32>
      %sub3A_1086 = arith.subf %get3A_1079, %get3A_1085 : vector<16xf32>
      %swap3A_1087 = arith.constant 4 : i32
      %swap3A_1088 = arith.index_cast %swap3A_1087 : i32 to index
      %swap3A_1089 = arith.index_cast %scan3A_976 : i32 to index
      %swap3A_1090 = arith.constant 80 : index
      %swap3A_1091 = tpu.vector_load %arg12[%swap3A_1088, %swap3A_1089, %swap3A_1090] {strides = array<i32>} : memref<6x64x128xf32, #tpu.memory_space<vmem>>, vector<1x1x16xf32>,
      %swap3A_1092 = vector.shape_cast %swap3A_1091 : vector<1x1x16xf32> to vector<16xf32>
      %swap3A_1093 = vector.shape_cast %sub3A_1086 : vector<16xf32> to vector<1x1x16xf32>
      tpu.vector_store %arg12[%swap3A_1088, %swap3A_1089, %swap3A_1090], %swap3A_1093 {strides = array<i32>} : memref<6x64x128xf32, #tpu.memory_space<vmem>>, vector<1x1x16xf32>,
      %get3A_1094 = arith.constant 4 : i32
      %get3A_1095 = arith.index_cast %get3A_1094 : i32 to index
      %get3A_1096 = arith.index_cast %scan3A_976 : i32 to index
      %get3A_1097 = arith.constant 96 : index
      %get3A_1098 = tpu.vector_load %arg11[%get3A_1095, %get3A_1096, %get3A_1097] {strides = array<i32>} : memref<6x64x128xf32, #tpu.memory_space<vmem>>, vector<1x1x16xf32>,
      %get3A_1099 = vector.shape_cast %get3A_1098 : vector<1x1x16xf32> to vector<16xf32>
      %get3A_1100 = arith.constant 4 : i32
      %get3A_1101 = arith.index_cast %get3A_1100 : i32 to index
      %get3A_1102 = arith.index_cast %scan3A_976 : i32 to index
      %get3A_1103 = arith.constant 96 : index
      %get3A_1104 = tpu.vector_load %arg12[%get3A_1101, %get3A_1102, %get3A_1103] {strides = array<i32>} : memref<6x64x128xf32, #tpu.memory_space<vmem>>, vector<1x1x16xf32>,
      %get3A_1105 = vector.shape_cast %get3A_1104 : vector<1x1x16xf32> to vector<16xf32>
      %sub3A_1106 = arith.subf %get3A_1099, %get3A_1105 : vector<16xf32>
      %swap3A_1107 = arith.constant 4 : i32
      %swap3A_1108 = arith.index_cast %swap3A_1107 : i32 to index
      %swap3A_1109 = arith.index_cast %scan3A_976 : i32 to index
      %swap3A_1110 = arith.constant 96 : index
      %swap3A_1111 = tpu.vector_load %arg12[%swap3A_1108, %swap3A_1109, %swap3A_1110] {strides = array<i32>} : memref<6x64x128xf32, #tpu.memory_space<vmem>>, vector<1x1x16xf32>,
      %swap3A_1112 = vector.shape_cast %swap3A_1111 : vector<1x1x16xf32> to vector<16xf32>
      %swap3A_1113 = vector.shape_cast %sub3A_1106 : vector<16xf32> to vector<1x1x16xf32>
      tpu.vector_store %arg12[%swap3A_1108, %swap3A_1109, %swap3A_1110], %swap3A_1113 {strides = array<i32>} : memref<6x64x128xf32, #tpu.memory_space<vmem>>, vector<1x1x16xf32>,
      %get3A_1114 = arith.constant 4 : i32
      %get3A_1115 = arith.index_cast %get3A_1114 : i32 to index
      %get3A_1116 = arith.index_cast %scan3A_976 : i32 to index
      %get3A_1117 = arith.constant 112 : index
      %get3A_1118 = tpu.vector_load %arg11[%get3A_1115, %get3A_1116, %get3A_1117] {strides = array<i32>} : memref<6x64x128xf32, #tpu.memory_space<vmem>>, vector<1x1x16xf32>,
      %get3A_1119 = vector.shape_cast %get3A_1118 : vector<1x1x16xf32> to vector<16xf32>
      %get3A_1120 = arith.constant 4 : i32
      %get3A_1121 = arith.index_cast %get3A_1120 : i32 to index
      %get3A_1122 = arith.index_cast %scan3A_976 : i32 to index
      %get3A_1123 = arith.constant 112 : index
      %get3A_1124 = tpu.vector_load %arg12[%get3A_1121, %get3A_1122, %get3A_1123] {strides = array<i32>} : memref<6x64x128xf32, #tpu.memory_space<vmem>>, vector<1x1x16xf32>,
      %get3A_1125 = vector.shape_cast %get3A_1124 : vector<1x1x16xf32> to vector<16xf32>
      %sub3A_1126 = arith.subf %get3A_1119, %get3A_1125 : vector<16xf32>
      %swap3A_1127 = arith.constant 4 : i32
      %swap3A_1128 = arith.index_cast %swap3A_1127 : i32 to index
      %swap3A_1129 = arith.index_cast %scan3A_976 : i32 to index
      %swap3A_1130 = arith.constant 112 : index
      %swap3A_1131 = tpu.vector_load %arg12[%swap3A_1128, %swap3A_1129, %swap3A_1130] {strides = array<i32>} : memref<6x64x128xf32, #tpu.memory_space<vmem>>, vector<1x1x16xf32>,
      %swap3A_1132 = vector.shape_cast %swap3A_1131 : vector<1x1x16xf32> to vector<16xf32>
      %swap3A_1133 = vector.shape_cast %sub3A_1126 : vector<16xf32> to vector<1x1x16xf32>
      tpu.vector_store %arg12[%swap3A_1128, %swap3A_1129, %swap3A_1130], %swap3A_1133 {strides = array<i32>} : memref<6x64x128xf32, #tpu.memory_space<vmem>>, vector<1x1x16xf32>,
    }
    %scan3A_659 = arith.constant 64 : i32
    %add3A_660 = arith.constant 256 : i32
    %add3A_661 = arith.addi %mul3A_2, %add3A_660 : i32
    %dma_start3A_662 = arith.constant 4 : i32
    %dma_start3A_663 = arith.constant 4 : i32
    %dma_start3A_664 = arith.constant 0 : i32
    %dma_start3A_665 = arith.constant 0 : i32
    %dma_start3A_666 = tpu.memref_slice %arg12[%dma_start3A_662, %dma_start3A_664, %dma_start3A_665] : memref<6x64x128xf32, #tpu.memory_space<vmem>> -> memref<1x64x128xf32, #tpu.memory_space<vmem>>
    %dma_start3A_667 = tpu.memref_squeeze %dma_start3A_666 : memref<1x64x128xf32, #tpu.memory_space<vmem>> -> memref<64x128xf32, #tpu.memory_space<vmem>>
    %dma_start3A_668 = arith.constant 0 : i32
    %dma_start3A_669 = tpu.memref_slice %arg7[%add3A_661, %dma_start3A_668] : memref<16384x128xf32, #tpu.memory_space<hbm>> -> memref<64x128xf32, #tpu.memory_space<hbm>>
    %dma_start3A_670 = tpu.memref_slice %arg17[%dma_start3A_663] : memref<6x!tpu.dma_semaphore, #tpu.memory_space<semaphore_mem>> -> memref<1x!tpu.dma_semaphore, #tpu.memory_space<semaphore_mem>>
    %dma_start3A_671 = tpu.memref_squeeze %dma_start3A_670 : memref<1x!tpu.dma_semaphore, #tpu.memory_space<semaphore_mem>> -> memref<!tpu.dma_semaphore, #tpu.memory_space<semaphore_mem>>
    %dma_start3A_672 = arith.constant 0 : i32
    %dma_start3A_673 = tpu.memref_slice %arg7[%add3A_661, %dma_start3A_672] : memref<16384x128xf32, #tpu.memory_space<hbm>> -> memref<64x128xf32, #tpu.memory_space<hbm>>
    %dma_start3A_674 = arith.constant 0 : i32
    %dma_start3A_675 = arith.constant 0 : i32
    %dma_start3A_676 = tpu.memref_slice %arg12[%dma_start3A_662, %dma_start3A_674, %dma_start3A_675] : memref<6x64x128xf32, #tpu.memory_space<vmem>> -> memref<1x64x128xf32, #tpu.memory_space<vmem>>
    %dma_start3A_677 = tpu.memref_squeeze %dma_start3A_676 : memref<1x64x128xf32, #tpu.memory_space<vmem>> -> memref<64x128xf32, #tpu.memory_space<vmem>>
    tpu.enqueue_dma source(%dma_start3A_677 : memref<64x128xf32, #tpu.memory_space<vmem>>) target(%dma_start3A_673 : memref<64x128xf32, #tpu.memory_space<hbm>>) target_semaphore(%dma_start3A_671 : memref<!tpu.dma_semaphore, #tpu.memory_space<semaphore_mem>>)
    %dma_wait3A_678 = arith.constant 0 : i32
    %dma_wait3A_679 = arith.constant 0 : i32
    %dma_wait3A_680 = arith.constant 0 : i32
    %dma_wait3A_681 = arith.constant 0 : i32
    %dma_wait3A_682 = tpu.memref_slice %arg11[%dma_wait3A_678, %dma_wait3A_680, %dma_wait3A_681] : memref<6x64x128xf32, #tpu.memory_space<vmem>> -> memref<1x64x128xf32, #tpu.memory_space<vmem>>
    %dma_wait3A_683 = tpu.memref_squeeze %dma_wait3A_682 : memref<1x64x128xf32, #tpu.memory_space<vmem>> -> memref<64x128xf32, #tpu.memory_space<vmem>>
    %dma_wait3A_684 = arith.constant 384 : i32
    %dma_wait3A_685 = tpu.memref_slice %arg8[%dma_wait3A_684] : memref<512xi32, #tpu.memory_space<vmem>> -> memref<64xi32, #tpu.memory_space<vmem>>
    %dma_wait3A_686 = arith.constant 0 : i32
    %dma_wait3A_687 = arith.constant 0 : i32
    %dma_wait3A_688 = tpu.memref_slice %arg5[%dma_wait3A_686, %dma_wait3A_687] : memref<100000x128xf32, #tpu.memory_space<hbm>> -> memref<100000x128xf32, #tpu.memory_space<hbm>>
    %dma_wait3A_689 = tpu.memref_slice %arg14[%dma_wait3A_679] : memref<6x!tpu.dma_semaphore, #tpu.memory_space<semaphore_mem>> -> memref<1x!tpu.dma_semaphore, #tpu.memory_space<semaphore_mem>>
    %dma_wait3A_690 = tpu.memref_squeeze %dma_wait3A_689 : memref<1x!tpu.dma_semaphore, #tpu.memory_space<semaphore_mem>> -> memref<!tpu.dma_semaphore, #tpu.memory_space<semaphore_mem>>
    tpu.wait_indirect_dma semaphore(%dma_wait3A_690 : memref<!tpu.dma_semaphore, #tpu.memory_space<semaphore_mem>>) src(%dma_wait3A_688 : memref<100000x128xf32, #tpu.memory_space<hbm>>) dst(%dma_wait3A_683 : memref<64x128xf32, #tpu.memory_space<vmem>>)
    %dma_start3A_691 = arith.constant 0 : i32
    %dma_start3A_692 = arith.constant 0 : i32
    %dma_start3A_693 = arith.constant 0 : i32
    %dma_start3A_694 = arith.constant 0 : i32
    %dma_start3A_695 = tpu.memref_slice %arg11[%dma_start3A_691, %dma_start3A_693, %dma_start3A_694] : memref<6x64x128xf32, #tpu.memory_space<vmem>> -> memref<1x64x128xf32, #tpu.memory_space<vmem>>
    %dma_start3A_696 = tpu.memref_squeeze %dma_start3A_695 : memref<1x64x128xf32, #tpu.memory_space<vmem>> -> memref<64x128xf32, #tpu.memory_space<vmem>>
    %dma_start3A_697 = arith.constant 384 : i32
    %dma_start3A_698 = tpu.memref_slice %arg9[%dma_start3A_697] : memref<512xi32, #tpu.memory_space<vmem>> -> memref<64xi32, #tpu.memory_space<vmem>>
    %dma_start3A_699 = arith.constant 0 : i32
    %dma_start3A_700 = arith.constant 0 : i32
    %dma_start3A_701 = tpu.memref_slice %arg13[%dma_start3A_699, %dma_start3A_700] : memref<1000x128xf32, #tpu.memory_space<vmem_shared>> -> memref<1000x128xf32, #tpu.memory_space<vmem_shared>>
    %dma_start3A_702 = tpu.memref_slice %arg15[%dma_start3A_692] : memref<6x!tpu.dma_semaphore, #tpu.memory_space<semaphore_mem>> -> memref<1x!tpu.dma_semaphore, #tpu.memory_space<semaphore_mem>>
    %dma_start3A_703 = tpu.memref_squeeze %dma_start3A_702 : memref<1x!tpu.dma_semaphore, #tpu.memory_space<semaphore_mem>> -> memref<!tpu.dma_semaphore, #tpu.memory_space<semaphore_mem>>
    tpu.enqueue_indirect_dma source(%dma_start3A_701 : memref<1000x128xf32, #tpu.memory_space<vmem_shared>>) target(%dma_start3A_696 : memref<64x128xf32, #tpu.memory_space<vmem>>) offsets(%dma_start3A_698 : memref<64xi32, #tpu.memory_space<vmem>>) semaphore(%dma_start3A_703 : memref<!tpu.dma_semaphore, #tpu.memory_space<semaphore_mem>>) {add = true}
    %dma_wait3A_704 = arith.constant 5 : i32
    %dma_wait3A_705 = arith.constant 5 : i32
    %dma_wait3A_706 = arith.constant 0 : i32
    %dma_wait3A_707 = arith.constant 0 : i32
    %dma_wait3A_708 = tpu.memref_slice %arg11[%dma_wait3A_704, %dma_wait3A_706, %dma_wait3A_707] : memref<6x64x128xf32, #tpu.memory_space<vmem>> -> memref<1x64x128xf32, #tpu.memory_space<vmem>>
    %dma_wait3A_709 = tpu.memref_squeeze %dma_wait3A_708 : memref<1x64x128xf32, #tpu.memory_space<vmem>> -> memref<64x128xf32, #tpu.memory_space<vmem>>
    %dma_wait3A_710 = arith.constant 320 : i32
    %dma_wait3A_711 = tpu.memref_slice %arg9[%dma_wait3A_710] : memref<512xi32, #tpu.memory_space<vmem>> -> memref<64xi32, #tpu.memory_space<vmem>>
    %dma_wait3A_712 = arith.constant 0 : i32
    %dma_wait3A_713 = arith.constant 0 : i32
    %dma_wait3A_714 = tpu.memref_slice %arg13[%dma_wait3A_712, %dma_wait3A_713] : memref<1000x128xf32, #tpu.memory_space<vmem_shared>> -> memref<1000x128xf32, #tpu.memory_space<vmem_shared>>
    %dma_wait3A_715 = tpu.memref_slice %arg15[%dma_wait3A_705] : memref<6x!tpu.dma_semaphore, #tpu.memory_space<semaphore_mem>> -> memref<1x!tpu.dma_semaphore, #tpu.memory_space<semaphore_mem>>
    %dma_wait3A_716 = tpu.memref_squeeze %dma_wait3A_715 : memref<1x!tpu.dma_semaphore, #tpu.memory_space<semaphore_mem>> -> memref<!tpu.dma_semaphore, #tpu.memory_space<semaphore_mem>>
    tpu.wait_indirect_dma semaphore(%dma_wait3A_716 : memref<!tpu.dma_semaphore, #tpu.memory_space<semaphore_mem>>) src(%dma_wait3A_714 : memref<1000x128xf32, #tpu.memory_space<vmem_shared>>) dst(%dma_wait3A_709 : memref<64x128xf32, #tpu.memory_space<vmem>>)
    %dma_wait3A_717 = arith.constant 5 : i32
    %dma_wait3A_718 = arith.constant 5 : i32
    %dma_wait3A_719 = arith.constant 0 : i32
    %dma_wait3A_720 = arith.constant 0 : i32
    %dma_wait3A_721 = tpu.memref_slice %arg12[%dma_wait3A_717, %dma_wait3A_719, %dma_wait3A_720] : memref<6x64x128xf32, #tpu.memory_space<vmem>> -> memref<1x64x128xf32, #tpu.memory_space<vmem>>
    %dma_wait3A_722 = tpu.memref_squeeze %dma_wait3A_721 : memref<1x64x128xf32, #tpu.memory_space<vmem>> -> memref<64x128xf32, #tpu.memory_space<vmem>>
    %dma_wait3A_723 = arith.constant 320 : i32
    %dma_wait3A_724 = tpu.memref_slice %arg10[%dma_wait3A_723] : memref<512xi32, #tpu.memory_space<vmem>> -> memref<64xi32, #tpu.memory_space<vmem>>
    %dma_wait3A_725 = arith.constant 0 : i32
    %dma_wait3A_726 = arith.constant 0 : i32
    %dma_wait3A_727 = tpu.memref_slice %arg5[%dma_wait3A_725, %dma_wait3A_726] : memref<100000x128xf32, #tpu.memory_space<hbm>> -> memref<100000x128xf32, #tpu.memory_space<hbm>>
    %dma_wait3A_728 = tpu.memref_slice %arg16[%dma_wait3A_718] : memref<6x!tpu.dma_semaphore, #tpu.memory_space<semaphore_mem>> -> memref<1x!tpu.dma_semaphore, #tpu.memory_space<semaphore_mem>>
    %dma_wait3A_729 = tpu.memref_squeeze %dma_wait3A_728 : memref<1x!tpu.dma_semaphore, #tpu.memory_space<semaphore_mem>> -> memref<!tpu.dma_semaphore, #tpu.memory_space<semaphore_mem>>
    tpu.wait_indirect_dma semaphore(%dma_wait3A_729 : memref<!tpu.dma_semaphore, #tpu.memory_space<semaphore_mem>>) src(%dma_wait3A_727 : memref<100000x128xf32, #tpu.memory_space<hbm>>) dst(%dma_wait3A_722 : memref<64x128xf32, #tpu.memory_space<vmem>>)
    %scan3A_730 = arith.constant 0 : i32
    %scan3A_731 = arith.constant 0 : i32
    %scan3A_732 = arith.constant 64 : i32
    %scan3A_733 = arith.addi %scan3A_731, %scan3A_732 : i32
    %scan3A_734 = arith.constant 1 : i32
    scf.for %scan3A_976 = %scan3A_731 to %scan3A_733 step %scan3A_734  : i32 {
      %get3A = arith.constant 5 : i32
      %get3A_977 = arith.index_cast %get3A : i32 to index
      %get3A_978 = arith.index_cast %scan3A_976 : i32 to index
      %get3A_979 = arith.constant 0 : index
      %get3A_980 = tpu.vector_load %arg11[%get3A_977, %get3A_978, %get3A_979] {strides = array<i32>} : memref<6x64x128xf32, #tpu.memory_space<vmem>>, vector<1x1x16xf32>,
      %get3A_981 = vector.shape_cast %get3A_980 : vector<1x1x16xf32> to vector<16xf32>
      %get3A_982 = arith.constant 5 : i32
      %get3A_983 = arith.index_cast %get3A_982 : i32 to index
      %get3A_984 = arith.index_cast %scan3A_976 : i32 to index
      %get3A_985 = arith.constant 0 : index
      %get3A_986 = tpu.vector_load %arg12[%get3A_983, %get3A_984, %get3A_985] {strides = array<i32>} : memref<6x64x128xf32, #tpu.memory_space<vmem>>, vector<1x1x16xf32>,
      %get3A_987 = vector.shape_cast %get3A_986 : vector<1x1x16xf32> to vector<16xf32>
      %sub3A = arith.subf %get3A_981, %get3A_987 : vector<16xf32>
      %swap3A = arith.constant 5 : i32
      %swap3A_988 = arith.index_cast %swap3A : i32 to index
      %swap3A_989 = arith.index_cast %scan3A_976 : i32 to index
      %swap3A_990 = arith.constant 0 : index
      %swap3A_991 = tpu.vector_load %arg12[%swap3A_988, %swap3A_989, %swap3A_990] {strides = array<i32>} : memref<6x64x128xf32, #tpu.memory_space<vmem>>, vector<1x1x16xf32>,
      %swap3A_992 = vector.shape_cast %swap3A_991 : vector<1x1x16xf32> to vector<16xf32>
      %swap3A_993 = vector.shape_cast %sub3A : vector<16xf32> to vector<1x1x16xf32>
      tpu.vector_store %arg12[%swap3A_988, %swap3A_989, %swap3A_990], %swap3A_993 {strides = array<i32>} : memref<6x64x128xf32, #tpu.memory_space<vmem>>, vector<1x1x16xf32>,
      %get3A_994 = arith.constant 5 : i32
      %get3A_995 = arith.index_cast %get3A_994 : i32 to index
      %get3A_996 = arith.index_cast %scan3A_976 : i32 to index
      %get3A_997 = arith.constant 16 : index
      %get3A_998 = tpu.vector_load %arg11[%get3A_995, %get3A_996, %get3A_997] {strides = array<i32>} : memref<6x64x128xf32, #tpu.memory_space<vmem>>, vector<1x1x16xf32>,
      %get3A_999 = vector.shape_cast %get3A_998 : vector<1x1x16xf32> to vector<16xf32>
      %get3A_1000 = arith.constant 5 : i32
      %get3A_1001 = arith.index_cast %get3A_1000 : i32 to index
      %get3A_1002 = arith.index_cast %scan3A_976 : i32 to index
      %get3A_1003 = arith.constant 16 : index
      %get3A_1004 = tpu.vector_load %arg12[%get3A_1001, %get3A_1002, %get3A_1003] {strides = array<i32>} : memref<6x64x128xf32, #tpu.memory_space<vmem>>, vector<1x1x16xf32>,
      %get3A_1005 = vector.shape_cast %get3A_1004 : vector<1x1x16xf32> to vector<16xf32>
      %sub3A_1006 = arith.subf %get3A_999, %get3A_1005 : vector<16xf32>
      %swap3A_1007 = arith.constant 5 : i32
      %swap3A_1008 = arith.index_cast %swap3A_1007 : i32 to index
      %swap3A_1009 = arith.index_cast %scan3A_976 : i32 to index
      %swap3A_1010 = arith.constant 16 : index
      %swap3A_1011 = tpu.vector_load %arg12[%swap3A_1008, %swap3A_1009, %swap3A_1010] {strides = array<i32>} : memref<6x64x128xf32, #tpu.memory_space<vmem>>, vector<1x1x16xf32>,
      %swap3A_1012 = vector.shape_cast %swap3A_1011 : vector<1x1x16xf32> to vector<16xf32>
      %swap3A_1013 = vector.shape_cast %sub3A_1006 : vector<16xf32> to vector<1x1x16xf32>
      tpu.vector_store %arg12[%swap3A_1008, %swap3A_1009, %swap3A_1010], %swap3A_1013 {strides = array<i32>} : memref<6x64x128xf32, #tpu.memory_space<vmem>>, vector<1x1x16xf32>,
      %get3A_1014 = arith.constant 5 : i32
      %get3A_1015 = arith.index_cast %get3A_1014 : i32 to index
      %get3A_1016 = arith.index_cast %scan3A_976 : i32 to index
      %get3A_1017 = arith.constant 32 : index
      %get3A_1018 = tpu.vector_load %arg11[%get3A_1015, %get3A_1016, %get3A_1017] {strides = array<i32>} : memref<6x64x128xf32, #tpu.memory_space<vmem>>, vector<1x1x16xf32>,
      %get3A_1019 = vector.shape_cast %get3A_1018 : vector<1x1x16xf32> to vector<16xf32>
      %get3A_1020 = arith.constant 5 : i32
      %get3A_1021 = arith.index_cast %get3A_1020 : i32 to index
      %get3A_1022 = arith.index_cast %scan3A_976 : i32 to index
      %get3A_1023 = arith.constant 32 : index
      %get3A_1024 = tpu.vector_load %arg12[%get3A_1021, %get3A_1022, %get3A_1023] {strides = array<i32>} : memref<6x64x128xf32, #tpu.memory_space<vmem>>, vector<1x1x16xf32>,
      %get3A_1025 = vector.shape_cast %get3A_1024 : vector<1x1x16xf32> to vector<16xf32>
      %sub3A_1026 = arith.subf %get3A_1019, %get3A_1025 : vector<16xf32>
      %swap3A_1027 = arith.constant 5 : i32
      %swap3A_1028 = arith.index_cast %swap3A_1027 : i32 to index
      %swap3A_1029 = arith.index_cast %scan3A_976 : i32 to index
      %swap3A_1030 = arith.constant 32 : index
      %swap3A_1031 = tpu.vector_load %arg12[%swap3A_1028, %swap3A_1029, %swap3A_1030] {strides = array<i32>} : memref<6x64x128xf32, #tpu.memory_space<vmem>>, vector<1x1x16xf32>,
      %swap3A_1032 = vector.shape_cast %swap3A_1031 : vector<1x1x16xf32> to vector<16xf32>
      %swap3A_1033 = vector.shape_cast %sub3A_1026 : vector<16xf32> to vector<1x1x16xf32>
      tpu.vector_store %arg12[%swap3A_1028, %swap3A_1029, %swap3A_1030], %swap3A_1033 {strides = array<i32>} : memref<6x64x128xf32, #tpu.memory_space<vmem>>, vector<1x1x16xf32>,
      %get3A_1034 = arith.constant 5 : i32
      %get3A_1035 = arith.index_cast %get3A_1034 : i32 to index
      %get3A_1036 = arith.index_cast %scan3A_976 : i32 to index
      %get3A_1037 = arith.constant 48 : index
      %get3A_1038 = tpu.vector_load %arg11[%get3A_1035, %get3A_1036, %get3A_1037] {strides = array<i32>} : memref<6x64x128xf32, #tpu.memory_space<vmem>>, vector<1x1x16xf32>,
      %get3A_1039 = vector.shape_cast %get3A_1038 : vector<1x1x16xf32> to vector<16xf32>
      %get3A_1040 = arith.constant 5 : i32
      %get3A_1041 = arith.index_cast %get3A_1040 : i32 to index
      %get3A_1042 = arith.index_cast %scan3A_976 : i32 to index
      %get3A_1043 = arith.constant 48 : index
      %get3A_1044 = tpu.vector_load %arg12[%get3A_1041, %get3A_1042, %get3A_1043] {strides = array<i32>} : memref<6x64x128xf32, #tpu.memory_space<vmem>>, vector<1x1x16xf32>,
      %get3A_1045 = vector.shape_cast %get3A_1044 : vector<1x1x16xf32> to vector<16xf32>
      %sub3A_1046 = arith.subf %get3A_1039, %get3A_1045 : vector<16xf32>
      %swap3A_1047 = arith.constant 5 : i32
      %swap3A_1048 = arith.index_cast %swap3A_1047 : i32 to index
      %swap3A_1049 = arith.index_cast %scan3A_976 : i32 to index
      %swap3A_1050 = arith.constant 48 : index
      %swap3A_1051 = tpu.vector_load %arg12[%swap3A_1048, %swap3A_1049, %swap3A_1050] {strides = array<i32>} : memref<6x64x128xf32, #tpu.memory_space<vmem>>, vector<1x1x16xf32>,
      %swap3A_1052 = vector.shape_cast %swap3A_1051 : vector<1x1x16xf32> to vector<16xf32>
      %swap3A_1053 = vector.shape_cast %sub3A_1046 : vector<16xf32> to vector<1x1x16xf32>
      tpu.vector_store %arg12[%swap3A_1048, %swap3A_1049, %swap3A_1050], %swap3A_1053 {strides = array<i32>} : memref<6x64x128xf32, #tpu.memory_space<vmem>>, vector<1x1x16xf32>,
      %get3A_1054 = arith.constant 5 : i32
      %get3A_1055 = arith.index_cast %get3A_1054 : i32 to index
      %get3A_1056 = arith.index_cast %scan3A_976 : i32 to index
      %get3A_1057 = arith.constant 64 : index
      %get3A_1058 = tpu.vector_load %arg11[%get3A_1055, %get3A_1056, %get3A_1057] {strides = array<i32>} : memref<6x64x128xf32, #tpu.memory_space<vmem>>, vector<1x1x16xf32>,
      %get3A_1059 = vector.shape_cast %get3A_1058 : vector<1x1x16xf32> to vector<16xf32>
      %get3A_1060 = arith.constant 5 : i32
      %get3A_1061 = arith.index_cast %get3A_1060 : i32 to index
      %get3A_1062 = arith.index_cast %scan3A_976 : i32 to index
      %get3A_1063 = arith.constant 64 : index
      %get3A_1064 = tpu.vector_load %arg12[%get3A_1061, %get3A_1062, %get3A_1063] {strides = array<i32>} : memref<6x64x128xf32, #tpu.memory_space<vmem>>, vector<1x1x16xf32>,
      %get3A_1065 = vector.shape_cast %get3A_1064 : vector<1x1x16xf32> to vector<16xf32>
      %sub3A_1066 = arith.subf %get3A_1059, %get3A_1065 : vector<16xf32>
      %swap3A_1067 = arith.constant 5 : i32
      %swap3A_1068 = arith.index_cast %swap3A_1067 : i32 to index
      %swap3A_1069 = arith.index_cast %scan3A_976 : i32 to index
      %swap3A_1070 = arith.constant 64 : index
      %swap3A_1071 = tpu.vector_load %arg12[%swap3A_1068, %swap3A_1069, %swap3A_1070] {strides = array<i32>} : memref<6x64x128xf32, #tpu.memory_space<vmem>>, vector<1x1x16xf32>,
      %swap3A_1072 = vector.shape_cast %swap3A_1071 : vector<1x1x16xf32> to vector<16xf32>
      %swap3A_1073 = vector.shape_cast %sub3A_1066 : vector<16xf32> to vector<1x1x16xf32>
      tpu.vector_store %arg12[%swap3A_1068, %swap3A_1069, %swap3A_1070], %swap3A_1073 {strides = array<i32>} : memref<6x64x128xf32, #tpu.memory_space<vmem>>, vector<1x1x16xf32>,
      %get3A_1074 = arith.constant 5 : i32
      %get3A_1075 = arith.index_cast %get3A_1074 : i32 to index
      %get3A_1076 = arith.index_cast %scan3A_976 : i32 to index
      %get3A_1077 = arith.constant 80 : index
      %get3A_1078 = tpu.vector_load %arg11[%get3A_1075, %get3A_1076, %get3A_1077] {strides = array<i32>} : memref<6x64x128xf32, #tpu.memory_space<vmem>>, vector<1x1x16xf32>,
      %get3A_1079 = vector.shape_cast %get3A_1078 : vector<1x1x16xf32> to vector<16xf32>
      %get3A_1080 = arith.constant 5 : i32
      %get3A_1081 = arith.index_cast %get3A_1080 : i32 to index
      %get3A_1082 = arith.index_cast %scan3A_976 : i32 to index
      %get3A_1083 = arith.constant 80 : index
      %get3A_1084 = tpu.vector_load %arg12[%get3A_1081, %get3A_1082, %get3A_1083] {strides = array<i32>} : memref<6x64x128xf32, #tpu.memory_space<vmem>>, vector<1x1x16xf32>,
      %get3A_1085 = vector.shape_cast %get3A_1084 : vector<1x1x16xf32> to vector<16xf32>
      %sub3A_1086 = arith.subf %get3A_1079, %get3A_1085 : vector<16xf32>
      %swap3A_1087 = arith.constant 5 : i32
      %swap3A_1088 = arith.index_cast %swap3A_1087 : i32 to index
      %swap3A_1089 = arith.index_cast %scan3A_976 : i32 to index
      %swap3A_1090 = arith.constant 80 : index
      %swap3A_1091 = tpu.vector_load %arg12[%swap3A_1088, %swap3A_1089, %swap3A_1090] {strides = array<i32>} : memref<6x64x128xf32, #tpu.memory_space<vmem>>, vector<1x1x16xf32>,
      %swap3A_1092 = vector.shape_cast %swap3A_1091 : vector<1x1x16xf32> to vector<16xf32>
      %swap3A_1093 = vector.shape_cast %sub3A_1086 : vector<16xf32> to vector<1x1x16xf32>
      tpu.vector_store %arg12[%swap3A_1088, %swap3A_1089, %swap3A_1090], %swap3A_1093 {strides = array<i32>} : memref<6x64x128xf32, #tpu.memory_space<vmem>>, vector<1x1x16xf32>,
      %get3A_1094 = arith.constant 5 : i32
      %get3A_1095 = arith.index_cast %get3A_1094 : i32 to index
      %get3A_1096 = arith.index_cast %scan3A_976 : i32 to index
      %get3A_1097 = arith.constant 96 : index
      %get3A_1098 = tpu.vector_load %arg11[%get3A_1095, %get3A_1096, %get3A_1097] {strides = array<i32>} : memref<6x64x128xf32, #tpu.memory_space<vmem>>, vector<1x1x16xf32>,
      %get3A_1099 = vector.shape_cast %get3A_1098 : vector<1x1x16xf32> to vector<16xf32>
      %get3A_1100 = arith.constant 5 : i32
      %get3A_1101 = arith.index_cast %get3A_1100 : i32 to index
      %get3A_1102 = arith.index_cast %scan3A_976 : i32 to index
      %get3A_1103 = arith.constant 96 : index
      %get3A_1104 = tpu.vector_load %arg12[%get3A_1101, %get3A_1102, %get3A_1103] {strides = array<i32>} : memref<6x64x128xf32, #tpu.memory_space<vmem>>, vector<1x1x16xf32>,
      %get3A_1105 = vector.shape_cast %get3A_1104 : vector<1x1x16xf32> to vector<16xf32>
      %sub3A_1106 = arith.subf %get3A_1099, %get3A_1105 : vector<16xf32>
      %swap3A_1107 = arith.constant 5 : i32
      %swap3A_1108 = arith.index_cast %swap3A_1107 : i32 to index
      %swap3A_1109 = arith.index_cast %scan3A_976 : i32 to index
      %swap3A_1110 = arith.constant 96 : index
      %swap3A_1111 = tpu.vector_load %arg12[%swap3A_1108, %swap3A_1109, %swap3A_1110] {strides = array<i32>} : memref<6x64x128xf32, #tpu.memory_space<vmem>>, vector<1x1x16xf32>,
      %swap3A_1112 = vector.shape_cast %swap3A_1111 : vector<1x1x16xf32> to vector<16xf32>
      %swap3A_1113 = vector.shape_cast %sub3A_1106 : vector<16xf32> to vector<1x1x16xf32>
      tpu.vector_store %arg12[%swap3A_1108, %swap3A_1109, %swap3A_1110], %swap3A_1113 {strides = array<i32>} : memref<6x64x128xf32, #tpu.memory_space<vmem>>, vector<1x1x16xf32>,
      %get3A_1114 = arith.constant 5 : i32
      %get3A_1115 = arith.index_cast %get3A_1114 : i32 to index
      %get3A_1116 = arith.index_cast %scan3A_976 : i32 to index
      %get3A_1117 = arith.constant 112 : index
      %get3A_1118 = tpu.vector_load %arg11[%get3A_1115, %get3A_1116, %get3A_1117] {strides = array<i32>} : memref<6x64x128xf32, #tpu.memory_space<vmem>>, vector<1x1x16xf32>,
      %get3A_1119 = vector.shape_cast %get3A_1118 : vector<1x1x16xf32> to vector<16xf32>
      %get3A_1120 = arith.constant 5 : i32
      %get3A_1121 = arith.index_cast %get3A_1120 : i32 to index
      %get3A_1122 = arith.index_cast %scan3A_976 : i32 to index
      %get3A_1123 = arith.constant 112 : index
      %get3A_1124 = tpu.vector_load %arg12[%get3A_1121, %get3A_1122, %get3A_1123] {strides = array<i32>} : memref<6x64x128xf32, #tpu.memory_space<vmem>>, vector<1x1x16xf32>,
      %get3A_1125 = vector.shape_cast %get3A_1124 : vector<1x1x16xf32> to vector<16xf32>
      %sub3A_1126 = arith.subf %get3A_1119, %get3A_1125 : vector<16xf32>
      %swap3A_1127 = arith.constant 5 : i32
      %swap3A_1128 = arith.index_cast %swap3A_1127 : i32 to index
      %swap3A_1129 = arith.index_cast %scan3A_976 : i32 to index
      %swap3A_1130 = arith.constant 112 : index
      %swap3A_1131 = tpu.vector_load %arg12[%swap3A_1128, %swap3A_1129, %swap3A_1130] {strides = array<i32>} : memref<6x64x128xf32, #tpu.memory_space<vmem>>, vector<1x1x16xf32>,
      %swap3A_1132 = vector.shape_cast %swap3A_1131 : vector<1x1x16xf32> to vector<16xf32>
      %swap3A_1133 = vector.shape_cast %sub3A_1126 : vector<16xf32> to vector<1x1x16xf32>
      tpu.vector_store %arg12[%swap3A_1128, %swap3A_1129, %swap3A_1130], %swap3A_1133 {strides = array<i32>} : memref<6x64x128xf32, #tpu.memory_space<vmem>>, vector<1x1x16xf32>,
    }
    %scan3A_735 = arith.constant 64 : i32
    %add3A_736 = arith.constant 320 : i32
    %add3A_737 = arith.addi %mul3A_2, %add3A_736 : i32
    %dma_start3A_738 = arith.constant 5 : i32
    %dma_start3A_739 = arith.constant 5 : i32
    %dma_start3A_740 = arith.constant 0 : i32
    %dma_start3A_741 = arith.constant 0 : i32
    %dma_start3A_742 = tpu.memref_slice %arg12[%dma_start3A_738, %dma_start3A_740, %dma_start3A_741] : memref<6x64x128xf32, #tpu.memory_space<vmem>> -> memref<1x64x128xf32, #tpu.memory_space<vmem>>
    %dma_start3A_743 = tpu.memref_squeeze %dma_start3A_742 : memref<1x64x128xf32, #tpu.memory_space<vmem>> -> memref<64x128xf32, #tpu.memory_space<vmem>>
    %dma_start3A_744 = arith.constant 0 : i32
    %dma_start3A_745 = tpu.memref_slice %arg7[%add3A_737, %dma_start3A_744] : memref<16384x128xf32, #tpu.memory_space<hbm>> -> memref<64x128xf32, #tpu.memory_space<hbm>>
    %dma_start3A_746 = tpu.memref_slice %arg17[%dma_start3A_739] : memref<6x!tpu.dma_semaphore, #tpu.memory_space<semaphore_mem>> -> memref<1x!tpu.dma_semaphore, #tpu.memory_space<semaphore_mem>>
    %dma_start3A_747 = tpu.memref_squeeze %dma_start3A_746 : memref<1x!tpu.dma_semaphore, #tpu.memory_space<semaphore_mem>> -> memref<!tpu.dma_semaphore, #tpu.memory_space<semaphore_mem>>
    %dma_start3A_748 = arith.constant 0 : i32
    %dma_start3A_749 = tpu.memref_slice %arg7[%add3A_737, %dma_start3A_748] : memref<16384x128xf32, #tpu.memory_space<hbm>> -> memref<64x128xf32, #tpu.memory_space<hbm>>
    %dma_start3A_750 = arith.constant 0 : i32
    %dma_start3A_751 = arith.constant 0 : i32
    %dma_start3A_752 = tpu.memref_slice %arg12[%dma_start3A_738, %dma_start3A_750, %dma_start3A_751] : memref<6x64x128xf32, #tpu.memory_space<vmem>> -> memref<1x64x128xf32, #tpu.memory_space<vmem>>
    %dma_start3A_753 = tpu.memref_squeeze %dma_start3A_752 : memref<1x64x128xf32, #tpu.memory_space<vmem>> -> memref<64x128xf32, #tpu.memory_space<vmem>>
    tpu.enqueue_dma source(%dma_start3A_753 : memref<64x128xf32, #tpu.memory_space<vmem>>) target(%dma_start3A_749 : memref<64x128xf32, #tpu.memory_space<hbm>>) target_semaphore(%dma_start3A_747 : memref<!tpu.dma_semaphore, #tpu.memory_space<semaphore_mem>>)
    %dma_wait3A_754 = arith.constant 1 : i32
    %dma_wait3A_755 = arith.constant 1 : i32
    %dma_wait3A_756 = arith.constant 0 : i32
    %dma_wait3A_757 = arith.constant 0 : i32
    %dma_wait3A_758 = tpu.memref_slice %arg11[%dma_wait3A_754, %dma_wait3A_756, %dma_wait3A_757] : memref<6x64x128xf32, #tpu.memory_space<vmem>> -> memref<1x64x128xf32, #tpu.memory_space<vmem>>
    %dma_wait3A_759 = tpu.memref_squeeze %dma_wait3A_758 : memref<1x64x128xf32, #tpu.memory_space<vmem>> -> memref<64x128xf32, #tpu.memory_space<vmem>>
    %dma_wait3A_760 = arith.constant 448 : i32
    %dma_wait3A_761 = tpu.memref_slice %arg8[%dma_wait3A_760] : memref<512xi32, #tpu.memory_space<vmem>> -> memref<64xi32, #tpu.memory_space<vmem>>
    %dma_wait3A_762 = arith.constant 0 : i32
    %dma_wait3A_763 = arith.constant 0 : i32
    %dma_wait3A_764 = tpu.memref_slice %arg5[%dma_wait3A_762, %dma_wait3A_763] : memref<100000x128xf32, #tpu.memory_space<hbm>> -> memref<100000x128xf32, #tpu.memory_space<hbm>>
    %dma_wait3A_765 = tpu.memref_slice %arg14[%dma_wait3A_755] : memref<6x!tpu.dma_semaphore, #tpu.memory_space<semaphore_mem>> -> memref<1x!tpu.dma_semaphore, #tpu.memory_space<semaphore_mem>>
    %dma_wait3A_766 = tpu.memref_squeeze %dma_wait3A_765 : memref<1x!tpu.dma_semaphore, #tpu.memory_space<semaphore_mem>> -> memref<!tpu.dma_semaphore, #tpu.memory_space<semaphore_mem>>
    tpu.wait_indirect_dma semaphore(%dma_wait3A_766 : memref<!tpu.dma_semaphore, #tpu.memory_space<semaphore_mem>>) src(%dma_wait3A_764 : memref<100000x128xf32, #tpu.memory_space<hbm>>) dst(%dma_wait3A_759 : memref<64x128xf32, #tpu.memory_space<vmem>>)
    %dma_start3A_767 = arith.constant 1 : i32
    %dma_start3A_768 = arith.constant 1 : i32
    %dma_start3A_769 = arith.constant 0 : i32
    %dma_start3A_770 = arith.constant 0 : i32
    %dma_start3A_771 = tpu.memref_slice %arg11[%dma_start3A_767, %dma_start3A_769, %dma_start3A_770] : memref<6x64x128xf32, #tpu.memory_space<vmem>> -> memref<1x64x128xf32, #tpu.memory_space<vmem>>
    %dma_start3A_772 = tpu.memref_squeeze %dma_start3A_771 : memref<1x64x128xf32, #tpu.memory_space<vmem>> -> memref<64x128xf32, #tpu.memory_space<vmem>>
    %dma_start3A_773 = arith.constant 448 : i32
    %dma_start3A_774 = tpu.memref_slice %arg9[%dma_start3A_773] : memref<512xi32, #tpu.memory_space<vmem>> -> memref<64xi32, #tpu.memory_space<vmem>>
    %dma_start3A_775 = arith.constant 0 : i32
    %dma_start3A_776 = arith.constant 0 : i32
    %dma_start3A_777 = tpu.memref_slice %arg13[%dma_start3A_775, %dma_start3A_776] : memref<1000x128xf32, #tpu.memory_space<vmem_shared>> -> memref<1000x128xf32, #tpu.memory_space<vmem_shared>>
    %dma_start3A_778 = tpu.memref_slice %arg15[%dma_start3A_768] : memref<6x!tpu.dma_semaphore, #tpu.memory_space<semaphore_mem>> -> memref<1x!tpu.dma_semaphore, #tpu.memory_space<semaphore_mem>>
    %dma_start3A_779 = tpu.memref_squeeze %dma_start3A_778 : memref<1x!tpu.dma_semaphore, #tpu.memory_space<semaphore_mem>> -> memref<!tpu.dma_semaphore, #tpu.memory_space<semaphore_mem>>
    tpu.enqueue_indirect_dma source(%dma_start3A_777 : memref<1000x128xf32, #tpu.memory_space<vmem_shared>>) target(%dma_start3A_772 : memref<64x128xf32, #tpu.memory_space<vmem>>) offsets(%dma_start3A_774 : memref<64xi32, #tpu.memory_space<vmem>>) semaphore(%dma_start3A_779 : memref<!tpu.dma_semaphore, #tpu.memory_space<semaphore_mem>>) {add = true}
    %dma_wait3A_780 = arith.constant 0 : i32
    %dma_wait3A_781 = arith.constant 0 : i32
    %dma_wait3A_782 = arith.constant 0 : i32
    %dma_wait3A_783 = arith.constant 0 : i32
    %dma_wait3A_784 = tpu.memref_slice %arg11[%dma_wait3A_780, %dma_wait3A_782, %dma_wait3A_783] : memref<6x64x128xf32, #tpu.memory_space<vmem>> -> memref<1x64x128xf32, #tpu.memory_space<vmem>>
    %dma_wait3A_785 = tpu.memref_squeeze %dma_wait3A_784 : memref<1x64x128xf32, #tpu.memory_space<vmem>> -> memref<64x128xf32, #tpu.memory_space<vmem>>
    %dma_wait3A_786 = arith.constant 384 : i32
    %dma_wait3A_787 = tpu.memref_slice %arg9[%dma_wait3A_786] : memref<512xi32, #tpu.memory_space<vmem>> -> memref<64xi32, #tpu.memory_space<vmem>>
    %dma_wait3A_788 = arith.constant 0 : i32
    %dma_wait3A_789 = arith.constant 0 : i32
    %dma_wait3A_790 = tpu.memref_slice %arg13[%dma_wait3A_788, %dma_wait3A_789] : memref<1000x128xf32, #tpu.memory_space<vmem_shared>> -> memref<1000x128xf32, #tpu.memory_space<vmem_shared>>
    %dma_wait3A_791 = tpu.memref_slice %arg15[%dma_wait3A_781] : memref<6x!tpu.dma_semaphore, #tpu.memory_space<semaphore_mem>> -> memref<1x!tpu.dma_semaphore, #tpu.memory_space<semaphore_mem>>
    %dma_wait3A_792 = tpu.memref_squeeze %dma_wait3A_791 : memref<1x!tpu.dma_semaphore, #tpu.memory_space<semaphore_mem>> -> memref<!tpu.dma_semaphore, #tpu.memory_space<semaphore_mem>>
    tpu.wait_indirect_dma semaphore(%dma_wait3A_792 : memref<!tpu.dma_semaphore, #tpu.memory_space<semaphore_mem>>) src(%dma_wait3A_790 : memref<1000x128xf32, #tpu.memory_space<vmem_shared>>) dst(%dma_wait3A_785 : memref<64x128xf32, #tpu.memory_space<vmem>>)
    %dma_wait3A_793 = arith.constant 0 : i32
    %dma_wait3A_794 = arith.constant 0 : i32
    %dma_wait3A_795 = arith.constant 0 : i32
    %dma_wait3A_796 = arith.constant 0 : i32
    %dma_wait3A_797 = tpu.memref_slice %arg12[%dma_wait3A_793, %dma_wait3A_795, %dma_wait3A_796] : memref<6x64x128xf32, #tpu.memory_space<vmem>> -> memref<1x64x128xf32, #tpu.memory_space<vmem>>
    %dma_wait3A_798 = tpu.memref_squeeze %dma_wait3A_797 : memref<1x64x128xf32, #tpu.memory_space<vmem>> -> memref<64x128xf32, #tpu.memory_space<vmem>>
    %dma_wait3A_799 = arith.constant 384 : i32
    %dma_wait3A_800 = tpu.memref_slice %arg10[%dma_wait3A_799] : memref<512xi32, #tpu.memory_space<vmem>> -> memref<64xi32, #tpu.memory_space<vmem>>
    %dma_wait3A_801 = arith.constant 0 : i32
    %dma_wait3A_802 = arith.constant 0 : i32
    %dma_wait3A_803 = tpu.memref_slice %arg5[%dma_wait3A_801, %dma_wait3A_802] : memref<100000x128xf32, #tpu.memory_space<hbm>> -> memref<100000x128xf32, #tpu.memory_space<hbm>>
    %dma_wait3A_804 = tpu.memref_slice %arg16[%dma_wait3A_794] : memref<6x!tpu.dma_semaphore, #tpu.memory_space<semaphore_mem>> -> memref<1x!tpu.dma_semaphore, #tpu.memory_space<semaphore_mem>>
    %dma_wait3A_805 = tpu.memref_squeeze %dma_wait3A_804 : memref<1x!tpu.dma_semaphore, #tpu.memory_space<semaphore_mem>> -> memref<!tpu.dma_semaphore, #tpu.memory_space<semaphore_mem>>
    tpu.wait_indirect_dma semaphore(%dma_wait3A_805 : memref<!tpu.dma_semaphore, #tpu.memory_space<semaphore_mem>>) src(%dma_wait3A_803 : memref<100000x128xf32, #tpu.memory_space<hbm>>) dst(%dma_wait3A_798 : memref<64x128xf32, #tpu.memory_space<vmem>>)
    %scan3A_806 = arith.constant 0 : i32
    %scan3A_807 = arith.constant 0 : i32
    %scan3A_808 = arith.constant 64 : i32
    %scan3A_809 = arith.addi %scan3A_807, %scan3A_808 : i32
    %scan3A_810 = arith.constant 1 : i32
    scf.for %scan3A_976 = %scan3A_807 to %scan3A_809 step %scan3A_810  : i32 {
      %get3A = arith.constant 0 : i32
      %get3A_977 = arith.index_cast %get3A : i32 to index
      %get3A_978 = arith.index_cast %scan3A_976 : i32 to index
      %get3A_979 = arith.constant 0 : index
      %get3A_980 = tpu.vector_load %arg11[%get3A_977, %get3A_978, %get3A_979] {strides = array<i32>} : memref<6x64x128xf32, #tpu.memory_space<vmem>>, vector<1x1x16xf32>,
      %get3A_981 = vector.shape_cast %get3A_980 : vector<1x1x16xf32> to vector<16xf32>
      %get3A_982 = arith.constant 0 : i32
      %get3A_983 = arith.index_cast %get3A_982 : i32 to index
      %get3A_984 = arith.index_cast %scan3A_976 : i32 to index
      %get3A_985 = arith.constant 0 : index
      %get3A_986 = tpu.vector_load %arg12[%get3A_983, %get3A_984, %get3A_985] {strides = array<i32>} : memref<6x64x128xf32, #tpu.memory_space<vmem>>, vector<1x1x16xf32>,
      %get3A_987 = vector.shape_cast %get3A_986 : vector<1x1x16xf32> to vector<16xf32>
      %sub3A = arith.subf %get3A_981, %get3A_987 : vector<16xf32>
      %swap3A = arith.constant 0 : i32
      %swap3A_988 = arith.index_cast %swap3A : i32 to index
      %swap3A_989 = arith.index_cast %scan3A_976 : i32 to index
      %swap3A_990 = arith.constant 0 : index
      %swap3A_991 = tpu.vector_load %arg12[%swap3A_988, %swap3A_989, %swap3A_990] {strides = array<i32>} : memref<6x64x128xf32, #tpu.memory_space<vmem>>, vector<1x1x16xf32>,
      %swap3A_992 = vector.shape_cast %swap3A_991 : vector<1x1x16xf32> to vector<16xf32>
      %swap3A_993 = vector.shape_cast %sub3A : vector<16xf32> to vector<1x1x16xf32>
      tpu.vector_store %arg12[%swap3A_988, %swap3A_989, %swap3A_990], %swap3A_993 {strides = array<i32>} : memref<6x64x128xf32, #tpu.memory_space<vmem>>, vector<1x1x16xf32>,
      %get3A_994 = arith.constant 0 : i32
      %get3A_995 = arith.index_cast %get3A_994 : i32 to index
      %get3A_996 = arith.index_cast %scan3A_976 : i32 to index
      %get3A_997 = arith.constant 16 : index
      %get3A_998 = tpu.vector_load %arg11[%get3A_995, %get3A_996, %get3A_997] {strides = array<i32>} : memref<6x64x128xf32, #tpu.memory_space<vmem>>, vector<1x1x16xf32>,
      %get3A_999 = vector.shape_cast %get3A_998 : vector<1x1x16xf32> to vector<16xf32>
      %get3A_1000 = arith.constant 0 : i32
      %get3A_1001 = arith.index_cast %get3A_1000 : i32 to index
      %get3A_1002 = arith.index_cast %scan3A_976 : i32 to index
      %get3A_1003 = arith.constant 16 : index
      %get3A_1004 = tpu.vector_load %arg12[%get3A_1001, %get3A_1002, %get3A_1003] {strides = array<i32>} : memref<6x64x128xf32, #tpu.memory_space<vmem>>, vector<1x1x16xf32>,
      %get3A_1005 = vector.shape_cast %get3A_1004 : vector<1x1x16xf32> to vector<16xf32>
      %sub3A_1006 = arith.subf %get3A_999, %get3A_1005 : vector<16xf32>
      %swap3A_1007 = arith.constant 0 : i32
      %swap3A_1008 = arith.index_cast %swap3A_1007 : i32 to index
      %swap3A_1009 = arith.index_cast %scan3A_976 : i32 to index
      %swap3A_1010 = arith.constant 16 : index
      %swap3A_1011 = tpu.vector_load %arg12[%swap3A_1008, %swap3A_1009, %swap3A_1010] {strides = array<i32>} : memref<6x64x128xf32, #tpu.memory_space<vmem>>, vector<1x1x16xf32>,
      %swap3A_1012 = vector.shape_cast %swap3A_1011 : vector<1x1x16xf32> to vector<16xf32>
      %swap3A_1013 = vector.shape_cast %sub3A_1006 : vector<16xf32> to vector<1x1x16xf32>
      tpu.vector_store %arg12[%swap3A_1008, %swap3A_1009, %swap3A_1010], %swap3A_1013 {strides = array<i32>} : memref<6x64x128xf32, #tpu.memory_space<vmem>>, vector<1x1x16xf32>,
      %get3A_1014 = arith.constant 0 : i32
      %get3A_1015 = arith.index_cast %get3A_1014 : i32 to index
      %get3A_1016 = arith.index_cast %scan3A_976 : i32 to index
      %get3A_1017 = arith.constant 32 : index
      %get3A_1018 = tpu.vector_load %arg11[%get3A_1015, %get3A_1016, %get3A_1017] {strides = array<i32>} : memref<6x64x128xf32, #tpu.memory_space<vmem>>, vector<1x1x16xf32>,
      %get3A_1019 = vector.shape_cast %get3A_1018 : vector<1x1x16xf32> to vector<16xf32>
      %get3A_1020 = arith.constant 0 : i32
      %get3A_1021 = arith.index_cast %get3A_1020 : i32 to index
      %get3A_1022 = arith.index_cast %scan3A_976 : i32 to index
      %get3A_1023 = arith.constant 32 : index
      %get3A_1024 = tpu.vector_load %arg12[%get3A_1021, %get3A_1022, %get3A_1023] {strides = array<i32>} : memref<6x64x128xf32, #tpu.memory_space<vmem>>, vector<1x1x16xf32>,
      %get3A_1025 = vector.shape_cast %get3A_1024 : vector<1x1x16xf32> to vector<16xf32>
      %sub3A_1026 = arith.subf %get3A_1019, %get3A_1025 : vector<16xf32>
      %swap3A_1027 = arith.constant 0 : i32
      %swap3A_1028 = arith.index_cast %swap3A_1027 : i32 to index
      %swap3A_1029 = arith.index_cast %scan3A_976 : i32 to index
      %swap3A_1030 = arith.constant 32 : index
      %swap3A_1031 = tpu.vector_load %arg12[%swap3A_1028, %swap3A_1029, %swap3A_1030] {strides = array<i32>} : memref<6x64x128xf32, #tpu.memory_space<vmem>>, vector<1x1x16xf32>,
      %swap3A_1032 = vector.shape_cast %swap3A_1031 : vector<1x1x16xf32> to vector<16xf32>
      %swap3A_1033 = vector.shape_cast %sub3A_1026 : vector<16xf32> to vector<1x1x16xf32>
      tpu.vector_store %arg12[%swap3A_1028, %swap3A_1029, %swap3A_1030], %swap3A_1033 {strides = array<i32>} : memref<6x64x128xf32, #tpu.memory_space<vmem>>, vector<1x1x16xf32>,
      %get3A_1034 = arith.constant 0 : i32
      %get3A_1035 = arith.index_cast %get3A_1034 : i32 to index
      %get3A_1036 = arith.index_cast %scan3A_976 : i32 to index
      %get3A_1037 = arith.constant 48 : index
      %get3A_1038 = tpu.vector_load %arg11[%get3A_1035, %get3A_1036, %get3A_1037] {strides = array<i32>} : memref<6x64x128xf32, #tpu.memory_space<vmem>>, vector<1x1x16xf32>,
      %get3A_1039 = vector.shape_cast %get3A_1038 : vector<1x1x16xf32> to vector<16xf32>
      %get3A_1040 = arith.constant 0 : i32
      %get3A_1041 = arith.index_cast %get3A_1040 : i32 to index
      %get3A_1042 = arith.index_cast %scan3A_976 : i32 to index
      %get3A_1043 = arith.constant 48 : index
      %get3A_1044 = tpu.vector_load %arg12[%get3A_1041, %get3A_1042, %get3A_1043] {strides = array<i32>} : memref<6x64x128xf32, #tpu.memory_space<vmem>>, vector<1x1x16xf32>,
      %get3A_1045 = vector.shape_cast %get3A_1044 : vector<1x1x16xf32> to vector<16xf32>
      %sub3A_1046 = arith.subf %get3A_1039, %get3A_1045 : vector<16xf32>
      %swap3A_1047 = arith.constant 0 : i32
      %swap3A_1048 = arith.index_cast %swap3A_1047 : i32 to index
      %swap3A_1049 = arith.index_cast %scan3A_976 : i32 to index
      %swap3A_1050 = arith.constant 48 : index
      %swap3A_1051 = tpu.vector_load %arg12[%swap3A_1048, %swap3A_1049, %swap3A_1050] {strides = array<i32>} : memref<6x64x128xf32, #tpu.memory_space<vmem>>, vector<1x1x16xf32>,
      %swap3A_1052 = vector.shape_cast %swap3A_1051 : vector<1x1x16xf32> to vector<16xf32>
      %swap3A_1053 = vector.shape_cast %sub3A_1046 : vector<16xf32> to vector<1x1x16xf32>
      tpu.vector_store %arg12[%swap3A_1048, %swap3A_1049, %swap3A_1050], %swap3A_1053 {strides = array<i32>} : memref<6x64x128xf32, #tpu.memory_space<vmem>>, vector<1x1x16xf32>,
      %get3A_1054 = arith.constant 0 : i32
      %get3A_1055 = arith.index_cast %get3A_1054 : i32 to index
      %get3A_1056 = arith.index_cast %scan3A_976 : i32 to index
      %get3A_1057 = arith.constant 64 : index
      %get3A_1058 = tpu.vector_load %arg11[%get3A_1055, %get3A_1056, %get3A_1057] {strides = array<i32>} : memref<6x64x128xf32, #tpu.memory_space<vmem>>, vector<1x1x16xf32>,
      %get3A_1059 = vector.shape_cast %get3A_1058 : vector<1x1x16xf32> to vector<16xf32>
      %get3A_1060 = arith.constant 0 : i32
      %get3A_1061 = arith.index_cast %get3A_1060 : i32 to index
      %get3A_1062 = arith.index_cast %scan3A_976 : i32 to index
      %get3A_1063 = arith.constant 64 : index
      %get3A_1064 = tpu.vector_load %arg12[%get3A_1061, %get3A_1062, %get3A_1063] {strides = array<i32>} : memref<6x64x128xf32, #tpu.memory_space<vmem>>, vector<1x1x16xf32>,
      %get3A_1065 = vector.shape_cast %get3A_1064 : vector<1x1x16xf32> to vector<16xf32>
      %sub3A_1066 = arith.subf %get3A_1059, %get3A_1065 : vector<16xf32>
      %swap3A_1067 = arith.constant 0 : i32
      %swap3A_1068 = arith.index_cast %swap3A_1067 : i32 to index
      %swap3A_1069 = arith.index_cast %scan3A_976 : i32 to index
      %swap3A_1070 = arith.constant 64 : index
      %swap3A_1071 = tpu.vector_load %arg12[%swap3A_1068, %swap3A_1069, %swap3A_1070] {strides = array<i32>} : memref<6x64x128xf32, #tpu.memory_space<vmem>>, vector<1x1x16xf32>,
      %swap3A_1072 = vector.shape_cast %swap3A_1071 : vector<1x1x16xf32> to vector<16xf32>
      %swap3A_1073 = vector.shape_cast %sub3A_1066 : vector<16xf32> to vector<1x1x16xf32>
      tpu.vector_store %arg12[%swap3A_1068, %swap3A_1069, %swap3A_1070], %swap3A_1073 {strides = array<i32>} : memref<6x64x128xf32, #tpu.memory_space<vmem>>, vector<1x1x16xf32>,
      %get3A_1074 = arith.constant 0 : i32
      %get3A_1075 = arith.index_cast %get3A_1074 : i32 to index
      %get3A_1076 = arith.index_cast %scan3A_976 : i32 to index
      %get3A_1077 = arith.constant 80 : index
      %get3A_1078 = tpu.vector_load %arg11[%get3A_1075, %get3A_1076, %get3A_1077] {strides = array<i32>} : memref<6x64x128xf32, #tpu.memory_space<vmem>>, vector<1x1x16xf32>,
      %get3A_1079 = vector.shape_cast %get3A_1078 : vector<1x1x16xf32> to vector<16xf32>
      %get3A_1080 = arith.constant 0 : i32
      %get3A_1081 = arith.index_cast %get3A_1080 : i32 to index
      %get3A_1082 = arith.index_cast %scan3A_976 : i32 to index
      %get3A_1083 = arith.constant 80 : index
      %get3A_1084 = tpu.vector_load %arg12[%get3A_1081, %get3A_1082, %get3A_1083] {strides = array<i32>} : memref<6x64x128xf32, #tpu.memory_space<vmem>>, vector<1x1x16xf32>,
      %get3A_1085 = vector.shape_cast %get3A_1084 : vector<1x1x16xf32> to vector<16xf32>
      %sub3A_1086 = arith.subf %get3A_1079, %get3A_1085 : vector<16xf32>
      %swap3A_1087 = arith.constant 0 : i32
      %swap3A_1088 = arith.index_cast %swap3A_1087 : i32 to index
      %swap3A_1089 = arith.index_cast %scan3A_976 : i32 to index
      %swap3A_1090 = arith.constant 80 : index
      %swap3A_1091 = tpu.vector_load %arg12[%swap3A_1088, %swap3A_1089, %swap3A_1090] {strides = array<i32>} : memref<6x64x128xf32, #tpu.memory_space<vmem>>, vector<1x1x16xf32>,
      %swap3A_1092 = vector.shape_cast %swap3A_1091 : vector<1x1x16xf32> to vector<16xf32>
      %swap3A_1093 = vector.shape_cast %sub3A_1086 : vector<16xf32> to vector<1x1x16xf32>
      tpu.vector_store %arg12[%swap3A_1088, %swap3A_1089, %swap3A_1090], %swap3A_1093 {strides = array<i32>} : memref<6x64x128xf32, #tpu.memory_space<vmem>>, vector<1x1x16xf32>,
      %get3A_1094 = arith.constant 0 : i32
      %get3A_1095 = arith.index_cast %get3A_1094 : i32 to index
      %get3A_1096 = arith.index_cast %scan3A_976 : i32 to index
      %get3A_1097 = arith.constant 96 : index
      %get3A_1098 = tpu.vector_load %arg11[%get3A_1095, %get3A_1096, %get3A_1097] {strides = array<i32>} : memref<6x64x128xf32, #tpu.memory_space<vmem>>, vector<1x1x16xf32>,
      %get3A_1099 = vector.shape_cast %get3A_1098 : vector<1x1x16xf32> to vector<16xf32>
      %get3A_1100 = arith.constant 0 : i32
      %get3A_1101 = arith.index_cast %get3A_1100 : i32 to index
      %get3A_1102 = arith.index_cast %scan3A_976 : i32 to index
      %get3A_1103 = arith.constant 96 : index
      %get3A_1104 = tpu.vector_load %arg12[%get3A_1101, %get3A_1102, %get3A_1103] {strides = array<i32>} : memref<6x64x128xf32, #tpu.memory_space<vmem>>, vector<1x1x16xf32>,
      %get3A_1105 = vector.shape_cast %get3A_1104 : vector<1x1x16xf32> to vector<16xf32>
      %sub3A_1106 = arith.subf %get3A_1099, %get3A_1105 : vector<16xf32>
      %swap3A_1107 = arith.constant 0 : i32
      %swap3A_1108 = arith.index_cast %swap3A_1107 : i32 to index
      %swap3A_1109 = arith.index_cast %scan3A_976 : i32 to index
      %swap3A_1110 = arith.constant 96 : index
      %swap3A_1111 = tpu.vector_load %arg12[%swap3A_1108, %swap3A_1109, %swap3A_1110] {strides = array<i32>} : memref<6x64x128xf32, #tpu.memory_space<vmem>>, vector<1x1x16xf32>,
      %swap3A_1112 = vector.shape_cast %swap3A_1111 : vector<1x1x16xf32> to vector<16xf32>
      %swap3A_1113 = vector.shape_cast %sub3A_1106 : vector<16xf32> to vector<1x1x16xf32>
      tpu.vector_store %arg12[%swap3A_1108, %swap3A_1109, %swap3A_1110], %swap3A_1113 {strides = array<i32>} : memref<6x64x128xf32, #tpu.memory_space<vmem>>, vector<1x1x16xf32>,
      %get3A_1114 = arith.constant 0 : i32
      %get3A_1115 = arith.index_cast %get3A_1114 : i32 to index
      %get3A_1116 = arith.index_cast %scan3A_976 : i32 to index
      %get3A_1117 = arith.constant 112 : index
      %get3A_1118 = tpu.vector_load %arg11[%get3A_1115, %get3A_1116, %get3A_1117] {strides = array<i32>} : memref<6x64x128xf32, #tpu.memory_space<vmem>>, vector<1x1x16xf32>,
      %get3A_1119 = vector.shape_cast %get3A_1118 : vector<1x1x16xf32> to vector<16xf32>
      %get3A_1120 = arith.constant 0 : i32
      %get3A_1121 = arith.index_cast %get3A_1120 : i32 to index
      %get3A_1122 = arith.index_cast %scan3A_976 : i32 to index
      %get3A_1123 = arith.constant 112 : index
      %get3A_1124 = tpu.vector_load %arg12[%get3A_1121, %get3A_1122, %get3A_1123] {strides = array<i32>} : memref<6x64x128xf32, #tpu.memory_space<vmem>>, vector<1x1x16xf32>,
      %get3A_1125 = vector.shape_cast %get3A_1124 : vector<1x1x16xf32> to vector<16xf32>
      %sub3A_1126 = arith.subf %get3A_1119, %get3A_1125 : vector<16xf32>
      %swap3A_1127 = arith.constant 0 : i32
      %swap3A_1128 = arith.index_cast %swap3A_1127 : i32 to index
      %swap3A_1129 = arith.index_cast %scan3A_976 : i32 to index
      %swap3A_1130 = arith.constant 112 : index
      %swap3A_1131 = tpu.vector_load %arg12[%swap3A_1128, %swap3A_1129, %swap3A_1130] {strides = array<i32>} : memref<6x64x128xf32, #tpu.memory_space<vmem>>, vector<1x1x16xf32>,
      %swap3A_1132 = vector.shape_cast %swap3A_1131 : vector<1x1x16xf32> to vector<16xf32>
      %swap3A_1133 = vector.shape_cast %sub3A_1126 : vector<16xf32> to vector<1x1x16xf32>
      tpu.vector_store %arg12[%swap3A_1128, %swap3A_1129, %swap3A_1130], %swap3A_1133 {strides = array<i32>} : memref<6x64x128xf32, #tpu.memory_space<vmem>>, vector<1x1x16xf32>,
    }
    %scan3A_811 = arith.constant 64 : i32
    %add3A_812 = arith.constant 384 : i32
    %add3A_813 = arith.addi %mul3A_2, %add3A_812 : i32
    %dma_start3A_814 = arith.constant 0 : i32
    %dma_start3A_815 = arith.constant 0 : i32
    %dma_start3A_816 = arith.constant 0 : i32
    %dma_start3A_817 = arith.constant 0 : i32
    %dma_start3A_818 = tpu.memref_slice %arg12[%dma_start3A_814, %dma_start3A_816, %dma_start3A_817] : memref<6x64x128xf32, #tpu.memory_space<vmem>> -> memref<1x64x128xf32, #tpu.memory_space<vmem>>
    %dma_start3A_819 = tpu.memref_squeeze %dma_start3A_818 : memref<1x64x128xf32, #tpu.memory_space<vmem>> -> memref<64x128xf32, #tpu.memory_space<vmem>>
    %dma_start3A_820 = arith.constant 0 : i32
    %dma_start3A_821 = tpu.memref_slice %arg7[%add3A_813, %dma_start3A_820] : memref<16384x128xf32, #tpu.memory_space<hbm>> -> memref<64x128xf32, #tpu.memory_space<hbm>>
    %dma_start3A_822 = tpu.memref_slice %arg17[%dma_start3A_815] : memref<6x!tpu.dma_semaphore, #tpu.memory_space<semaphore_mem>> -> memref<1x!tpu.dma_semaphore, #tpu.memory_space<semaphore_mem>>
    %dma_start3A_823 = tpu.memref_squeeze %dma_start3A_822 : memref<1x!tpu.dma_semaphore, #tpu.memory_space<semaphore_mem>> -> memref<!tpu.dma_semaphore, #tpu.memory_space<semaphore_mem>>
    %dma_start3A_824 = arith.constant 0 : i32
    %dma_start3A_825 = tpu.memref_slice %arg7[%add3A_813, %dma_start3A_824] : memref<16384x128xf32, #tpu.memory_space<hbm>> -> memref<64x128xf32, #tpu.memory_space<hbm>>
    %dma_start3A_826 = arith.constant 0 : i32
    %dma_start3A_827 = arith.constant 0 : i32
    %dma_start3A_828 = tpu.memref_slice %arg12[%dma_start3A_814, %dma_start3A_826, %dma_start3A_827] : memref<6x64x128xf32, #tpu.memory_space<vmem>> -> memref<1x64x128xf32, #tpu.memory_space<vmem>>
    %dma_start3A_829 = tpu.memref_squeeze %dma_start3A_828 : memref<1x64x128xf32, #tpu.memory_space<vmem>> -> memref<64x128xf32, #tpu.memory_space<vmem>>
    tpu.enqueue_dma source(%dma_start3A_829 : memref<64x128xf32, #tpu.memory_space<vmem>>) target(%dma_start3A_825 : memref<64x128xf32, #tpu.memory_space<hbm>>) target_semaphore(%dma_start3A_823 : memref<!tpu.dma_semaphore, #tpu.memory_space<semaphore_mem>>)
    %dma_wait3A_830 = arith.constant 1 : i32
    %dma_wait3A_831 = arith.constant 1 : i32
    %dma_wait3A_832 = arith.constant 0 : i32
    %dma_wait3A_833 = arith.constant 0 : i32
    %dma_wait3A_834 = tpu.memref_slice %arg11[%dma_wait3A_830, %dma_wait3A_832, %dma_wait3A_833] : memref<6x64x128xf32, #tpu.memory_space<vmem>> -> memref<1x64x128xf32, #tpu.memory_space<vmem>>
    %dma_wait3A_835 = tpu.memref_squeeze %dma_wait3A_834 : memref<1x64x128xf32, #tpu.memory_space<vmem>> -> memref<64x128xf32, #tpu.memory_space<vmem>>
    %dma_wait3A_836 = arith.constant 448 : i32
    %dma_wait3A_837 = tpu.memref_slice %arg9[%dma_wait3A_836] : memref<512xi32, #tpu.memory_space<vmem>> -> memref<64xi32, #tpu.memory_space<vmem>>
    %dma_wait3A_838 = arith.constant 0 : i32
    %dma_wait3A_839 = arith.constant 0 : i32
    %dma_wait3A_840 = tpu.memref_slice %arg13[%dma_wait3A_838, %dma_wait3A_839] : memref<1000x128xf32, #tpu.memory_space<vmem_shared>> -> memref<1000x128xf32, #tpu.memory_space<vmem_shared>>
    %dma_wait3A_841 = tpu.memref_slice %arg15[%dma_wait3A_831] : memref<6x!tpu.dma_semaphore, #tpu.memory_space<semaphore_mem>> -> memref<1x!tpu.dma_semaphore, #tpu.memory_space<semaphore_mem>>
    %dma_wait3A_842 = tpu.memref_squeeze %dma_wait3A_841 : memref<1x!tpu.dma_semaphore, #tpu.memory_space<semaphore_mem>> -> memref<!tpu.dma_semaphore, #tpu.memory_space<semaphore_mem>>
    tpu.wait_indirect_dma semaphore(%dma_wait3A_842 : memref<!tpu.dma_semaphore, #tpu.memory_space<semaphore_mem>>) src(%dma_wait3A_840 : memref<1000x128xf32, #tpu.memory_space<vmem_shared>>) dst(%dma_wait3A_835 : memref<64x128xf32, #tpu.memory_space<vmem>>)
    %dma_wait3A_843 = arith.constant 1 : i32
    %dma_wait3A_844 = arith.constant 1 : i32
    %dma_wait3A_845 = arith.constant 0 : i32
    %dma_wait3A_846 = arith.constant 0 : i32
    %dma_wait3A_847 = tpu.memref_slice %arg12[%dma_wait3A_843, %dma_wait3A_845, %dma_wait3A_846] : memref<6x64x128xf32, #tpu.memory_space<vmem>> -> memref<1x64x128xf32, #tpu.memory_space<vmem>>
    %dma_wait3A_848 = tpu.memref_squeeze %dma_wait3A_847 : memref<1x64x128xf32, #tpu.memory_space<vmem>> -> memref<64x128xf32, #tpu.memory_space<vmem>>
    %dma_wait3A_849 = arith.constant 448 : i32
    %dma_wait3A_850 = tpu.memref_slice %arg10[%dma_wait3A_849] : memref<512xi32, #tpu.memory_space<vmem>> -> memref<64xi32, #tpu.memory_space<vmem>>
    %dma_wait3A_851 = arith.constant 0 : i32
    %dma_wait3A_852 = arith.constant 0 : i32
    %dma_wait3A_853 = tpu.memref_slice %arg5[%dma_wait3A_851, %dma_wait3A_852] : memref<100000x128xf32, #tpu.memory_space<hbm>> -> memref<100000x128xf32, #tpu.memory_space<hbm>>
    %dma_wait3A_854 = tpu.memref_slice %arg16[%dma_wait3A_844] : memref<6x!tpu.dma_semaphore, #tpu.memory_space<semaphore_mem>> -> memref<1x!tpu.dma_semaphore, #tpu.memory_space<semaphore_mem>>
    %dma_wait3A_855 = tpu.memref_squeeze %dma_wait3A_854 : memref<1x!tpu.dma_semaphore, #tpu.memory_space<semaphore_mem>> -> memref<!tpu.dma_semaphore, #tpu.memory_space<semaphore_mem>>
    tpu.wait_indirect_dma semaphore(%dma_wait3A_855 : memref<!tpu.dma_semaphore, #tpu.memory_space<semaphore_mem>>) src(%dma_wait3A_853 : memref<100000x128xf32, #tpu.memory_space<hbm>>) dst(%dma_wait3A_848 : memref<64x128xf32, #tpu.memory_space<vmem>>)
    %scan3A_856 = arith.constant 0 : i32
    %scan3A_857 = arith.constant 0 : i32
    %scan3A_858 = arith.constant 64 : i32
    %scan3A_859 = arith.addi %scan3A_857, %scan3A_858 : i32
    %scan3A_860 = arith.constant 1 : i32
    scf.for %scan3A_976 = %scan3A_857 to %scan3A_859 step %scan3A_860  : i32 {
      %get3A = arith.constant 1 : i32
      %get3A_977 = arith.index_cast %get3A : i32 to index
      %get3A_978 = arith.index_cast %scan3A_976 : i32 to index
      %get3A_979 = arith.constant 0 : index
      %get3A_980 = tpu.vector_load %arg11[%get3A_977, %get3A_978, %get3A_979] {strides = array<i32>} : memref<6x64x128xf32, #tpu.memory_space<vmem>>, vector<1x1x16xf32>,
      %get3A_981 = vector.shape_cast %get3A_980 : vector<1x1x16xf32> to vector<16xf32>
      %get3A_982 = arith.constant 1 : i32
      %get3A_983 = arith.index_cast %get3A_982 : i32 to index
      %get3A_984 = arith.index_cast %scan3A_976 : i32 to index
      %get3A_985 = arith.constant 0 : index
      %get3A_986 = tpu.vector_load %arg12[%get3A_983, %get3A_984, %get3A_985] {strides = array<i32>} : memref<6x64x128xf32, #tpu.memory_space<vmem>>, vector<1x1x16xf32>,
      %get3A_987 = vector.shape_cast %get3A_986 : vector<1x1x16xf32> to vector<16xf32>
      %sub3A = arith.subf %get3A_981, %get3A_987 : vector<16xf32>
      %swap3A = arith.constant 1 : i32
      %swap3A_988 = arith.index_cast %swap3A : i32 to index
      %swap3A_989 = arith.index_cast %scan3A_976 : i32 to index
      %swap3A_990 = arith.constant 0 : index
      %swap3A_991 = tpu.vector_load %arg12[%swap3A_988, %swap3A_989, %swap3A_990] {strides = array<i32>} : memref<6x64x128xf32, #tpu.memory_space<vmem>>, vector<1x1x16xf32>,
      %swap3A_992 = vector.shape_cast %swap3A_991 : vector<1x1x16xf32> to vector<16xf32>
      %swap3A_993 = vector.shape_cast %sub3A : vector<16xf32> to vector<1x1x16xf32>
      tpu.vector_store %arg12[%swap3A_988, %swap3A_989, %swap3A_990], %swap3A_993 {strides = array<i32>} : memref<6x64x128xf32, #tpu.memory_space<vmem>>, vector<1x1x16xf32>,
      %get3A_994 = arith.constant 1 : i32
      %get3A_995 = arith.index_cast %get3A_994 : i32 to index
      %get3A_996 = arith.index_cast %scan3A_976 : i32 to index
      %get3A_997 = arith.constant 16 : index
      %get3A_998 = tpu.vector_load %arg11[%get3A_995, %get3A_996, %get3A_997] {strides = array<i32>} : memref<6x64x128xf32, #tpu.memory_space<vmem>>, vector<1x1x16xf32>,
      %get3A_999 = vector.shape_cast %get3A_998 : vector<1x1x16xf32> to vector<16xf32>
      %get3A_1000 = arith.constant 1 : i32
      %get3A_1001 = arith.index_cast %get3A_1000 : i32 to index
      %get3A_1002 = arith.index_cast %scan3A_976 : i32 to index
      %get3A_1003 = arith.constant 16 : index
      %get3A_1004 = tpu.vector_load %arg12[%get3A_1001, %get3A_1002, %get3A_1003] {strides = array<i32>} : memref<6x64x128xf32, #tpu.memory_space<vmem>>, vector<1x1x16xf32>,
      %get3A_1005 = vector.shape_cast %get3A_1004 : vector<1x1x16xf32> to vector<16xf32>
      %sub3A_1006 = arith.subf %get3A_999, %get3A_1005 : vector<16xf32>
      %swap3A_1007 = arith.constant 1 : i32
      %swap3A_1008 = arith.index_cast %swap3A_1007 : i32 to index
      %swap3A_1009 = arith.index_cast %scan3A_976 : i32 to index
      %swap3A_1010 = arith.constant 16 : index
      %swap3A_1011 = tpu.vector_load %arg12[%swap3A_1008, %swap3A_1009, %swap3A_1010] {strides = array<i32>} : memref<6x64x128xf32, #tpu.memory_space<vmem>>, vector<1x1x16xf32>,
      %swap3A_1012 = vector.shape_cast %swap3A_1011 : vector<1x1x16xf32> to vector<16xf32>
      %swap3A_1013 = vector.shape_cast %sub3A_1006 : vector<16xf32> to vector<1x1x16xf32>
      tpu.vector_store %arg12[%swap3A_1008, %swap3A_1009, %swap3A_1010], %swap3A_1013 {strides = array<i32>} : memref<6x64x128xf32, #tpu.memory_space<vmem>>, vector<1x1x16xf32>,
      %get3A_1014 = arith.constant 1 : i32
      %get3A_1015 = arith.index_cast %get3A_1014 : i32 to index
      %get3A_1016 = arith.index_cast %scan3A_976 : i32 to index
      %get3A_1017 = arith.constant 32 : index
      %get3A_1018 = tpu.vector_load %arg11[%get3A_1015, %get3A_1016, %get3A_1017] {strides = array<i32>} : memref<6x64x128xf32, #tpu.memory_space<vmem>>, vector<1x1x16xf32>,
      %get3A_1019 = vector.shape_cast %get3A_1018 : vector<1x1x16xf32> to vector<16xf32>
      %get3A_1020 = arith.constant 1 : i32
      %get3A_1021 = arith.index_cast %get3A_1020 : i32 to index
      %get3A_1022 = arith.index_cast %scan3A_976 : i32 to index
      %get3A_1023 = arith.constant 32 : index
      %get3A_1024 = tpu.vector_load %arg12[%get3A_1021, %get3A_1022, %get3A_1023] {strides = array<i32>} : memref<6x64x128xf32, #tpu.memory_space<vmem>>, vector<1x1x16xf32>,
      %get3A_1025 = vector.shape_cast %get3A_1024 : vector<1x1x16xf32> to vector<16xf32>
      %sub3A_1026 = arith.subf %get3A_1019, %get3A_1025 : vector<16xf32>
      %swap3A_1027 = arith.constant 1 : i32
      %swap3A_1028 = arith.index_cast %swap3A_1027 : i32 to index
      %swap3A_1029 = arith.index_cast %scan3A_976 : i32 to index
      %swap3A_1030 = arith.constant 32 : index
      %swap3A_1031 = tpu.vector_load %arg12[%swap3A_1028, %swap3A_1029, %swap3A_1030] {strides = array<i32>} : memref<6x64x128xf32, #tpu.memory_space<vmem>>, vector<1x1x16xf32>,
      %swap3A_1032 = vector.shape_cast %swap3A_1031 : vector<1x1x16xf32> to vector<16xf32>
      %swap3A_1033 = vector.shape_cast %sub3A_1026 : vector<16xf32> to vector<1x1x16xf32>
      tpu.vector_store %arg12[%swap3A_1028, %swap3A_1029, %swap3A_1030], %swap3A_1033 {strides = array<i32>} : memref<6x64x128xf32, #tpu.memory_space<vmem>>, vector<1x1x16xf32>,
      %get3A_1034 = arith.constant 1 : i32
      %get3A_1035 = arith.index_cast %get3A_1034 : i32 to index
      %get3A_1036 = arith.index_cast %scan3A_976 : i32 to index
      %get3A_1037 = arith.constant 48 : index
      %get3A_1038 = tpu.vector_load %arg11[%get3A_1035, %get3A_1036, %get3A_1037] {strides = array<i32>} : memref<6x64x128xf32, #tpu.memory_space<vmem>>, vector<1x1x16xf32>,
      %get3A_1039 = vector.shape_cast %get3A_1038 : vector<1x1x16xf32> to vector<16xf32>
      %get3A_1040 = arith.constant 1 : i32
      %get3A_1041 = arith.index_cast %get3A_1040 : i32 to index
      %get3A_1042 = arith.index_cast %scan3A_976 : i32 to index
      %get3A_1043 = arith.constant 48 : index
      %get3A_1044 = tpu.vector_load %arg12[%get3A_1041, %get3A_1042, %get3A_1043] {strides = array<i32>} : memref<6x64x128xf32, #tpu.memory_space<vmem>>, vector<1x1x16xf32>,
      %get3A_1045 = vector.shape_cast %get3A_1044 : vector<1x1x16xf32> to vector<16xf32>
      %sub3A_1046 = arith.subf %get3A_1039, %get3A_1045 : vector<16xf32>
      %swap3A_1047 = arith.constant 1 : i32
      %swap3A_1048 = arith.index_cast %swap3A_1047 : i32 to index
      %swap3A_1049 = arith.index_cast %scan3A_976 : i32 to index
      %swap3A_1050 = arith.constant 48 : index
      %swap3A_1051 = tpu.vector_load %arg12[%swap3A_1048, %swap3A_1049, %swap3A_1050] {strides = array<i32>} : memref<6x64x128xf32, #tpu.memory_space<vmem>>, vector<1x1x16xf32>,
      %swap3A_1052 = vector.shape_cast %swap3A_1051 : vector<1x1x16xf32> to vector<16xf32>
      %swap3A_1053 = vector.shape_cast %sub3A_1046 : vector<16xf32> to vector<1x1x16xf32>
      tpu.vector_store %arg12[%swap3A_1048, %swap3A_1049, %swap3A_1050], %swap3A_1053 {strides = array<i32>} : memref<6x64x128xf32, #tpu.memory_space<vmem>>, vector<1x1x16xf32>,
      %get3A_1054 = arith.constant 1 : i32
      %get3A_1055 = arith.index_cast %get3A_1054 : i32 to index
      %get3A_1056 = arith.index_cast %scan3A_976 : i32 to index
      %get3A_1057 = arith.constant 64 : index
      %get3A_1058 = tpu.vector_load %arg11[%get3A_1055, %get3A_1056, %get3A_1057] {strides = array<i32>} : memref<6x64x128xf32, #tpu.memory_space<vmem>>, vector<1x1x16xf32>,
      %get3A_1059 = vector.shape_cast %get3A_1058 : vector<1x1x16xf32> to vector<16xf32>
      %get3A_1060 = arith.constant 1 : i32
      %get3A_1061 = arith.index_cast %get3A_1060 : i32 to index
      %get3A_1062 = arith.index_cast %scan3A_976 : i32 to index
      %get3A_1063 = arith.constant 64 : index
      %get3A_1064 = tpu.vector_load %arg12[%get3A_1061, %get3A_1062, %get3A_1063] {strides = array<i32>} : memref<6x64x128xf32, #tpu.memory_space<vmem>>, vector<1x1x16xf32>,
      %get3A_1065 = vector.shape_cast %get3A_1064 : vector<1x1x16xf32> to vector<16xf32>
      %sub3A_1066 = arith.subf %get3A_1059, %get3A_1065 : vector<16xf32>
      %swap3A_1067 = arith.constant 1 : i32
      %swap3A_1068 = arith.index_cast %swap3A_1067 : i32 to index
      %swap3A_1069 = arith.index_cast %scan3A_976 : i32 to index
      %swap3A_1070 = arith.constant 64 : index
      %swap3A_1071 = tpu.vector_load %arg12[%swap3A_1068, %swap3A_1069, %swap3A_1070] {strides = array<i32>} : memref<6x64x128xf32, #tpu.memory_space<vmem>>, vector<1x1x16xf32>,
      %swap3A_1072 = vector.shape_cast %swap3A_1071 : vector<1x1x16xf32> to vector<16xf32>
      %swap3A_1073 = vector.shape_cast %sub3A_1066 : vector<16xf32> to vector<1x1x16xf32>
      tpu.vector_store %arg12[%swap3A_1068, %swap3A_1069, %swap3A_1070], %swap3A_1073 {strides = array<i32>} : memref<6x64x128xf32, #tpu.memory_space<vmem>>, vector<1x1x16xf32>,
      %get3A_1074 = arith.constant 1 : i32
      %get3A_1075 = arith.index_cast %get3A_1074 : i32 to index
      %get3A_1076 = arith.index_cast %scan3A_976 : i32 to index
      %get3A_1077 = arith.constant 80 : index
      %get3A_1078 = tpu.vector_load %arg11[%get3A_1075, %get3A_1076, %get3A_1077] {strides = array<i32>} : memref<6x64x128xf32, #tpu.memory_space<vmem>>, vector<1x1x16xf32>,
      %get3A_1079 = vector.shape_cast %get3A_1078 : vector<1x1x16xf32> to vector<16xf32>
      %get3A_1080 = arith.constant 1 : i32
      %get3A_1081 = arith.index_cast %get3A_1080 : i32 to index
      %get3A_1082 = arith.index_cast %scan3A_976 : i32 to index
      %get3A_1083 = arith.constant 80 : index
      %get3A_1084 = tpu.vector_load %arg12[%get3A_1081, %get3A_1082, %get3A_1083] {strides = array<i32>} : memref<6x64x128xf32, #tpu.memory_space<vmem>>, vector<1x1x16xf32>,
      %get3A_1085 = vector.shape_cast %get3A_1084 : vector<1x1x16xf32> to vector<16xf32>
      %sub3A_1086 = arith.subf %get3A_1079, %get3A_1085 : vector<16xf32>
      %swap3A_1087 = arith.constant 1 : i32
      %swap3A_1088 = arith.index_cast %swap3A_1087 : i32 to index
      %swap3A_1089 = arith.index_cast %scan3A_976 : i32 to index
      %swap3A_1090 = arith.constant 80 : index
      %swap3A_1091 = tpu.vector_load %arg12[%swap3A_1088, %swap3A_1089, %swap3A_1090] {strides = array<i32>} : memref<6x64x128xf32, #tpu.memory_space<vmem>>, vector<1x1x16xf32>,
      %swap3A_1092 = vector.shape_cast %swap3A_1091 : vector<1x1x16xf32> to vector<16xf32>
      %swap3A_1093 = vector.shape_cast %sub3A_1086 : vector<16xf32> to vector<1x1x16xf32>
      tpu.vector_store %arg12[%swap3A_1088, %swap3A_1089, %swap3A_1090], %swap3A_1093 {strides = array<i32>} : memref<6x64x128xf32, #tpu.memory_space<vmem>>, vector<1x1x16xf32>,
      %get3A_1094 = arith.constant 1 : i32
      %get3A_1095 = arith.index_cast %get3A_1094 : i32 to index
      %get3A_1096 = arith.index_cast %scan3A_976 : i32 to index
      %get3A_1097 = arith.constant 96 : index
      %get3A_1098 = tpu.vector_load %arg11[%get3A_1095, %get3A_1096, %get3A_1097] {strides = array<i32>} : memref<6x64x128xf32, #tpu.memory_space<vmem>>, vector<1x1x16xf32>,
      %get3A_1099 = vector.shape_cast %get3A_1098 : vector<1x1x16xf32> to vector<16xf32>
      %get3A_1100 = arith.constant 1 : i32
      %get3A_1101 = arith.index_cast %get3A_1100 : i32 to index
      %get3A_1102 = arith.index_cast %scan3A_976 : i32 to index
      %get3A_1103 = arith.constant 96 : index
      %get3A_1104 = tpu.vector_load %arg12[%get3A_1101, %get3A_1102, %get3A_1103] {strides = array<i32>} : memref<6x64x128xf32, #tpu.memory_space<vmem>>, vector<1x1x16xf32>,
      %get3A_1105 = vector.shape_cast %get3A_1104 : vector<1x1x16xf32> to vector<16xf32>
      %sub3A_1106 = arith.subf %get3A_1099, %get3A_1105 : vector<16xf32>
      %swap3A_1107 = arith.constant 1 : i32
      %swap3A_1108 = arith.index_cast %swap3A_1107 : i32 to index
      %swap3A_1109 = arith.index_cast %scan3A_976 : i32 to index
      %swap3A_1110 = arith.constant 96 : index
      %swap3A_1111 = tpu.vector_load %arg12[%swap3A_1108, %swap3A_1109, %swap3A_1110] {strides = array<i32>} : memref<6x64x128xf32, #tpu.memory_space<vmem>>, vector<1x1x16xf32>,
      %swap3A_1112 = vector.shape_cast %swap3A_1111 : vector<1x1x16xf32> to vector<16xf32>
      %swap3A_1113 = vector.shape_cast %sub3A_1106 : vector<16xf32> to vector<1x1x16xf32>
      tpu.vector_store %arg12[%swap3A_1108, %swap3A_1109, %swap3A_1110], %swap3A_1113 {strides = array<i32>} : memref<6x64x128xf32, #tpu.memory_space<vmem>>, vector<1x1x16xf32>,
      %get3A_1114 = arith.constant 1 : i32
      %get3A_1115 = arith.index_cast %get3A_1114 : i32 to index
      %get3A_1116 = arith.index_cast %scan3A_976 : i32 to index
      %get3A_1117 = arith.constant 112 : index
      %get3A_1118 = tpu.vector_load %arg11[%get3A_1115, %get3A_1116, %get3A_1117] {strides = array<i32>} : memref<6x64x128xf32, #tpu.memory_space<vmem>>, vector<1x1x16xf32>,
      %get3A_1119 = vector.shape_cast %get3A_1118 : vector<1x1x16xf32> to vector<16xf32>
      %get3A_1120 = arith.constant 1 : i32
      %get3A_1121 = arith.index_cast %get3A_1120 : i32 to index
      %get3A_1122 = arith.index_cast %scan3A_976 : i32 to index
      %get3A_1123 = arith.constant 112 : index
      %get3A_1124 = tpu.vector_load %arg12[%get3A_1121, %get3A_1122, %get3A_1123] {strides = array<i32>} : memref<6x64x128xf32, #tpu.memory_space<vmem>>, vector<1x1x16xf32>,
      %get3A_1125 = vector.shape_cast %get3A_1124 : vector<1x1x16xf32> to vector<16xf32>
      %sub3A_1126 = arith.subf %get3A_1119, %get3A_1125 : vector<16xf32>
      %swap3A_1127 = arith.constant 1 : i32
      %swap3A_1128 = arith.index_cast %swap3A_1127 : i32 to index
      %swap3A_1129 = arith.index_cast %scan3A_976 : i32 to index
      %swap3A_1130 = arith.constant 112 : index
      %swap3A_1131 = tpu.vector_load %arg12[%swap3A_1128, %swap3A_1129, %swap3A_1130] {strides = array<i32>} : memref<6x64x128xf32, #tpu.memory_space<vmem>>, vector<1x1x16xf32>,
      %swap3A_1132 = vector.shape_cast %swap3A_1131 : vector<1x1x16xf32> to vector<16xf32>
      %swap3A_1133 = vector.shape_cast %sub3A_1126 : vector<16xf32> to vector<1x1x16xf32>
      tpu.vector_store %arg12[%swap3A_1128, %swap3A_1129, %swap3A_1130], %swap3A_1133 {strides = array<i32>} : memref<6x64x128xf32, #tpu.memory_space<vmem>>, vector<1x1x16xf32>,
    }
    %scan3A_861 = arith.constant 64 : i32
    %add3A_862 = arith.constant 448 : i32
    %add3A_863 = arith.addi %mul3A_2, %add3A_862 : i32
    %dma_start3A_864 = arith.constant 1 : i32
    %dma_start3A_865 = arith.constant 1 : i32
    %dma_start3A_866 = arith.constant 0 : i32
    %dma_start3A_867 = arith.constant 0 : i32
    %dma_start3A_868 = tpu.memref_slice %arg12[%dma_start3A_864, %dma_start3A_866, %dma_start3A_867] : memref<6x64x128xf32, #tpu.memory_space<vmem>> -> memref<1x64x128xf32, #tpu.memory_space<vmem>>
    %dma_start3A_869 = tpu.memref_squeeze %dma_start3A_868 : memref<1x64x128xf32, #tpu.memory_space<vmem>> -> memref<64x128xf32, #tpu.memory_space<vmem>>
    %dma_start3A_870 = arith.constant 0 : i32
    %dma_start3A_871 = tpu.memref_slice %arg7[%add3A_863, %dma_start3A_870] : memref<16384x128xf32, #tpu.memory_space<hbm>> -> memref<64x128xf32, #tpu.memory_space<hbm>>
    %dma_start3A_872 = tpu.memref_slice %arg17[%dma_start3A_865] : memref<6x!tpu.dma_semaphore, #tpu.memory_space<semaphore_mem>> -> memref<1x!tpu.dma_semaphore, #tpu.memory_space<semaphore_mem>>
    %dma_start3A_873 = tpu.memref_squeeze %dma_start3A_872 : memref<1x!tpu.dma_semaphore, #tpu.memory_space<semaphore_mem>> -> memref<!tpu.dma_semaphore, #tpu.memory_space<semaphore_mem>>
    %dma_start3A_874 = arith.constant 0 : i32
    %dma_start3A_875 = tpu.memref_slice %arg7[%add3A_863, %dma_start3A_874] : memref<16384x128xf32, #tpu.memory_space<hbm>> -> memref<64x128xf32, #tpu.memory_space<hbm>>
    %dma_start3A_876 = arith.constant 0 : i32
    %dma_start3A_877 = arith.constant 0 : i32
    %dma_start3A_878 = tpu.memref_slice %arg12[%dma_start3A_864, %dma_start3A_876, %dma_start3A_877] : memref<6x64x128xf32, #tpu.memory_space<vmem>> -> memref<1x64x128xf32, #tpu.memory_space<vmem>>
    %dma_start3A_879 = tpu.memref_squeeze %dma_start3A_878 : memref<1x64x128xf32, #tpu.memory_space<vmem>> -> memref<64x128xf32, #tpu.memory_space<vmem>>
    tpu.enqueue_dma source(%dma_start3A_879 : memref<64x128xf32, #tpu.memory_space<vmem>>) target(%dma_start3A_875 : memref<64x128xf32, #tpu.memory_space<hbm>>) target_semaphore(%dma_start3A_873 : memref<!tpu.dma_semaphore, #tpu.memory_space<semaphore_mem>>)
    %dma_wait3A_880 = arith.constant 2 : i32
    %dma_wait3A_881 = arith.constant 2 : i32
    %dma_wait3A_882 = arith.constant 0 : i32
    %dma_wait3A_883 = arith.constant 0 : i32
    %dma_wait3A_884 = tpu.memref_slice %arg12[%dma_wait3A_880, %dma_wait3A_882, %dma_wait3A_883] : memref<6x64x128xf32, #tpu.memory_space<vmem>> -> memref<1x64x128xf32, #tpu.memory_space<vmem>>
    %dma_wait3A_885 = tpu.memref_squeeze %dma_wait3A_884 : memref<1x64x128xf32, #tpu.memory_space<vmem>> -> memref<64x128xf32, #tpu.memory_space<vmem>>
    %dma_wait3A_886 = arith.constant 0 : i32
    %dma_wait3A_887 = tpu.memref_slice %arg7[%add3A_467, %dma_wait3A_886] : memref<16384x128xf32, #tpu.memory_space<hbm>> -> memref<64x128xf32, #tpu.memory_space<hbm>>
    %dma_wait3A_888 = tpu.memref_slice %arg17[%dma_wait3A_881] : memref<6x!tpu.dma_semaphore, #tpu.memory_space<semaphore_mem>> -> memref<1x!tpu.dma_semaphore, #tpu.memory_space<semaphore_mem>>
    %dma_wait3A_889 = tpu.memref_squeeze %dma_wait3A_888 : memref<1x!tpu.dma_semaphore, #tpu.memory_space<semaphore_mem>> -> memref<!tpu.dma_semaphore, #tpu.memory_space<semaphore_mem>>
    %dma_wait3A_890 = arith.constant 0 : i32
    %dma_wait3A_891 = tpu.memref_slice %arg7[%add3A_467, %dma_wait3A_890] : memref<16384x128xf32, #tpu.memory_space<hbm>> -> memref<64x128xf32, #tpu.memory_space<hbm>>
    %dma_wait3A_892 = arith.constant 0 : i32
    %dma_wait3A_893 = arith.constant 0 : i32
    %dma_wait3A_894 = tpu.memref_slice %arg12[%dma_wait3A_880, %dma_wait3A_892, %dma_wait3A_893] : memref<6x64x128xf32, #tpu.memory_space<vmem>> -> memref<1x64x128xf32, #tpu.memory_space<vmem>>
    %dma_wait3A_895 = tpu.memref_squeeze %dma_wait3A_894 : memref<1x64x128xf32, #tpu.memory_space<vmem>> -> memref<64x128xf32, #tpu.memory_space<vmem>>
    tpu.wait_dma2 semaphore(%dma_wait3A_889 : memref<!tpu.dma_semaphore, #tpu.memory_space<semaphore_mem>>) src(%dma_wait3A_895 : memref<64x128xf32, #tpu.memory_space<vmem>>) dst(%dma_wait3A_891 : memref<64x128xf32, #tpu.memory_space<hbm>>)
    %dma_wait3A_896 = arith.constant 3 : i32
    %dma_wait3A_897 = arith.constant 3 : i32
    %dma_wait3A_898 = arith.constant 0 : i32
    %dma_wait3A_899 = arith.constant 0 : i32
    %dma_wait3A_900 = tpu.memref_slice %arg12[%dma_wait3A_896, %dma_wait3A_898, %dma_wait3A_899] : memref<6x64x128xf32, #tpu.memory_space<vmem>> -> memref<1x64x128xf32, #tpu.memory_space<vmem>>
    %dma_wait3A_901 = tpu.memref_squeeze %dma_wait3A_900 : memref<1x64x128xf32, #tpu.memory_space<vmem>> -> memref<64x128xf32, #tpu.memory_space<vmem>>
    %dma_wait3A_902 = arith.constant 0 : i32
    %dma_wait3A_903 = tpu.memref_slice %arg7[%add3A_585, %dma_wait3A_902] : memref<16384x128xf32, #tpu.memory_space<hbm>> -> memref<64x128xf32, #tpu.memory_space<hbm>>
    %dma_wait3A_904 = tpu.memref_slice %arg17[%dma_wait3A_897] : memref<6x!tpu.dma_semaphore, #tpu.memory_space<semaphore_mem>> -> memref<1x!tpu.dma_semaphore, #tpu.memory_space<semaphore_mem>>
    %dma_wait3A_905 = tpu.memref_squeeze %dma_wait3A_904 : memref<1x!tpu.dma_semaphore, #tpu.memory_space<semaphore_mem>> -> memref<!tpu.dma_semaphore, #tpu.memory_space<semaphore_mem>>
    %dma_wait3A_906 = arith.constant 0 : i32
    %dma_wait3A_907 = tpu.memref_slice %arg7[%add3A_585, %dma_wait3A_906] : memref<16384x128xf32, #tpu.memory_space<hbm>> -> memref<64x128xf32, #tpu.memory_space<hbm>>
    %dma_wait3A_908 = arith.constant 0 : i32
    %dma_wait3A_909 = arith.constant 0 : i32
    %dma_wait3A_910 = tpu.memref_slice %arg12[%dma_wait3A_896, %dma_wait3A_908, %dma_wait3A_909] : memref<6x64x128xf32, #tpu.memory_space<vmem>> -> memref<1x64x128xf32, #tpu.memory_space<vmem>>
    %dma_wait3A_911 = tpu.memref_squeeze %dma_wait3A_910 : memref<1x64x128xf32, #tpu.memory_space<vmem>> -> memref<64x128xf32, #tpu.memory_space<vmem>>
    tpu.wait_dma2 semaphore(%dma_wait3A_905 : memref<!tpu.dma_semaphore, #tpu.memory_space<semaphore_mem>>) src(%dma_wait3A_911 : memref<64x128xf32, #tpu.memory_space<vmem>>) dst(%dma_wait3A_907 : memref<64x128xf32, #tpu.memory_space<hbm>>)
    %dma_wait3A_912 = arith.constant 4 : i32
    %dma_wait3A_913 = arith.constant 4 : i32
    %dma_wait3A_914 = arith.constant 0 : i32
    %dma_wait3A_915 = arith.constant 0 : i32
    %dma_wait3A_916 = tpu.memref_slice %arg12[%dma_wait3A_912, %dma_wait3A_914, %dma_wait3A_915] : memref<6x64x128xf32, #tpu.memory_space<vmem>> -> memref<1x64x128xf32, #tpu.memory_space<vmem>>
    %dma_wait3A_917 = tpu.memref_squeeze %dma_wait3A_916 : memref<1x64x128xf32, #tpu.memory_space<vmem>> -> memref<64x128xf32, #tpu.memory_space<vmem>>
    %dma_wait3A_918 = arith.constant 0 : i32
    %dma_wait3A_919 = tpu.memref_slice %arg7[%add3A_661, %dma_wait3A_918] : memref<16384x128xf32, #tpu.memory_space<hbm>> -> memref<64x128xf32, #tpu.memory_space<hbm>>
    %dma_wait3A_920 = tpu.memref_slice %arg17[%dma_wait3A_913] : memref<6x!tpu.dma_semaphore, #tpu.memory_space<semaphore_mem>> -> memref<1x!tpu.dma_semaphore, #tpu.memory_space<semaphore_mem>>
    %dma_wait3A_921 = tpu.memref_squeeze %dma_wait3A_920 : memref<1x!tpu.dma_semaphore, #tpu.memory_space<semaphore_mem>> -> memref<!tpu.dma_semaphore, #tpu.memory_space<semaphore_mem>>
    %dma_wait3A_922 = arith.constant 0 : i32
    %dma_wait3A_923 = tpu.memref_slice %arg7[%add3A_661, %dma_wait3A_922] : memref<16384x128xf32, #tpu.memory_space<hbm>> -> memref<64x128xf32, #tpu.memory_space<hbm>>
    %dma_wait3A_924 = arith.constant 0 : i32
    %dma_wait3A_925 = arith.constant 0 : i32
    %dma_wait3A_926 = tpu.memref_slice %arg12[%dma_wait3A_912, %dma_wait3A_924, %dma_wait3A_925] : memref<6x64x128xf32, #tpu.memory_space<vmem>> -> memref<1x64x128xf32, #tpu.memory_space<vmem>>
    %dma_wait3A_927 = tpu.memref_squeeze %dma_wait3A_926 : memref<1x64x128xf32, #tpu.memory_space<vmem>> -> memref<64x128xf32, #tpu.memory_space<vmem>>
    tpu.wait_dma2 semaphore(%dma_wait3A_921 : memref<!tpu.dma_semaphore, #tpu.memory_space<semaphore_mem>>) src(%dma_wait3A_927 : memref<64x128xf32, #tpu.memory_space<vmem>>) dst(%dma_wait3A_923 : memref<64x128xf32, #tpu.memory_space<hbm>>)
    %dma_wait3A_928 = arith.constant 5 : i32
    %dma_wait3A_929 = arith.constant 5 : i32
    %dma_wait3A_930 = arith.constant 0 : i32
    %dma_wait3A_931 = arith.constant 0 : i32
    %dma_wait3A_932 = tpu.memref_slice %arg12[%dma_wait3A_928, %dma_wait3A_930, %dma_wait3A_931] : memref<6x64x128xf32, #tpu.memory_space<vmem>> -> memref<1x64x128xf32, #tpu.memory_space<vmem>>
    %dma_wait3A_933 = tpu.memref_squeeze %dma_wait3A_932 : memref<1x64x128xf32, #tpu.memory_space<vmem>> -> memref<64x128xf32, #tpu.memory_space<vmem>>
    %dma_wait3A_934 = arith.constant 0 : i32
    %dma_wait3A_935 = tpu.memref_slice %arg7[%add3A_737, %dma_wait3A_934] : memref<16384x128xf32, #tpu.memory_space<hbm>> -> memref<64x128xf32, #tpu.memory_space<hbm>>
    %dma_wait3A_936 = tpu.memref_slice %arg17[%dma_wait3A_929] : memref<6x!tpu.dma_semaphore, #tpu.memory_space<semaphore_mem>> -> memref<1x!tpu.dma_semaphore, #tpu.memory_space<semaphore_mem>>
    %dma_wait3A_937 = tpu.memref_squeeze %dma_wait3A_936 : memref<1x!tpu.dma_semaphore, #tpu.memory_space<semaphore_mem>> -> memref<!tpu.dma_semaphore, #tpu.memory_space<semaphore_mem>>
    %dma_wait3A_938 = arith.constant 0 : i32
    %dma_wait3A_939 = tpu.memref_slice %arg7[%add3A_737, %dma_wait3A_938] : memref<16384x128xf32, #tpu.memory_space<hbm>> -> memref<64x128xf32, #tpu.memory_space<hbm>>
    %dma_wait3A_940 = arith.constant 0 : i32
    %dma_wait3A_941 = arith.constant 0 : i32
    %dma_wait3A_942 = tpu.memref_slice %arg12[%dma_wait3A_928, %dma_wait3A_940, %dma_wait3A_941] : memref<6x64x128xf32, #tpu.memory_space<vmem>> -> memref<1x64x128xf32, #tpu.memory_space<vmem>>
    %dma_wait3A_943 = tpu.memref_squeeze %dma_wait3A_942 : memref<1x64x128xf32, #tpu.memory_space<vmem>> -> memref<64x128xf32, #tpu.memory_space<vmem>>
    tpu.wait_dma2 semaphore(%dma_wait3A_937 : memref<!tpu.dma_semaphore, #tpu.memory_space<semaphore_mem>>) src(%dma_wait3A_943 : memref<64x128xf32, #tpu.memory_space<vmem>>) dst(%dma_wait3A_939 : memref<64x128xf32, #tpu.memory_space<hbm>>)
    %dma_wait3A_944 = arith.constant 0 : i32
    %dma_wait3A_945 = arith.constant 0 : i32
    %dma_wait3A_946 = arith.constant 0 : i32
    %dma_wait3A_947 = arith.constant 0 : i32
    %dma_wait3A_948 = tpu.memref_slice %arg12[%dma_wait3A_944, %dma_wait3A_946, %dma_wait3A_947] : memref<6x64x128xf32, #tpu.memory_space<vmem>> -> memref<1x64x128xf32, #tpu.memory_space<vmem>>
    %dma_wait3A_949 = tpu.memref_squeeze %dma_wait3A_948 : memref<1x64x128xf32, #tpu.memory_space<vmem>> -> memref<64x128xf32, #tpu.memory_space<vmem>>
    %dma_wait3A_950 = arith.constant 0 : i32
    %dma_wait3A_951 = tpu.memref_slice %arg7[%add3A_813, %dma_wait3A_950] : memref<16384x128xf32, #tpu.memory_space<hbm>> -> memref<64x128xf32, #tpu.memory_space<hbm>>
    %dma_wait3A_952 = tpu.memref_slice %arg17[%dma_wait3A_945] : memref<6x!tpu.dma_semaphore, #tpu.memory_space<semaphore_mem>> -> memref<1x!tpu.dma_semaphore, #tpu.memory_space<semaphore_mem>>
    %dma_wait3A_953 = tpu.memref_squeeze %dma_wait3A_952 : memref<1x!tpu.dma_semaphore, #tpu.memory_space<semaphore_mem>> -> memref<!tpu.dma_semaphore, #tpu.memory_space<semaphore_mem>>
    %dma_wait3A_954 = arith.constant 0 : i32
    %dma_wait3A_955 = tpu.memref_slice %arg7[%add3A_813, %dma_wait3A_954] : memref<16384x128xf32, #tpu.memory_space<hbm>> -> memref<64x128xf32, #tpu.memory_space<hbm>>
    %dma_wait3A_956 = arith.constant 0 : i32
    %dma_wait3A_957 = arith.constant 0 : i32
    %dma_wait3A_958 = tpu.memref_slice %arg12[%dma_wait3A_944, %dma_wait3A_956, %dma_wait3A_957] : memref<6x64x128xf32, #tpu.memory_space<vmem>> -> memref<1x64x128xf32, #tpu.memory_space<vmem>>
    %dma_wait3A_959 = tpu.memref_squeeze %dma_wait3A_958 : memref<1x64x128xf32, #tpu.memory_space<vmem>> -> memref<64x128xf32, #tpu.memory_space<vmem>>
    tpu.wait_dma2 semaphore(%dma_wait3A_953 : memref<!tpu.dma_semaphore, #tpu.memory_space<semaphore_mem>>) src(%dma_wait3A_959 : memref<64x128xf32, #tpu.memory_space<vmem>>) dst(%dma_wait3A_955 : memref<64x128xf32, #tpu.memory_space<hbm>>)
    %dma_wait3A_960 = arith.constant 1 : i32
    %dma_wait3A_961 = arith.constant 1 : i32
    %dma_wait3A_962 = arith.constant 0 : i32
    %dma_wait3A_963 = arith.constant 0 : i32
    %dma_wait3A_964 = tpu.memref_slice %arg12[%dma_wait3A_960, %dma_wait3A_962, %dma_wait3A_963] : memref<6x64x128xf32, #tpu.memory_space<vmem>> -> memref<1x64x128xf32, #tpu.memory_space<vmem>>
    %dma_wait3A_965 = tpu.memref_squeeze %dma_wait3A_964 : memref<1x64x128xf32, #tpu.memory_space<vmem>> -> memref<64x128xf32, #tpu.memory_space<vmem>>
    %dma_wait3A_966 = arith.constant 0 : i32
    %dma_wait3A_967 = tpu.memref_slice %arg7[%add3A_863, %dma_wait3A_966] : memref<16384x128xf32, #tpu.memory_space<hbm>> -> memref<64x128xf32, #tpu.memory_space<hbm>>
    %dma_wait3A_968 = tpu.memref_slice %arg17[%dma_wait3A_961] : memref<6x!tpu.dma_semaphore, #tpu.memory_space<semaphore_mem>> -> memref<1x!tpu.dma_semaphore, #tpu.memory_space<semaphore_mem>>
    %dma_wait3A_969 = tpu.memref_squeeze %dma_wait3A_968 : memref<1x!tpu.dma_semaphore, #tpu.memory_space<semaphore_mem>> -> memref<!tpu.dma_semaphore, #tpu.memory_space<semaphore_mem>>
    %dma_wait3A_970 = arith.constant 0 : i32
    %dma_wait3A_971 = tpu.memref_slice %arg7[%add3A_863, %dma_wait3A_970] : memref<16384x128xf32, #tpu.memory_space<hbm>> -> memref<64x128xf32, #tpu.memory_space<hbm>>
    %dma_wait3A_972 = arith.constant 0 : i32
    %dma_wait3A_973 = arith.constant 0 : i32
    %dma_wait3A_974 = tpu.memref_slice %arg12[%dma_wait3A_960, %dma_wait3A_972, %dma_wait3A_973] : memref<6x64x128xf32, #tpu.memory_space<vmem>> -> memref<1x64x128xf32, #tpu.memory_space<vmem>>
    %dma_wait3A_975 = tpu.memref_squeeze %dma_wait3A_974 : memref<1x64x128xf32, #tpu.memory_space<vmem>> -> memref<64x128xf32, #tpu.memory_space<vmem>>
    tpu.wait_dma2 semaphore(%dma_wait3A_969 : memref<!tpu.dma_semaphore, #tpu.memory_space<semaphore_mem>>) src(%dma_wait3A_975 : memref<64x128xf32, #tpu.memory_space<vmem>>) dst(%dma_wait3A_971 : memref<64x128xf32, #tpu.memory_space<hbm>>)
    return
  }
}

</mosaic_0001>

<sc_bundles>
// kernel: kernel.3.cloned.1.call-start
scs
__scs_entry_jumppad:
0x0: {  	(pc) =	sbr.rel $0x88, $3  }
0x1: {  	(tag) =	ssettag $0x0;
	lr =	simm.s32 $0x1  }
0x2: {  	[smem:$0x3F9C] =	sst lr;
	_ =	strace $0xD0000000  }
0x3: {  	_ = 	snop  }
0x4: {  	_ = 	snop  }
0x5: {  	_ = 	snop  }
0x6: {  	_ = 	snop  }
0x7: {  	_ = 	snop  }
__scs_overlays_trampoline_lowered:
0x8: {  	[smem:$0x3FAB] =	sst s0  }
0x9: {  	[smem:$0x3FAC] =	sst s1  }
0xa: {  	[smem:$0x3FAD] =	sst s2  }
0xb: {  	[smem:$0x3FAE] =	sst s3  }
0xc: {  	[smem:$0x3FAF] =	sst s4  }
0xd: {  	[smem:$0x3FB0] =	sst s5  }
0xe: {  	[smem:$0x3FB1] =	sst s6  }
0xf: {  	[smem:$0x3FB2] =	sst s7  }
0x10: {  	[smem:$0x3FB3] =	sst s8  }
0x11: {  	[smem:$0x3FB4] =	sst s9;
	s0 =	simm.s32 @!p0 $0x0  }
0x12: {  	s1 =	sld [smem:$0x3F9A];
	s0 =	simm.s32 @p0 $0x1  }
0x13: {  	[smem:$0x3FB5] =	sst s0;
	s0 =	simm.s32 @!p1 $0x0  }
0x14: {  	s2 =	sld [smem:$0x3F99];
	s0 =	simm.s32 @p1 $0x1  }
0x15: {  	[smem:$0x3FB6] =	sst s0;
	s0 =	simm.s32 @!p2 $0x0  }
0x16: {  	s3 =	sld [smem:$0x3FDB];
	s0 =	simm.s32 @p2 $0x1  }
0x17: {  	s4 =	simm.s32 $0x1BF5;
	[smem:$0x3FB8] =	sst s0  }
0x18: {  	s0 =	sld [smem:$0x3F9B];
	_ =	swait.ge [sflag:s4], $0x0  }
0x19: {  	s7 =	sld [smem:$0x3F9C]  }
0x1a: {  	s8 =	sadd.s32 $0xFFFFE003, lr  }
0x1b: {  	s9 =	sadd.s32 $0xFFFFFEF7, lr;
	s5 =	simm.s32 $0xFFFFFFFF;
	p2 =	slt.u32 s8, $0xFFFFF086  }
0x1c: {  	p1 =	slt.u32 s9, $0xF7A;
	s5 =	simm.s32 @!p2 $0x0  }
0x1d: {  	s5 =	simm.s32 @p1 $0x1;
	p0 =	seq.s32 s7, s2  }
0x1e: {  	s7 =	smul.u32 @!p0 $0xF7A, s2;
	p2 =	seq.s32 @!p0 s5, $0x0  }
0x1f: {  	s9 =	smul.u32 $0xF7A, s1;
	s8 =	simm.s32 @!p0 $0x1BF5;
	p2 =	por !p2, p0  }
0x20: {  	[sflag:s8] =	ssyncset.s32 @!p0 $0xFFFFF086;
	s6 =	sadd.s32 @!p0 s3, s7;
	s7 =	simm.s32 @!p0 $0x108  }
0x21: {  	s3 =	sadd.s32 s3, s9;
	s6 =	sadd.s32 @!p0 $0x88, s6;
	s7 =	simm.s32 @p2 $0x1082  }
0x22: {  	[simem:s7], [sflag:s8] =	dma.local @!p0 [hbm:s6], $0xF7A  }
0x23: {  	s9 =	sor.u32 $0xD0000000, s2;
	s6 =	simm.s32 $0x108;
	_ =	swait.ge @!p0 [sflag:s8], $0x0  }
0x24: {  	s3 =	sadd.s32 $0x88, s3;
	s6 =	simm.s32 @!p1 $0x1082;
	[sflag:s4] =	ssyncset.s32 $0xFFFFF086  }
0x25: {  	[simem:s6], [sflag:s4] =	dma.local [hbm:s3], $0xF7A  }
0x26: {  	[smem:$0x3F9C] =	sst s1;
	(tag) =	ssettag s2;
	_ =	strace s9  }
0x27: {  	s1 =	sld [smem:$0x3FAC]  }
0x28: {  	s2 =	sld [smem:$0x3FAD]  }
0x29: {  	s4 =	sld [smem:$0x3FAF]  }
0x2a: {  	p0 =	seq.s32 s5, $0x0;
	s5 =	sld [smem:$0x3FB0]  }
0x2b: {  	s6 =	sld [smem:$0x3FB1]  }
0x2c: {  	s7 =	sld [smem:$0x3FB2]  }
0x2d: {  	s3 =	simm.s32 $0x108;
	s8 =	sld [smem:$0x3FB3]  }
0x2e: {  	s3 =	simm.s32 @!p0 $0x1082;
	s9 =	sld [smem:$0x3FB4]  }
0x2f: {  	lr =	sadd.s32 s0, s3;
	s0 =	sld [smem:$0x3FAB]  }
0x30: {  	s3 =	sld [smem:$0x3FAE]  }
0x31: {  	[smem:$0x3FB7] =	sst s10  }
0x32: {  	s10 =	sld [smem:$0x3FB5];
	_ =	sdelay $0x3  }
0x33: {  	p0 =	seq.s32 s10, $0x1;
	s10 =	sld [smem:$0x3FB7];
	_ =	sdelay $0x3  }
0x34: {  	[smem:$0x3FB7] =	sst s10  }
0x35: {  	s10 =	sld [smem:$0x3FB6];
	_ =	sdelay $0x3  }
0x36: {  	p1 =	seq.s32 s10, $0x1;
	s10 =	sld [smem:$0x3FB7];
	_ =	sdelay $0x3  }
0x37: {  	[smem:$0x3FB7] =	sst s10  }
0x38: {  	s10 =	sld [smem:$0x3FB8]  }
0x39: {  	_ = 	snop;
	(pc) =	sbr.ind lr, $3  }
0x3a: {  	_ = 	snop  }
0x3b: {  	_ = 	snop  }
0x3c: {  	p2 =	seq.s32 s10, $0x1;
	s10 =	sld [smem:$0x3FB7]  }
0x3d: {  	_ =	shalt  }
0x3e: {  	_ =	shalt  }
0x3f: {  	_ =	shalt  }
0x40: {  	_ =	shalt  }
0x41: {  	_ =	shalt  }
0x42: {  	_ =	shalt  }
0x43: {  	_ =	shalt  }
0x44: {  	_ =	shalt  }
0x45: {  	_ =	shalt  }
0x46: {  	_ =	shalt  }
0x47: {  	_ =	shalt  }
0x48: {  	_ =	shalt  }
0x49: {  	_ =	shalt  }
0x4a: {  	_ =	shalt  }
0x4b: {  	_ =	shalt  }
0x4c: {  	_ =	shalt  }
0x4d: {  	_ =	shalt  }
0x4e: {  	_ =	shalt  }
0x4f: {  	_ =	shalt  }
0x50: {  	_ =	shalt  }
0x51: {  	_ =	shalt  }
0x52: {  	_ =	shalt  }
0x53: {  	_ =	shalt  }
0x54: {  	_ =	shalt  }
0x55: {  	_ =	shalt  }
0x56: {  	_ =	shalt  }
0x57: {  	_ =	shalt  }
0x58: {  	_ =	shalt  }
0x59: {  	_ =	shalt  }
0x5a: {  	_ =	shalt  }
0x5b: {  	_ =	shalt  }
0x5c: {  	_ =	shalt  }
0x5d: {  	_ =	shalt  }
0x5e: {  	_ =	shalt  }
0x5f: {  	_ =	shalt  }
0x60: {  	_ =	shalt  }
0x61: {  	_ =	shalt  }
0x62: {  	_ =	shalt  }
0x63: {  	_ =	shalt  }
0x64: {  	_ =	shalt  }
0x65: {  	_ =	shalt  }
0x66: {  	_ =	shalt  }
0x67: {  	_ =	shalt  }
0x68: {  	_ =	shalt  }
0x69: {  	_ =	shalt  }
0x6a: {  	_ =	shalt  }
0x6b: {  	_ =	shalt  }
0x6c: {  	_ =	shalt  }
0x6d: {  	_ =	shalt  }
0x6e: {  	_ =	shalt  }
0x6f: {  	_ =	shalt  }
0x70: {  	_ =	shalt  }
0x71: {  	_ =	shalt  }
0x72: {  	_ =	shalt  }
0x73: {  	_ =	shalt  }
0x74: {  	_ =	shalt  }
0x75: {  	_ =	shalt  }
0x76: {  	_ =	shalt  }
0x77: {  	_ =	shalt  }
0x78: {  	_ =	shalt  }
0x79: {  	_ =	shalt  }
0x7a: {  	_ =	shalt  }
0x7b: {  	_ =	shalt  }
0x7c: {  	_ =	shalt  }
0x7d: {  	_ =	shalt  }
0x7e: {  	_ =	shalt  }
0x7f: {  	_ =	shalt  }
0x80: {  	_ =	shalt  }
0x81: {  	_ =	shalt  }
0x82: {  	_ =	shalt  }
0x83: {  	_ =	shalt  }
0x84: {  	_ =	shalt  }
0x85: {  	_ =	shalt  }
0x86: {  	_ =	shalt  }
0x87: {  	_ =	shalt  }
.Lfunc_end0:
.L_simem_size_0:
called_computation_lowered:
.L_overlay_start_0:
0x88: {  	s2 =	sld [smem:$0x3FD9]  }
0x89: {  	s3 =	sld [smem:$0x3FFE];
	_ =	sdelay $0x1  }
0x8a: {  	s1 =	srdreg.scid  }
0x8b: {  	s0 =	sand.u32 $0x1, s1  }
0x8c: {  	s18 =	sshll.u32 s0, $0xA;
	s2 =	sadd.s32 s3, s2  }
0x8d: {  	s2 =	sadd.s32 s2, s18  }
0x8e: {  	[smem:$0x3FC3] =	sst s2  }
0x8f: {  	_ = 	snop  }
0x90: {  	s2 =	sld [smem:$0x3FC9]  }
0x91: {  	s19 =	sld [smem:$0x3FC8]  }
0x92: {  	s4 =	sld [smem:$0x3FC7]  }
0x93: {  	s5 =	sld [smem:$0x3FC6]  }
0x94: {  	s6 =	sld [smem:$0x3FC5]  }
0x95: {  	s7 =	sld [smem:$0x3FD0];
	(tm) =	ssettm $0x1  }
0x96: {  	s8 =	sld [smem:$0x3FFB];
	_ =	sdelay $0x3  }
0x97: {  	_ =	strace s8  }
0x98: {  	s8 =	sld [smem:$0x3FFC];
	_ =	sdelay $0x3  }
0x99: {  	_ =	strace s8  }
0x9a: {  	s8 =	sld [smem:$0x3FFD];
	_ =	sdelay $0x3  }
0x9b: {  	_ =	strace s8  }
0x9c: {  	_ =	strace $0x8FFFFFFF  }
0x9d: {  	s20 =	sld [smem:$0x3FDB];
	_ =	sdelay $0x1  }
0x9e: {  	s9 =	simm.s32 $_scs_section_size  }
0x9f: {  	s10 =	simm.s32 $_size__tile_overlayer_lowered;
	s11 =	simm.s32 $_tile_overlayer_lowered  }
0xa0: {  	s23 =	simm.s32 $0x1BFF;
	s22 =	sshll.u32 s11, $0x1;
	s8 =	sadd.s32 s9, s20  }
0xa1: {  	s12 =	simm.s32 $0x0;
	s21 =	sshll.u32 s10, $0x1;
	s10 =	sadd.s32 s22, s8  }
0xa2: {  	[timem:s12], [sflag:s23] =	dma.local [hbm:s10], s21  }
0xa3: {  	_ =	swait.ge [sflag:s23], s21  }
0xa4: {  	s9 =	ssub.s32 $0x0, s21;
	[sflag:s23] =	ssyncset.done $0x0  }
0xa5: {  	[sflag:s23] =	ssyncadd.s32 s9;
	_ =	sdelay $0x1  }
0xa6: {  	s24 =	simm.s32 $0x1B8B  }
0xa7: {  	_ =	swait.ge [sflag:s24], $0x1  }
0xa8: {  	[sflag:s24] =	ssyncset.done $0x0  }
0xa9: {  	s25 =	simm.s32 $0x1B8E;
	[sflag:s24] =	ssyncadd.s32 $0xFFFFFFFF  }
0xaa: {  	s26 =	simm.s32 $execute0_lowered;
	[smem:$0x3FD2] =	sst s25  }
0xab: {  	s9 =	sshll.u32 s26, $0x1;
	_ =	strace $0x80000046;
	[dreg:$0x1] =	wrdreg $0xFFFFFFFF  }
0xac: {  	s28 =	simm.s32 $_size_execute0_lowered;
	s8 =	sadd.s32 s8, s9;
	[dreg:$0x0] =	wrdreg $0x0  }
0xad: {  	s9 =	sshll.u32 s28, $0x1;
	[dreg:$0x2] =	wrdreg s8  }
0xae: {  	[dreg:$0x3] =	wrdreg s9  }
0xaf: {  	[dreg:$0x4] =	wrdreg $0xC0  }
0xb0: {  	_ =	task [dreg:s12], $0x5FFFF  }
0xb1: {  	[dreg:$0x1] =	wrdreg $0xFFFFFFFF  }
0xb2: {  	[dreg:$0x0] =	wrdreg $0x60  }
0xb3: {  	[dreg:$0x2] =	wrdreg s2  }
0xb4: {  	[dreg:$0x3] =	wrdreg s19  }
0xb5: {  	[dreg:$0x4] =	wrdreg s4  }
0xb6: {  	[dreg:$0x5] =	wrdreg s5  }
0xb7: {  	[dreg:$0x6] =	wrdreg s6  }
0xb8: {  	[dreg:$0x7] =	wrdreg s7  }
0xb9: {  	[dreg:$0x8] =	wrdreg $0x186000  }
0xba: {  	[dreg:$0x9] =	wrdreg $0x9  }
0xbb: {  	_ =	task.clear_ibuf [dreg:s12], $0xAFFFF;
	_ =	strace $0x90000046  }
0xbc: {  	s29 =	simm.s32 $0x9;
	_ =	strace $0x80000048  }
0xbd: {  	_ =	swait.ge [sflag:s29], $0x1  }
0xbe: {  	[sflag:s29] =	ssyncadd.s32 $0xFFFFFFFF  }
0xbf: {  	_ =	strace $0x90000048  }
0xc0: {  	_ =	sfence  }
0xc1: {  	s30 =	sld [smem:$0x0];
	_ =	sdelay $0x2  }
0xc2: {  	s31 =	sshll.u32 s1, $0xD;
	s1 =	sshrl.u32 s1, $0x2  }
0xc3: {  	s3 =	sand.u32 $0x4000, s31;
	s1 =	sadd.s32 s1, s30  }
0xc4: {  	s0 =	sor.u32 s3, s0;
	s1 =	sshll.u32 s1, $0x11  }
0xc5: {  	s0 =	sor.u32 s1, s0  }
0xc6: {  	s0 =	sadd.s32 $0x8F2B, s0  }
0xc7: {  	[sflag:s0] =	ssyncadd.remote.s32 $0x1  }
0xc8: {  	_ =	sfence.sel $0xFFFF  }
0xc9: {  	[dreg:$0x0] =	wrdreg $0xFFFFFFFF;
	(pc) =	sbr.abs _section_cstart, $3  }
0xca: {  	[dreg:$0x1] =	wrdreg $0xFFFFFFFF  }
0xcb: {  	_ =	task.clear_ibuf [dreg:s12], $0x2FFFF;
	_ =	strace $0x9FFFFFFF  }
0xcc: {  	(tm) =	ssettm $0x7FFFFFFF  }
0xcd: {  	_ =	shalt  }
tec
execute0_lowered:
.L_overlay_start_1:
0x0: {  	(tag) =	ssettag $0x1  }
0x1: {  	s0 =	rddreg [dreg:$0x0]  }
0x2: {  	s2 =	rddreg [dreg:$0x1]  }
0x3: {  	s5 =	rddreg [dreg:$0x2]  }
0x4: {  	s1 =	rddreg [dreg:$0x3]  }
0x5: {  	s6 =	rddreg [dreg:$0x5]  }
0x6: {  	s3 =	rddreg [dreg:$0x6];
	s7 =	srdreg.scid  }
0x7: {  	s4 =	simm.s32 $0x0;
	s8 =	stileid.u32;
	s28 =	simm.s32 $0xE600  }
0x8: {  	s29 =	simm.s32 $0x1;
	s12 =	simm.s32 $0x8;
	s13 =	simm.s32 $0xE  }
0x9: {  	s14 =	simm.s32 $0x13;
	s17 =	simm.s32 $0x6;
	s7 =	sand.u32 $0x1, s7  }
0xa: {  	s18 =	simm.s32 $0xB;
	s10 =	sshll.u32 s8, $0x9;
	s9 =	sshll.u32 s7, $0xD  }
0xb: {  	s15 =	simm.s32 $0x0;
	[smem:$0x7FF] =	sst s4;
	s9 =	sor.u32 s10, s9  }
0xc: {  	p0 =	sne.s32 s8, $0x0;
	s8 =	simm.s32 $0xD;
	s11 =	sshrl.u32 s9, $0x3  }
0xd: {  	_ =	strace $0x80000047;
	s7 =	ssub.s32 $0x2, s7;
	s0 =	sadd.s32 s0, s11  }
0xe: {  	s20 =	sshrl.u32 s7, $0x1;
	s5 =	sadd.s32 s5, s11;
	[dreg:$0x8] =	wrdreg s0  }
0xf: {  	s9 =	sshll.u32 s9, $0x4;
	s2 =	sadd.s32 s2, s11;
	[dreg:$0xa] =	wrdreg s5  }
0x10: {  	s7 =	ssub.s32 s7, s20;
	s21 =	sadd.s32 s6, s9;
	[dreg:$0xb] =	wrdreg s2  }
0x11: {  	s10 =	simm.s32 $0xC;
	s31 =	smax.u32 s7, $0x1;
	[dreg:$0x9] =	wrdreg s21  }
0x12: {  	s20 =	simm.s32 $0x15;
	s22 =	sadd.s32 $0x400, s21;
	[dreg:$0x13] =	wrdreg s31  }
0x13: {  	s7 =	simm.s32 $0x7;
	s23 =	sadd.s32 $0x800, s21;
	[dreg:$0xc] =	wrdreg s22  }
0x14: {  	s9 =	simm.s32 $0x11;
	s24 =	sadd.s32 $0xC00, s21;
	[dreg:$0xd] =	wrdreg s23  }
0x15: {  	s6 =	simm.s32 $0x12;
	s25 =	sadd.s32 $0x1000, s21;
	[dreg:$0xe] =	wrdreg s24  }
0x16: {  	s11 =	simm.s32 $0x18;
	s26 =	sadd.s32 $0x1400, s21;
	[dreg:$0xf] =	wrdreg s25  }
0x17: {  	s30 =	sadd.s32 $0x1800, s21;
	s0 =	sadd.s32 $0x1C00, s21;
	[dreg:$0x10] =	wrdreg s26  }
0x18: {  	s5 =	simm.s32 $0x2;
	s21 =	simm.s32 $0x16;
	[dreg:$0x11] =	wrdreg s30  }
0x19: {  	s2 =	simm.s32 $0x17;
	[dreg:$0x12] =	wrdreg s0;
	s0 =	sshrl.u32 @!p0 s3, $0x3  }
0x1a: {  	s22 =	simm.s32 $0x40;
	s23 =	simm.s32 $0x600;
	s24 =	simm.s32 $0xC600  }
0x1b: {  	s25 =	simm.s32 $0x2600;
	[dreg:$0x14] =	wrdreg s0;
	s0 =	simm.s32 $0x14  }
.LBB2_1:
0x1c: {  	s16 =	rddreg [dreg:$0x8]  }
0x1d: {  	s19 =	rddreg [dreg:$0xa]  }
0x1e: {  	[tilespmem:s4], [sflag:$0x19] =	stream.linear.gather [hbm4b:s16+s4], $0x200, $0x38;
	[tilespmem:$0x1A540] =	vst v63  }
0x1f: {  	s30 =	simm.s32 $0x400;
	s26 =	rddreg [dreg:$0xb]  }
0x20: {  	[tilespmem:s30], [sflag:$0x1A] =	stream.linear.gather [hbm4b:s19+s4], $0x200, $0x38;
	[tilespmem:$0x1A540] =	vst v63  }
0x21: {  	s31 =	rddreg [dreg:$0x14];
	s19 =	simm.s32 $0x200  }
0x22: {  	[tilespmem:s19], [sflag:$0x1B] =	stream.linear.gather [hbm4b:s26+s4], $0x200, $0x38;
	[tilespmem:$0x1A540] =	vst v63  }
0x23: {  	s16 =	simm.s32 @!p0 $0x1C1C;
	s26 =	rddreg [dreg:$0x4]  }
0x24: {  	[spmem:s31], [sflag:s16] =	dma.local @!p0 [hbm:s26], $0x3E80  }
0x25: {  	s16 =	simm.s32 @!p0 $0x1C  }
0x26: {  	_ =	swait.ge @!p0 [sflag:s16], $0x3E80  }
0x27: {  	[sflag:s16] =	ssyncset.done @!p0 $0x0  }
0x28: {  	s26 =	simm.s32 $0x19;
	[sflag:s16] =	ssyncadd.s32 @!p0 $0xFFFFC180  }
0x29: {  	_ =	swait.ge [sflag:s26], $0x200  }
0x2a: {  	[sflag:s26] =	ssyncset.done $0x0  }
0x2b: {  	[sflag:s26] =	ssyncadd.s32 $0xFFFFFE00;
	s26 =	simm.s32 $0x1A  }
0x2c: {  	_ =	swait.ge [sflag:s26], $0x200  }
0x2d: {  	[sflag:s26] =	ssyncset.done $0x0  }
0x2e: {  	[sflag:s26] =	ssyncadd.s32 $0xFFFFFE00  }
0x2f: {  	[tilespmem:s23], [sflag:$0x1] =	stream.indirect.gather [hbm4b:s1+s22], $0x80, s4, s22, $0xb8;
	[tilespmem:$0x1A540] =	vst v63  }
0x30: {  	_ = 	snop  }
0x31: {  	[tilespmem:s24], [sflag:$0xD] =	stream.indirect.gather [hbm4b:s1+s22], $0x80, s30, s22, $0xb8;
	[tilespmem:$0x1A540] =	vst v63  }
0x32: {  	_ = 	snop  }
0x33: {  	[tilespmem:s25], [sflag:$0x2] =	stream.indirect.gather [hbm4b:s1+s22], $0x80, s22, s22, $0xb8;
	[tilespmem:$0x1A540] =	vst v63  }
0x34: {  	s26 =	simm.s32 $0x440  }
0x35: {  	[tilespmem:s28], [sflag:$0xE] =	stream.indirect.gather [hbm4b:s1+s22], $0x80, s26, s22, $0xb8;
	[tilespmem:$0x1A540] =	vst v63  }
0x36: {  	s31 =	simm.s32 $0x4600;
	s26 =	simm.s32 $0x80  }
0x37: {  	[tilespmem:s31], [sflag:$0x3] =	stream.indirect.gather [hbm4b:s1+s22], $0x80, s26, s22, $0xb8;
	[tilespmem:$0x1A540] =	vst v63  }
0x38: {  	s16 =	simm.s32 $0x480;
	s26 =	simm.s32 $0x10600  }
0x39: {  	[tilespmem:s26], [sflag:$0xF] =	stream.indirect.gather [hbm4b:s1+s22], $0x80, s16, s22, $0xb8;
	[tilespmem:$0x1A540] =	vst v63  }
0x3a: {  	s16 =	simm.s32 $0xC0;
	s26 =	simm.s32 $0x6600  }
0x3b: {  	[tilespmem:s26], [sflag:$0x4] =	stream.indirect.gather [hbm4b:s1+s22], $0x80, s16, s22, $0xb8;
	[tilespmem:$0x1A540] =	vst v63  }
0x3c: {  	s16 =	simm.s32 $0x4C0;
	s26 =	simm.s32 $0x12600  }
0x3d: {  	[tilespmem:s26], [sflag:$0x10] =	stream.indirect.gather [hbm4b:s1+s22], $0x80, s16, s22, $0xb8;
	[tilespmem:$0x1A540] =	vst v63  }
0x3e: {  	s26 =	simm.s32 $0x1B  }
0x3f: {  	_ =	swait.ge [sflag:s26], $0x200  }
0x40: {  	[sflag:s26] =	ssyncset.done $0x0  }
0x41: {  	[sflag:s26] =	ssyncadd.s32 $0xFFFFFE00  }
0x42: {  	[bflag:$0x0] =	sbarrier.arrive $0xFFFF  }
0x43: {  	_ =	swait.ge [sflag:s29], $0x2000  }
0x44: {  	[sflag:s29] =	ssyncset.done $0x0  }
0x45: {  	[sflag:s29] =	ssyncadd.s32 $0xFFFFE000  }
0x46: {  	[tilespmem:s23], [sflag:$0x7] =	stream.indirect.gather.add.f32 [spmem:s3], $0x80, s19, s22, $0xb8;
	[tilespmem:$0x1A540] =	vst v63  }
0x47: {  	s26 =	simm.s32 $0x8600;
	s19 =	simm.s32 $0x100  }
0x48: {  	[tilespmem:s26], [sflag:$0x5] =	stream.indirect.gather [hbm4b:s1+s22], $0x80, s19, s22, $0xb8;
	[tilespmem:$0x1A540] =	vst v63  }
0x49: {  	s19 =	simm.s32 $0x500;
	s26 =	simm.s32 $0x14600  }
0x4a: {  	[tilespmem:s26], [sflag:$0x11] =	stream.indirect.gather [hbm4b:s1+s22], $0x80, s19, s22, $0xb8;
	[tilespmem:$0x1A540] =	vst v63  }
0x4b: {  	_ =	swait.ge [sflag:s5], $0x2000  }
0x4c: {  	[sflag:s5] =	ssyncset.done $0x0  }
0x4d: {  	s26 =	simm.s32 $0x240;
	[sflag:s5] =	ssyncadd.s32 $0xFFFFE000  }
0x4e: {  	[tilespmem:s25], [sflag:$0x8] =	stream.indirect.gather.add.f32 [spmem:s3], $0x80, s26, s22, $0xb8;
	[tilespmem:$0x1A540] =	vst v63  }
0x4f: {  	_ =	swait.ge [sflag:s7], $0x2000  }
0x50: {  	[sflag:s7] =	ssyncset.done $0x0  }
0x51: {  	[sflag:s7] =	ssyncadd.s32 $0xFFFFE000  }
0x52: {  	_ =	swait.ge [sflag:s8], $0x2000  }
0x53: {  	[sflag:s8] =	ssyncset.done $0x0  }
0x54: {  	s30 =	simm.s32 $0x0;
	[sflag:s8] =	ssyncadd.s32 $0xFFFFE000  }
0x55: {  	v7 =	vld [tilespmem:s30+$0x600]  }
0x56: {  	v11 =	vld [tilespmem:s30+$0x610]  }
0x57: {  	v5 =	vld [tilespmem:s30+$0x620]  }
0x58: {  	v4 =	vld [tilespmem:s30+$0x630]  }
0x59: {  	v3 =	vld [tilespmem:s30+$0x640]  }
0x5a: {  	v2 =	vld [tilespmem:s30+$0x650]  }
0x5b: {  	v1 =	vld [tilespmem:s30+$0x660]  }
0x5c: {  	v0 =	vld [tilespmem:s30+$0x670]  }
0x5d: {  	v12 =	vld [tilespmem:s30+$0xC600]  }
0x5e: {  	v13 =	vld [tilespmem:s30+$0xC610]  }
0x5f: {  	v10 =	vld [tilespmem:s30+$0xC620]  }
0x60: {  	v9 =	vld [tilespmem:s30+$0xC630]  }
0x61: {  	v8 =	vld [tilespmem:s30+$0xC640]  }
0x62: {  	v6 =	vld [tilespmem:s30+$0xC650];
	v12 =	vsub.f32 v7, v12  }
0x63: {  	s16 =	simm.s32 $0x200;
	v11 =	vsub.f32 v11, v13;
	v7 =	vld [tilespmem:s30+$0xC660]  }
.LBB2_2:
0x64: {  	s26 =	sshra.s32 s16, $0x2;
	p1 =	sne.s32 s16, $0x7E00;
	[tilespmem:s30+$0xC600] =	vst v12;
	v5 =	vsub.f32 v5, v10;
	v10 =	vld [tilespmem:s30+$0xC670]  }
0x65: {  	v12 =	vld [tilespmem:s26+$0x600];
	[tilespmem:s30+$0xC610] =	vst v11;
	v4 =	vsub.f32 v4, v9  }
0x66: {  	v11 =	vld [tilespmem:s26+$0x610];
	[tilespmem:s30+$0xC620] =	vst v5;
	v3 =	vsub.f32 v3, v8  }
0x67: {  	v5 =	vld [tilespmem:s26+$0x620];
	[tilespmem:s30+$0xC630] =	vst v4;
	v2 =	vsub.f32 v2, v6  }
0x68: {  	v4 =	vld [tilespmem:s26+$0x630];
	[tilespmem:s30+$0xC640] =	vst v3;
	v1 =	vsub.f32 v1, v7  }
0x69: {  	v3 =	vld [tilespmem:s26+$0x640];
	[tilespmem:s30+$0xC650] =	vst v2;
	v0 =	vsub.f32 v0, v10  }
0x6a: {  	v2 =	vld [tilespmem:s26+$0x650];
	[tilespmem:s30+$0xC660] =	vst v1  }
0x6b: {  	v1 =	vld [tilespmem:s26+$0x660];
	[tilespmem:s30+$0xC670] =	vst v0;
	s30 =	smov.u32 s26  }
0x6c: {  	v0 =	vld [tilespmem:s30+$0x670]  }
0x6d: {  	v6 =	vld [tilespmem:s30+$0xC600]  }
0x6e: {  	v7 =	vld [tilespmem:s30+$0xC610]  }
.Ltmp0:
0x6f: {  	v10 =	vld [tilespmem:s30+$0xC620];
	(pc) =	sbr.rel @p1 .LBB2_2-.Ltmp0, $4  }
0x70: {  	v9 =	vld [tilespmem:s30+$0xC630]  }
0x71: {  	v8 =	vld [tilespmem:s30+$0xC640]  }
0x72: {  	v12 =	vsub.f32 v12, v6;
	v6 =	vld [tilespmem:s30+$0xC650]  }
0x73: {  	s16 =	sadd.s32 $0x200, s16;
	v11 =	vsub.f32 v11, v7;
	v7 =	vld [tilespmem:s30+$0xC660]  }
0x74: {  	[tilespmem:s30+$0xC600] =	vst v12;
	v5 =	vsub.f32 v5, v10;
	v10 =	vld [tilespmem:s30+$0xC670]  }
0x75: {  	[tilespmem:s30+$0xC610] =	vst v11;
	v4 =	vsub.f32 v4, v9  }
0x76: {  	[tilespmem:s30+$0xC620] =	vst v5;
	v3 =	vsub.f32 v3, v8  }
0x77: {  	[tilespmem:s30+$0xC630] =	vst v4;
	v2 =	vsub.f32 v2, v6  }
0x78: {  	[tilespmem:s30+$0xC640] =	vst v3;
	v1 =	vsub.f32 v1, v7  }
0x79: {  	[tilespmem:s30+$0xC650] =	vst v2;
	v0 =	vsub.f32 v0, v10  }
0x7a: {  	[tilespmem:s30+$0xC660] =	vst v1  }
0x7b: {  	s16 =	simm.s32 $0x0;
	s26 =	rddreg [dreg:$0x9];
	[tilespmem:s30+$0xC670] =	vst v0  }
0x7c: {  	[hbm4b:s26+s16] =	stream.linear.scatter [tilespmem:s24], [sflag:$0x13], $0x2000, $0x38;
	[tilespmem:$0x1A540] =	vst v63  }
0x7d: {  	s19 =	simm.s32 $0xA600;
	s26 =	simm.s32 $0x140  }
0x7e: {  	[tilespmem:s19], [sflag:$0x6] =	stream.indirect.gather [hbm4b:s1+s22], $0x80, s26, s22, $0xb8;
	[tilespmem:$0x1A540] =	vst v63  }
0x7f: {  	s19 =	simm.s32 $0x540;
	s26 =	simm.s32 $0x16600  }
0x80: {  	[tilespmem:s26], [sflag:$0x12] =	stream.indirect.gather [hbm4b:s1+s22], $0x80, s19, s22, $0xb8;
	[tilespmem:$0x1A540] =	vst v63  }
0x81: {  	s19 =	simm.s32 $0x3  }
0x82: {  	_ =	swait.ge [sflag:s19], $0x2000  }
0x83: {  	[sflag:s19] =	ssyncset.done $0x0  }
0x84: {  	s26 =	simm.s32 $0x280;
	[sflag:s19] =	ssyncadd.s32 $0xFFFFE000  }
0x85: {  	[tilespmem:s31], [sflag:$0x9] =	stream.indirect.gather.add.f32 [spmem:s3], $0x80, s26, s22, $0xb8;
	[tilespmem:$0x1A540] =	vst v63  }
0x86: {  	_ =	swait.ge [sflag:s12], $0x2000  }
0x87: {  	[sflag:s12] =	ssyncset.done $0x0  }
0x88: {  	[sflag:s12] =	ssyncadd.s32 $0xFFFFE000  }
0x89: {  	_ =	swait.ge [sflag:s13], $0x2000  }
0x8a: {  	[sflag:s13] =	ssyncset.done $0x0  }
0x8b: {  	s30 =	simm.s32 $0x0;
	[sflag:s13] =	ssyncadd.s32 $0xFFFFE000  }
0x8c: {  	v7 =	vld [tilespmem:s30+$0x2600]  }
0x8d: {  	v11 =	vld [tilespmem:s30+$0x2610]  }
0x8e: {  	v5 =	vld [tilespmem:s30+$0x2620]  }
0x8f: {  	v4 =	vld [tilespmem:s30+$0x2630]  }
0x90: {  	v3 =	vld [tilespmem:s30+$0x2640]  }
0x91: {  	v2 =	vld [tilespmem:s30+$0x2650]  }
0x92: {  	v1 =	vld [tilespmem:s30+$0x2660]  }
0x93: {  	v0 =	vld [tilespmem:s30+$0x2670]  }
0x94: {  	v12 =	vld [tilespmem:s30+$0xE600]  }
0x95: {  	v13 =	vld [tilespmem:s30+$0xE610]  }
0x96: {  	v10 =	vld [tilespmem:s30+$0xE620]  }
0x97: {  	v9 =	vld [tilespmem:s30+$0xE630]  }
0x98: {  	v8 =	vld [tilespmem:s30+$0xE640]  }
0x99: {  	v6 =	vld [tilespmem:s30+$0xE650];
	v12 =	vsub.f32 v7, v12  }
0x9a: {  	s16 =	simm.s32 $0x200;
	v11 =	vsub.f32 v11, v13;
	v7 =	vld [tilespmem:s30+$0xE660]  }
.LBB2_4:
0x9b: {  	s26 =	sshra.s32 s16, $0x2;
	p1 =	sne.s32 s16, $0x7E00;
	[tilespmem:s30+$0xE600] =	vst v12;
	v5 =	vsub.f32 v5, v10;
	v10 =	vld [tilespmem:s30+$0xE670]  }
0x9c: {  	v12 =	vld [tilespmem:s26+$0x2600];
	[tilespmem:s30+$0xE610] =	vst v11;
	v4 =	vsub.f32 v4, v9  }
0x9d: {  	v11 =	vld [tilespmem:s26+$0x2610];
	[tilespmem:s30+$0xE620] =	vst v5;
	v3 =	vsub.f32 v3, v8  }
0x9e: {  	v5 =	vld [tilespmem:s26+$0x2620];
	[tilespmem:s30+$0xE630] =	vst v4;
	v2 =	vsub.f32 v2, v6  }
0x9f: {  	v4 =	vld [tilespmem:s26+$0x2630];
	[tilespmem:s30+$0xE640] =	vst v3;
	v1 =	vsub.f32 v1, v7  }
0xa0: {  	v3 =	vld [tilespmem:s26+$0x2640];
	[tilespmem:s30+$0xE650] =	vst v2;
	v0 =	vsub.f32 v0, v10  }
0xa1: {  	v2 =	vld [tilespmem:s26+$0x2650];
	[tilespmem:s30+$0xE660] =	vst v1  }
0xa2: {  	v1 =	vld [tilespmem:s26+$0x2660];
	[tilespmem:s30+$0xE670] =	vst v0;
	s30 =	smov.u32 s26  }
0xa3: {  	v0 =	vld [tilespmem:s30+$0x2670]  }
0xa4: {  	v6 =	vld [tilespmem:s30+$0xE600]  }
0xa5: {  	v7 =	vld [tilespmem:s30+$0xE610]  }
.Ltmp1:
0xa6: {  	v10 =	vld [tilespmem:s30+$0xE620];
	(pc) =	sbr.rel @p1 .LBB2_4-.Ltmp1, $4  }
0xa7: {  	v9 =	vld [tilespmem:s30+$0xE630]  }
0xa8: {  	v8 =	vld [tilespmem:s30+$0xE640]  }
0xa9: {  	v12 =	vsub.f32 v12, v6;
	v6 =	vld [tilespmem:s30+$0xE650]  }
0xaa: {  	s16 =	sadd.s32 $0x200, s16;
	v11 =	vsub.f32 v11, v7;
	v7 =	vld [tilespmem:s30+$0xE660]  }
0xab: {  	[tilespmem:s30+$0xE600] =	vst v12;
	v5 =	vsub.f32 v5, v10;
	v10 =	vld [tilespmem:s30+$0xE670]  }
0xac: {  	[tilespmem:s30+$0xE610] =	vst v11;
	v4 =	vsub.f32 v4, v9  }
0xad: {  	[tilespmem:s30+$0xE620] =	vst v5;
	v3 =	vsub.f32 v3, v8  }
0xae: {  	[tilespmem:s30+$0xE630] =	vst v4;
	v2 =	vsub.f32 v2, v6  }
0xaf: {  	[tilespmem:s30+$0xE640] =	vst v3;
	v1 =	vsub.f32 v1, v7  }
0xb0: {  	[tilespmem:s30+$0xE650] =	vst v2;
	v0 =	vsub.f32 v0, v10  }
0xb1: {  	[tilespmem:s30+$0xE660] =	vst v1  }
0xb2: {  	s16 =	simm.s32 $0x0;
	s26 =	rddreg [dreg:$0xc];
	[tilespmem:s30+$0xE670] =	vst v0  }
0xb3: {  	[hbm4b:s26+s16] =	stream.linear.scatter [tilespmem:s28], [sflag:$0x14], $0x2000, $0x38;
	[tilespmem:$0x1A540] =	vst v63  }
0xb4: {  	_ =	swait.ge [sflag:s14], $0x2000  }
0xb5: {  	[sflag:s14] =	ssyncset.done $0x0  }
0xb6: {  	s31 =	simm.s32 $0x180;
	[sflag:s14] =	ssyncadd.s32 $0xFFFFE000  }
0xb7: {  	[tilespmem:s23], [sflag:$0x1] =	stream.indirect.gather [hbm4b:s1+s22], $0x80, s31, s22, $0xb8;
	[tilespmem:$0x1A540] =	vst v63  }
0xb8: {  	s19 =	simm.s32 $0x580;
	s26 =	simm.s32 $0x4  }
0xb9: {  	[tilespmem:s24], [sflag:$0xD] =	stream.indirect.gather [hbm4b:s1+s22], $0x80, s19, s22, $0xb8;
	[tilespmem:$0x1A540] =	vst v63  }
0xba: {  	_ =	swait.ge [sflag:s26], $0x2000  }
0xbb: {  	s31 =	simm.s32 $0x6600;
	[sflag:s26] =	ssyncset.done $0x0  }
0xbc: {  	s19 =	simm.s32 $0x2C0;
	[sflag:s26] =	ssyncadd.s32 $0xFFFFE000;
	s26 =	simm.s32 $0x9  }
0xbd: {  	[tilespmem:s31], [sflag:$0xA] =	stream.indirect.gather.add.f32 [spmem:s3], $0x80, s19, s22, $0xb8;
	[tilespmem:$0x1A540] =	vst v63  }
0xbe: {  	_ =	swait.ge [sflag:s26], $0x2000  }
0xbf: {  	[sflag:s26] =	ssyncset.done $0x0  }
0xc0: {  	s31 =	simm.s32 $0xF;
	[sflag:s26] =	ssyncadd.s32 $0xFFFFE000  }
0xc1: {  	_ =	swait.ge [sflag:s31], $0x2000  }
0xc2: {  	[sflag:s31] =	ssyncset.done $0x0  }
0xc3: {  	s30 =	simm.s32 $0x0;
	[sflag:s31] =	ssyncadd.s32 $0xFFFFE000  }
0xc4: {  	v7 =	vld [tilespmem:s30+$0x4600]  }
0xc5: {  	v11 =	vld [tilespmem:s30+$0x4610]  }
0xc6: {  	v5 =	vld [tilespmem:s30+$0x4620]  }
0xc7: {  	v4 =	vld [tilespmem:s30+$0x4630]  }
0xc8: {  	v3 =	vld [tilespmem:s30+$0x4640]  }
0xc9: {  	v2 =	vld [tilespmem:s30+$0x4650]  }
0xca: {  	v1 =	vld [tilespmem:s30+$0x4660]  }
0xcb: {  	v0 =	vld [tilespmem:s30+$0x4670]  }
0xcc: {  	v12 =	vld [tilespmem:s30+$0x10600]  }
0xcd: {  	v13 =	vld [tilespmem:s30+$0x10610]  }
0xce: {  	v10 =	vld [tilespmem:s30+$0x10620]  }
0xcf: {  	v9 =	vld [tilespmem:s30+$0x10630]  }
0xd0: {  	v8 =	vld [tilespmem:s30+$0x10640]  }
0xd1: {  	v6 =	vld [tilespmem:s30+$0x10650];
	v12 =	vsub.f32 v7, v12  }
0xd2: {  	s16 =	simm.s32 $0x200;
	v11 =	vsub.f32 v11, v13;
	v7 =	vld [tilespmem:s30+$0x10660]  }
.LBB2_6:
0xd3: {  	s26 =	sshra.s32 s16, $0x2;
	p1 =	sne.s32 s16, $0x7E00;
	[tilespmem:s30+$0x10600] =	vst v12;
	v5 =	vsub.f32 v5, v10;
	v10 =	vld [tilespmem:s30+$0x10670]  }
0xd4: {  	v12 =	vld [tilespmem:s26+$0x4600];
	[tilespmem:s30+$0x10610] =	vst v11;
	v4 =	vsub.f32 v4, v9  }
0xd5: {  	v11 =	vld [tilespmem:s26+$0x4610];
	[tilespmem:s30+$0x10620] =	vst v5;
	v3 =	vsub.f32 v3, v8  }
0xd6: {  	v5 =	vld [tilespmem:s26+$0x4620];
	[tilespmem:s30+$0x10630] =	vst v4;
	v2 =	vsub.f32 v2, v6  }
0xd7: {  	v4 =	vld [tilespmem:s26+$0x4630];
	[tilespmem:s30+$0x10640] =	vst v3;
	v1 =	vsub.f32 v1, v7  }
0xd8: {  	v3 =	vld [tilespmem:s26+$0x4640];
	[tilespmem:s30+$0x10650] =	vst v2;
	v0 =	vsub.f32 v0, v10  }
0xd9: {  	v2 =	vld [tilespmem:s26+$0x4650];
	[tilespmem:s30+$0x10660] =	vst v1  }
0xda: {  	v1 =	vld [tilespmem:s26+$0x4660];
	[tilespmem:s30+$0x10670] =	vst v0;
	s30 =	smov.u32 s26  }
0xdb: {  	v0 =	vld [tilespmem:s30+$0x4670]  }
0xdc: {  	v6 =	vld [tilespmem:s30+$0x10600]  }
0xdd: {  	v7 =	vld [tilespmem:s30+$0x10610]  }
.Ltmp2:
0xde: {  	v10 =	vld [tilespmem:s30+$0x10620];
	(pc) =	sbr.rel @p1 .LBB2_6-.Ltmp2, $4  }
0xdf: {  	v9 =	vld [tilespmem:s30+$0x10630]  }
0xe0: {  	v8 =	vld [tilespmem:s30+$0x10640]  }
0xe1: {  	v12 =	vsub.f32 v12, v6;
	v6 =	vld [tilespmem:s30+$0x10650]  }
0xe2: {  	s16 =	sadd.s32 $0x200, s16;
	v11 =	vsub.f32 v11, v7;
	v7 =	vld [tilespmem:s30+$0x10660]  }
0xe3: {  	[tilespmem:s30+$0x10600] =	vst v12;
	v5 =	vsub.f32 v5, v10;
	v10 =	vld [tilespmem:s30+$0x10670]  }
0xe4: {  	[tilespmem:s30+$0x10610] =	vst v11;
	v4 =	vsub.f32 v4, v9  }
0xe5: {  	[tilespmem:s30+$0x10620] =	vst v5;
	v3 =	vsub.f32 v3, v8  }
0xe6: {  	[tilespmem:s30+$0x10630] =	vst v4;
	v2 =	vsub.f32 v2, v6  }
0xe7: {  	[tilespmem:s30+$0x10640] =	vst v3;
	v1 =	vsub.f32 v1, v7  }
0xe8: {  	[tilespmem:s30+$0x10650] =	vst v2;
	v0 =	vsub.f32 v0, v10  }
0xe9: {  	[tilespmem:s30+$0x10660] =	vst v1  }
0xea: {  	s16 =	simm.s32 $0x0;
	s26 =	rddreg [dreg:$0xd];
	s19 =	simm.s32 $0x10600;
	[tilespmem:s30+$0x10670] =	vst v0  }
0xeb: {  	[hbm4b:s26+s16] =	stream.linear.scatter [tilespmem:s19], [sflag:$0x15], $0x2000, $0x38;
	[tilespmem:$0x1A540] =	vst v63  }
0xec: {  	_ =	swait.ge [sflag:s0], $0x2000  }
0xed: {  	[sflag:s0] =	ssyncset.done $0x0  }
0xee: {  	s26 =	simm.s32 $0x1C0;
	[sflag:s0] =	ssyncadd.s32 $0xFFFFE000  }
0xef: {  	[tilespmem:s25], [sflag:$0x2] =	stream.indirect.gather [hbm4b:s1+s22], $0x80, s26, s22, $0xb8;
	[tilespmem:$0x1A540] =	vst v63  }
0xf0: {  	s31 =	simm.s32 $0x5C0;
	s19 =	simm.s32 $0x5  }
0xf1: {  	[tilespmem:s28], [sflag:$0xE] =	stream.indirect.gather [hbm4b:s1+s22], $0x80, s31, s22, $0xb8;
	[tilespmem:$0x1A540] =	vst v63  }
0xf2: {  	_ =	swait.ge [sflag:s19], $0x2000  }
0xf3: {  	[sflag:s19] =	ssyncset.done $0x0  }
0xf4: {  	s26 =	simm.s32 $0x8600;
	s31 =	simm.s32 $0x300;
	[sflag:s19] =	ssyncadd.s32 $0xFFFFE000  }
0xf5: {  	[tilespmem:s26], [sflag:$0xB] =	stream.indirect.gather.add.f32 [spmem:s3], $0x80, s31, s22, $0xb8;
	[tilespmem:$0x1A540] =	vst v63  }
0xf6: {  	s26 =	simm.s32 $0xA  }
0xf7: {  	_ =	swait.ge [sflag:s26], $0x2000  }
0xf8: {  	[sflag:s26] =	ssyncset.done $0x0  }
0xf9: {  	s31 =	simm.s32 $0x10;
	[sflag:s26] =	ssyncadd.s32 $0xFFFFE000  }
0xfa: {  	_ =	swait.ge [sflag:s31], $0x2000  }
0xfb: {  	[sflag:s31] =	ssyncset.done $0x0  }
0xfc: {  	s30 =	simm.s32 $0x0;
	[sflag:s31] =	ssyncadd.s32 $0xFFFFE000  }
0xfd: {  	v7 =	vld [tilespmem:s30+$0x6600]  }
0xfe: {  	v11 =	vld [tilespmem:s30+$0x6610]  }
0xff: {  	v5 =	vld [tilespmem:s30+$0x6620]  }
0x100: {  	v4 =	vld [tilespmem:s30+$0x6630]  }
0x101: {  	v3 =	vld [tilespmem:s30+$0x6640]  }
0x102: {  	v2 =	vld [tilespmem:s30+$0x6650]  }
0x103: {  	v1 =	vld [tilespmem:s30+$0x6660]  }
0x104: {  	v0 =	vld [tilespmem:s30+$0x6670]  }
0x105: {  	v12 =	vld [tilespmem:s30+$0x12600]  }
0x106: {  	v13 =	vld [tilespmem:s30+$0x12610]  }
0x107: {  	v10 =	vld [tilespmem:s30+$0x12620]  }
0x108: {  	v9 =	vld [tilespmem:s30+$0x12630]  }
0x109: {  	v8 =	vld [tilespmem:s30+$0x12640]  }
0x10a: {  	v6 =	vld [tilespmem:s30+$0x12650];
	v12 =	vsub.f32 v7, v12  }
0x10b: {  	s16 =	simm.s32 $0x200;
	v11 =	vsub.f32 v11, v13;
	v7 =	vld [tilespmem:s30+$0x12660]  }
.LBB2_8:
0x10c: {  	s26 =	sshra.s32 s16, $0x2;
	p1 =	sne.s32 s16, $0x7E00;
	[tilespmem:s30+$0x12600] =	vst v12;
	v5 =	vsub.f32 v5, v10;
	v10 =	vld [tilespmem:s30+$0x12670]  }
0x10d: {  	v12 =	vld [tilespmem:s26+$0x6600];
	[tilespmem:s30+$0x12610] =	vst v11;
	v4 =	vsub.f32 v4, v9  }
0x10e: {  	v11 =	vld [tilespmem:s26+$0x6610];
	[tilespmem:s30+$0x12620] =	vst v5;
	v3 =	vsub.f32 v3, v8  }
0x10f: {  	v5 =	vld [tilespmem:s26+$0x6620];
	[tilespmem:s30+$0x12630] =	vst v4;
	v2 =	vsub.f32 v2, v6  }
0x110: {  	v4 =	vld [tilespmem:s26+$0x6630];
	[tilespmem:s30+$0x12640] =	vst v3;
	v1 =	vsub.f32 v1, v7  }
0x111: {  	v3 =	vld [tilespmem:s26+$0x6640];
	[tilespmem:s30+$0x12650] =	vst v2;
	v0 =	vsub.f32 v0, v10  }
0x112: {  	v2 =	vld [tilespmem:s26+$0x6650];
	[tilespmem:s30+$0x12660] =	vst v1  }
0x113: {  	v1 =	vld [tilespmem:s26+$0x6660];
	[tilespmem:s30+$0x12670] =	vst v0;
	s30 =	smov.u32 s26  }
0x114: {  	v0 =	vld [tilespmem:s30+$0x6670]  }
0x115: {  	v6 =	vld [tilespmem:s30+$0x12600]  }
0x116: {  	v7 =	vld [tilespmem:s30+$0x12610]  }
.Ltmp3:
0x117: {  	v10 =	vld [tilespmem:s30+$0x12620];
	(pc) =	sbr.rel @p1 .LBB2_8-.Ltmp3, $4  }
0x118: {  	v9 =	vld [tilespmem:s30+$0x12630]  }
0x119: {  	v8 =	vld [tilespmem:s30+$0x12640]  }
0x11a: {  	v12 =	vsub.f32 v12, v6;
	v6 =	vld [tilespmem:s30+$0x12650]  }
0x11b: {  	s16 =	sadd.s32 $0x200, s16;
	v11 =	vsub.f32 v11, v7;
	v7 =	vld [tilespmem:s30+$0x12660]  }
0x11c: {  	[tilespmem:s30+$0x12600] =	vst v12;
	v5 =	vsub.f32 v5, v10;
	v10 =	vld [tilespmem:s30+$0x12670]  }
0x11d: {  	[tilespmem:s30+$0x12610] =	vst v11;
	v4 =	vsub.f32 v4, v9  }
0x11e: {  	[tilespmem:s30+$0x12620] =	vst v5;
	v3 =	vsub.f32 v3, v8  }
0x11f: {  	[tilespmem:s30+$0x12630] =	vst v4;
	v2 =	vsub.f32 v2, v6  }
0x120: {  	[tilespmem:s30+$0x12640] =	vst v3;
	v1 =	vsub.f32 v1, v7  }
0x121: {  	[tilespmem:s30+$0x12650] =	vst v2;
	v0 =	vsub.f32 v0, v10  }
0x122: {  	[tilespmem:s30+$0x12660] =	vst v1  }
0x123: {  	s16 =	simm.s32 $0x0;
	s26 =	rddreg [dreg:$0xe];
	s19 =	simm.s32 $0x12600;
	[tilespmem:s30+$0x12670] =	vst v0  }
0x124: {  	[hbm4b:s26+s16] =	stream.linear.scatter [tilespmem:s19], [sflag:$0x16], $0x2000, $0x38;
	[tilespmem:$0x1A540] =	vst v63  }
0x125: {  	_ =	swait.ge [sflag:s17], $0x2000  }
0x126: {  	[sflag:s17] =	ssyncset.done $0x0  }
0x127: {  	s31 =	simm.s32 $0x340;
	s26 =	simm.s32 $0xA600;
	[sflag:s17] =	ssyncadd.s32 $0xFFFFE000  }
0x128: {  	[tilespmem:s26], [sflag:$0xC] =	stream.indirect.gather.add.f32 [spmem:s3], $0x80, s31, s22, $0xb8;
	[tilespmem:$0x1A540] =	vst v63  }
0x129: {  	_ =	swait.ge [sflag:s18], $0x2000  }
0x12a: {  	[sflag:s18] =	ssyncset.done $0x0  }
0x12b: {  	[sflag:s18] =	ssyncadd.s32 $0xFFFFE000  }
0x12c: {  	_ =	swait.ge [sflag:s9], $0x2000  }
0x12d: {  	[sflag:s9] =	ssyncset.done $0x0  }
0x12e: {  	s30 =	simm.s32 $0x0;
	[sflag:s9] =	ssyncadd.s32 $0xFFFFE000  }
0x12f: {  	v7 =	vld [tilespmem:s30+$0x8600]  }
0x130: {  	v11 =	vld [tilespmem:s30+$0x8610]  }
0x131: {  	v5 =	vld [tilespmem:s30+$0x8620]  }
0x132: {  	v4 =	vld [tilespmem:s30+$0x8630]  }
0x133: {  	v3 =	vld [tilespmem:s30+$0x8640]  }
0x134: {  	v2 =	vld [tilespmem:s30+$0x8650]  }
0x135: {  	v1 =	vld [tilespmem:s30+$0x8660]  }
0x136: {  	v0 =	vld [tilespmem:s30+$0x8670]  }
0x137: {  	v12 =	vld [tilespmem:s30+$0x14600]  }
0x138: {  	v13 =	vld [tilespmem:s30+$0x14610]  }
0x139: {  	v10 =	vld [tilespmem:s30+$0x14620]  }
0x13a: {  	v9 =	vld [tilespmem:s30+$0x14630]  }
0x13b: {  	v8 =	vld [tilespmem:s30+$0x14640]  }
0x13c: {  	v6 =	vld [tilespmem:s30+$0x14650];
	v12 =	vsub.f32 v7, v12  }
0x13d: {  	s16 =	simm.s32 $0x200;
	v11 =	vsub.f32 v11, v13;
	v7 =	vld [tilespmem:s30+$0x14660]  }
.LBB2_10:
0x13e: {  	s26 =	sshra.s32 s16, $0x2;
	p1 =	sne.s32 s16, $0x7E00;
	[tilespmem:s30+$0x14600] =	vst v12;
	v5 =	vsub.f32 v5, v10;
	v10 =	vld [tilespmem:s30+$0x14670]  }
0x13f: {  	v12 =	vld [tilespmem:s26+$0x8600];
	[tilespmem:s30+$0x14610] =	vst v11;
	v4 =	vsub.f32 v4, v9  }
0x140: {  	v11 =	vld [tilespmem:s26+$0x8610];
	[tilespmem:s30+$0x14620] =	vst v5;
	v3 =	vsub.f32 v3, v8  }
0x141: {  	v5 =	vld [tilespmem:s26+$0x8620];
	[tilespmem:s30+$0x14630] =	vst v4;
	v2 =	vsub.f32 v2, v6  }
0x142: {  	v4 =	vld [tilespmem:s26+$0x8630];
	[tilespmem:s30+$0x14640] =	vst v3;
	v1 =	vsub.f32 v1, v7  }
0x143: {  	v3 =	vld [tilespmem:s26+$0x8640];
	[tilespmem:s30+$0x14650] =	vst v2;
	v0 =	vsub.f32 v0, v10  }
0x144: {  	v2 =	vld [tilespmem:s26+$0x8650];
	[tilespmem:s30+$0x14660] =	vst v1  }
0x145: {  	v1 =	vld [tilespmem:s26+$0x8660];
	[tilespmem:s30+$0x14670] =	vst v0;
	s30 =	smov.u32 s26  }
0x146: {  	v0 =	vld [tilespmem:s30+$0x8670]  }
0x147: {  	v6 =	vld [tilespmem:s30+$0x14600]  }
0x148: {  	v7 =	vld [tilespmem:s30+$0x14610]  }
.Ltmp4:
0x149: {  	v10 =	vld [tilespmem:s30+$0x14620];
	(pc) =	sbr.rel @p1 .LBB2_10-.Ltmp4, $4  }
0x14a: {  	v9 =	vld [tilespmem:s30+$0x14630]  }
0x14b: {  	v8 =	vld [tilespmem:s30+$0x14640]  }
0x14c: {  	v12 =	vsub.f32 v12, v6;
	v6 =	vld [tilespmem:s30+$0x14650]  }
0x14d: {  	s16 =	sadd.s32 $0x200, s16;
	v11 =	vsub.f32 v11, v7;
	v7 =	vld [tilespmem:s30+$0x14660]  }
0x14e: {  	[tilespmem:s30+$0x14600] =	vst v12;
	v5 =	vsub.f32 v5, v10;
	v10 =	vld [tilespmem:s30+$0x14670]  }
0x14f: {  	[tilespmem:s30+$0x14610] =	vst v11;
	v4 =	vsub.f32 v4, v9  }
0x150: {  	[tilespmem:s30+$0x14620] =	vst v5;
	v3 =	vsub.f32 v3, v8  }
0x151: {  	[tilespmem:s30+$0x14630] =	vst v4;
	v2 =	vsub.f32 v2, v6  }
0x152: {  	[tilespmem:s30+$0x14640] =	vst v3;
	v1 =	vsub.f32 v1, v7  }
0x153: {  	[tilespmem:s30+$0x14650] =	vst v2;
	v0 =	vsub.f32 v0, v10  }
0x154: {  	[tilespmem:s30+$0x14660] =	vst v1  }
0x155: {  	s16 =	simm.s32 $0x0;
	s26 =	rddreg [dreg:$0xf];
	s19 =	simm.s32 $0x14600;
	[tilespmem:s30+$0x14670] =	vst v0  }
0x156: {  	[hbm4b:s26+s16] =	stream.linear.scatter [tilespmem:s19], [sflag:$0x17], $0x2000, $0x38;
	[tilespmem:$0x1A540] =	vst v63  }
0x157: {  	_ =	swait.ge [sflag:s29], $0x2000  }
0x158: {  	[sflag:s29] =	ssyncset.done $0x0  }
0x159: {  	s31 =	simm.s32 $0x380;
	[sflag:s29] =	ssyncadd.s32 $0xFFFFE000  }
0x15a: {  	[tilespmem:s23], [sflag:$0x7] =	stream.indirect.gather.add.f32 [spmem:s3], $0x80, s31, s22, $0xb8;
	[tilespmem:$0x1A540] =	vst v63  }
0x15b: {  	_ =	swait.ge [sflag:s10], $0x2000  }
0x15c: {  	[sflag:s10] =	ssyncset.done $0x0  }
0x15d: {  	[sflag:s10] =	ssyncadd.s32 $0xFFFFE000  }
0x15e: {  	_ =	swait.ge [sflag:s6], $0x2000  }
0x15f: {  	[sflag:s6] =	ssyncset.done $0x0  }
0x160: {  	s30 =	simm.s32 $0x0;
	[sflag:s6] =	ssyncadd.s32 $0xFFFFE000  }
0x161: {  	v7 =	vld [tilespmem:s30+$0xA600]  }
0x162: {  	v11 =	vld [tilespmem:s30+$0xA610]  }
0x163: {  	v5 =	vld [tilespmem:s30+$0xA620]  }
0x164: {  	v4 =	vld [tilespmem:s30+$0xA630]  }
0x165: {  	v3 =	vld [tilespmem:s30+$0xA640]  }
0x166: {  	v2 =	vld [tilespmem:s30+$0xA650]  }
0x167: {  	v1 =	vld [tilespmem:s30+$0xA660]  }
0x168: {  	v0 =	vld [tilespmem:s30+$0xA670]  }
0x169: {  	v12 =	vld [tilespmem:s30+$0x16600]  }
0x16a: {  	v13 =	vld [tilespmem:s30+$0x16610]  }
0x16b: {  	v10 =	vld [tilespmem:s30+$0x16620]  }
0x16c: {  	v9 =	vld [tilespmem:s30+$0x16630]  }
0x16d: {  	v8 =	vld [tilespmem:s30+$0x16640]  }
0x16e: {  	v6 =	vld [tilespmem:s30+$0x16650];
	v12 =	vsub.f32 v7, v12  }
0x16f: {  	s16 =	simm.s32 $0x200;
	v11 =	vsub.f32 v11, v13;
	v7 =	vld [tilespmem:s30+$0x16660]  }
.LBB2_12:
0x170: {  	s26 =	sshra.s32 s16, $0x2;
	p1 =	sne.s32 s16, $0x7E00;
	[tilespmem:s30+$0x16600] =	vst v12;
	v5 =	vsub.f32 v5, v10;
	v10 =	vld [tilespmem:s30+$0x16670]  }
0x171: {  	v12 =	vld [tilespmem:s26+$0xA600];
	[tilespmem:s30+$0x16610] =	vst v11;
	v4 =	vsub.f32 v4, v9  }
0x172: {  	v11 =	vld [tilespmem:s26+$0xA610];
	[tilespmem:s30+$0x16620] =	vst v5;
	v3 =	vsub.f32 v3, v8  }
0x173: {  	v5 =	vld [tilespmem:s26+$0xA620];
	[tilespmem:s30+$0x16630] =	vst v4;
	v2 =	vsub.f32 v2, v6  }
0x174: {  	v4 =	vld [tilespmem:s26+$0xA630];
	[tilespmem:s30+$0x16640] =	vst v3;
	v1 =	vsub.f32 v1, v7  }
0x175: {  	v3 =	vld [tilespmem:s26+$0xA640];
	[tilespmem:s30+$0x16650] =	vst v2;
	v0 =	vsub.f32 v0, v10  }
0x176: {  	v2 =	vld [tilespmem:s26+$0xA650];
	[tilespmem:s30+$0x16660] =	vst v1  }
0x177: {  	v1 =	vld [tilespmem:s26+$0xA660];
	[tilespmem:s30+$0x16670] =	vst v0;
	s30 =	smov.u32 s26  }
0x178: {  	v0 =	vld [tilespmem:s30+$0xA670]  }
0x179: {  	v6 =	vld [tilespmem:s30+$0x16600]  }
0x17a: {  	v7 =	vld [tilespmem:s30+$0x16610]  }
.Ltmp5:
0x17b: {  	v10 =	vld [tilespmem:s30+$0x16620];
	(pc) =	sbr.rel @p1 .LBB2_12-.Ltmp5, $4  }
0x17c: {  	v9 =	vld [tilespmem:s30+$0x16630]  }
0x17d: {  	v8 =	vld [tilespmem:s30+$0x16640]  }
0x17e: {  	v12 =	vsub.f32 v12, v6;
	v6 =	vld [tilespmem:s30+$0x16650]  }
0x17f: {  	s16 =	sadd.s32 $0x200, s16;
	v11 =	vsub.f32 v11, v7;
	v7 =	vld [tilespmem:s30+$0x16660]  }
0x180: {  	[tilespmem:s30+$0x16600] =	vst v12;
	v5 =	vsub.f32 v5, v10;
	v10 =	vld [tilespmem:s30+$0x16670]  }
0x181: {  	[tilespmem:s30+$0x16610] =	vst v11;
	v4 =	vsub.f32 v4, v9  }
0x182: {  	[tilespmem:s30+$0x16620] =	vst v5;
	v3 =	vsub.f32 v3, v8  }
0x183: {  	[tilespmem:s30+$0x16630] =	vst v4;
	v2 =	vsub.f32 v2, v6  }
0x184: {  	[tilespmem:s30+$0x16640] =	vst v3;
	v1 =	vsub.f32 v1, v7  }
0x185: {  	[tilespmem:s30+$0x16650] =	vst v2;
	v0 =	vsub.f32 v0, v10  }
0x186: {  	[tilespmem:s30+$0x16660] =	vst v1  }
0x187: {  	s16 =	simm.s32 $0x0;
	s26 =	rddreg [dreg:$0x10];
	s19 =	simm.s32 $0x16600;
	[tilespmem:s30+$0x16670] =	vst v0  }
0x188: {  	[hbm4b:s26+s16] =	stream.linear.scatter [tilespmem:s19], [sflag:$0x18], $0x2000, $0x38;
	[tilespmem:$0x1A540] =	vst v63  }
0x189: {  	_ =	swait.ge [sflag:s5], $0x2000  }
0x18a: {  	[sflag:s5] =	ssyncset.done $0x0  }
0x18b: {  	s31 =	simm.s32 $0x3C0;
	[sflag:s5] =	ssyncadd.s32 $0xFFFFE000  }
0x18c: {  	[tilespmem:s25], [sflag:$0x8] =	stream.indirect.gather.add.f32 [spmem:s3], $0x80, s31, s22, $0xb8;
	[tilespmem:$0x1A540] =	vst v63  }
0x18d: {  	_ =	swait.ge [sflag:s7], $0x2000  }
0x18e: {  	[sflag:s7] =	ssyncset.done $0x0  }
0x18f: {  	[sflag:s7] =	ssyncadd.s32 $0xFFFFE000  }
0x190: {  	_ =	swait.ge [sflag:s8], $0x2000  }
0x191: {  	[sflag:s8] =	ssyncset.done $0x0  }
0x192: {  	s30 =	simm.s32 $0x0;
	[sflag:s8] =	ssyncadd.s32 $0xFFFFE000  }
0x193: {  	v7 =	vld [tilespmem:s30+$0x600]  }
0x194: {  	v11 =	vld [tilespmem:s30+$0x610]  }
0x195: {  	v5 =	vld [tilespmem:s30+$0x620]  }
0x196: {  	v4 =	vld [tilespmem:s30+$0x630]  }
0x197: {  	v3 =	vld [tilespmem:s30+$0x640]  }
0x198: {  	v2 =	vld [tilespmem:s30+$0x650]  }
0x199: {  	v1 =	vld [tilespmem:s30+$0x660]  }
0x19a: {  	v0 =	vld [tilespmem:s30+$0x670]  }
0x19b: {  	v12 =	vld [tilespmem:s30+$0xC600]  }
0x19c: {  	v13 =	vld [tilespmem:s30+$0xC610]  }
0x19d: {  	v10 =	vld [tilespmem:s30+$0xC620]  }
0x19e: {  	v9 =	vld [tilespmem:s30+$0xC630]  }
0x19f: {  	v8 =	vld [tilespmem:s30+$0xC640]  }
0x1a0: {  	v6 =	vld [tilespmem:s30+$0xC650];
	v12 =	vsub.f32 v7, v12  }
0x1a1: {  	s16 =	simm.s32 $0x200;
	v11 =	vsub.f32 v11, v13;
	v7 =	vld [tilespmem:s30+$0xC660]  }
.LBB2_14:
0x1a2: {  	s26 =	sshra.s32 s16, $0x2;
	p1 =	sne.s32 s16, $0x7E00;
	[tilespmem:s30+$0xC600] =	vst v12;
	v5 =	vsub.f32 v5, v10;
	v10 =	vld [tilespmem:s30+$0xC670]  }
0x1a3: {  	v12 =	vld [tilespmem:s26+$0x600];
	[tilespmem:s30+$0xC610] =	vst v11;
	v4 =	vsub.f32 v4, v9  }
0x1a4: {  	v11 =	vld [tilespmem:s26+$0x610];
	[tilespmem:s30+$0xC620] =	vst v5;
	v3 =	vsub.f32 v3, v8  }
0x1a5: {  	v5 =	vld [tilespmem:s26+$0x620];
	[tilespmem:s30+$0xC630] =	vst v4;
	v2 =	vsub.f32 v2, v6  }
0x1a6: {  	v4 =	vld [tilespmem:s26+$0x630];
	[tilespmem:s30+$0xC640] =	vst v3;
	v1 =	vsub.f32 v1, v7  }
0x1a7: {  	v3 =	vld [tilespmem:s26+$0x640];
	[tilespmem:s30+$0xC650] =	vst v2;
	v0 =	vsub.f32 v0, v10  }
0x1a8: {  	v2 =	vld [tilespmem:s26+$0x650];
	[tilespmem:s30+$0xC660] =	vst v1  }
0x1a9: {  	v1 =	vld [tilespmem:s26+$0x660];
	[tilespmem:s30+$0xC670] =	vst v0;
	s30 =	smov.u32 s26  }
0x1aa: {  	v0 =	vld [tilespmem:s30+$0x670]  }
0x1ab: {  	v6 =	vld [tilespmem:s30+$0xC600]  }
0x1ac: {  	v7 =	vld [tilespmem:s30+$0xC610]  }
.Ltmp6:
0x1ad: {  	v10 =	vld [tilespmem:s30+$0xC620];
	(pc) =	sbr.rel @p1 .LBB2_14-.Ltmp6, $4  }
0x1ae: {  	v9 =	vld [tilespmem:s30+$0xC630]  }
0x1af: {  	v8 =	vld [tilespmem:s30+$0xC640]  }
0x1b0: {  	v12 =	vsub.f32 v12, v6;
	v6 =	vld [tilespmem:s30+$0xC650]  }
0x1b1: {  	s16 =	sadd.s32 $0x200, s16;
	v11 =	vsub.f32 v11, v7;
	v7 =	vld [tilespmem:s30+$0xC660]  }
0x1b2: {  	[tilespmem:s30+$0xC600] =	vst v12;
	v5 =	vsub.f32 v5, v10;
	v10 =	vld [tilespmem:s30+$0xC670]  }
0x1b3: {  	[tilespmem:s30+$0xC610] =	vst v11;
	v4 =	vsub.f32 v4, v9  }
0x1b4: {  	[tilespmem:s30+$0xC620] =	vst v5;
	v3 =	vsub.f32 v3, v8  }
0x1b5: {  	[tilespmem:s30+$0xC630] =	vst v4;
	v2 =	vsub.f32 v2, v6  }
0x1b6: {  	[tilespmem:s30+$0xC640] =	vst v3;
	v1 =	vsub.f32 v1, v7  }
0x1b7: {  	[tilespmem:s30+$0xC650] =	vst v2;
	v0 =	vsub.f32 v0, v10  }
0x1b8: {  	[tilespmem:s30+$0xC660] =	vst v1  }
0x1b9: {  	s16 =	simm.s32 $0x0;
	s26 =	rddreg [dreg:$0x11];
	[tilespmem:s30+$0xC670] =	vst v0  }
0x1ba: {  	[hbm4b:s26+s16] =	stream.linear.scatter [tilespmem:s24], [sflag:$0x13], $0x2000, $0x38;
	[tilespmem:$0x1A540] =	vst v63  }
0x1bb: {  	_ =	swait.ge [sflag:s12], $0x2000  }
0x1bc: {  	[sflag:s12] =	ssyncset.done $0x0  }
0x1bd: {  	[sflag:s12] =	ssyncadd.s32 $0xFFFFE000  }
0x1be: {  	_ =	swait.ge [sflag:s13], $0x2000  }
0x1bf: {  	[sflag:s13] =	ssyncset.done $0x0  }
0x1c0: {  	s30 =	simm.s32 $0x0;
	[sflag:s13] =	ssyncadd.s32 $0xFFFFE000  }
0x1c1: {  	v7 =	vld [tilespmem:s30+$0x2600]  }
0x1c2: {  	v11 =	vld [tilespmem:s30+$0x2610]  }
0x1c3: {  	v5 =	vld [tilespmem:s30+$0x2620]  }
0x1c4: {  	v4 =	vld [tilespmem:s30+$0x2630]  }
0x1c5: {  	v3 =	vld [tilespmem:s30+$0x2640]  }
0x1c6: {  	v2 =	vld [tilespmem:s30+$0x2650]  }
0x1c7: {  	v1 =	vld [tilespmem:s30+$0x2660]  }
0x1c8: {  	v0 =	vld [tilespmem:s30+$0x2670]  }
0x1c9: {  	v12 =	vld [tilespmem:s30+$0xE600]  }
0x1ca: {  	v13 =	vld [tilespmem:s30+$0xE610]  }
0x1cb: {  	v10 =	vld [tilespmem:s30+$0xE620]  }
0x1cc: {  	v9 =	vld [tilespmem:s30+$0xE630]  }
0x1cd: {  	v8 =	vld [tilespmem:s30+$0xE640]  }
0x1ce: {  	v6 =	vld [tilespmem:s30+$0xE650];
	v12 =	vsub.f32 v7, v12  }
0x1cf: {  	s16 =	simm.s32 $0x200;
	v11 =	vsub.f32 v11, v13;
	v7 =	vld [tilespmem:s30+$0xE660]  }
.LBB2_16:
0x1d0: {  	s26 =	sshra.s32 s16, $0x2;
	p1 =	sne.s32 s16, $0x7E00;
	[tilespmem:s30+$0xE600] =	vst v12;
	v5 =	vsub.f32 v5, v10;
	v10 =	vld [tilespmem:s30+$0xE670]  }
0x1d1: {  	v12 =	vld [tilespmem:s26+$0x2600];
	[tilespmem:s30+$0xE610] =	vst v11;
	v4 =	vsub.f32 v4, v9  }
0x1d2: {  	v11 =	vld [tilespmem:s26+$0x2610];
	[tilespmem:s30+$0xE620] =	vst v5;
	v3 =	vsub.f32 v3, v8  }
0x1d3: {  	v5 =	vld [tilespmem:s26+$0x2620];
	[tilespmem:s30+$0xE630] =	vst v4;
	v2 =	vsub.f32 v2, v6  }
0x1d4: {  	v4 =	vld [tilespmem:s26+$0x2630];
	[tilespmem:s30+$0xE640] =	vst v3;
	v1 =	vsub.f32 v1, v7  }
0x1d5: {  	v3 =	vld [tilespmem:s26+$0x2640];
	[tilespmem:s30+$0xE650] =	vst v2;
	v0 =	vsub.f32 v0, v10  }
0x1d6: {  	v2 =	vld [tilespmem:s26+$0x2650];
	[tilespmem:s30+$0xE660] =	vst v1  }
0x1d7: {  	v1 =	vld [tilespmem:s26+$0x2660];
	[tilespmem:s30+$0xE670] =	vst v0;
	s30 =	smov.u32 s26  }
0x1d8: {  	v0 =	vld [tilespmem:s30+$0x2670]  }
0x1d9: {  	v6 =	vld [tilespmem:s30+$0xE600]  }
0x1da: {  	v7 =	vld [tilespmem:s30+$0xE610]  }
.Ltmp7:
0x1db: {  	v10 =	vld [tilespmem:s30+$0xE620];
	(pc) =	sbr.rel @p1 .LBB2_16-.Ltmp7, $4  }
0x1dc: {  	v9 =	vld [tilespmem:s30+$0xE630]  }
0x1dd: {  	v8 =	vld [tilespmem:s30+$0xE640]  }
0x1de: {  	v12 =	vsub.f32 v12, v6;
	v6 =	vld [tilespmem:s30+$0xE650]  }
0x1df: {  	s16 =	sadd.s32 $0x200, s16;
	v11 =	vsub.f32 v11, v7;
	v7 =	vld [tilespmem:s30+$0xE660]  }
0x1e0: {  	[tilespmem:s30+$0xE600] =	vst v12;
	v5 =	vsub.f32 v5, v10;
	v63 =	vld [tilespmem:s30+$0xE670]  }
0x1e1: {  	[tilespmem:s30+$0xE610] =	vst v11;
	v4 =	vsub.f32 v4, v9  }
0x1e2: {  	[tilespmem:s30+$0xE620] =	vst v5;
	v3 =	vsub.f32 v3, v8  }
0x1e3: {  	[tilespmem:s30+$0xE630] =	vst v4;
	v2 =	vsub.f32 v2, v6  }
0x1e4: {  	[tilespmem:s30+$0xE640] =	vst v3;
	v1 =	vsub.f32 v1, v7  }
0x1e5: {  	[tilespmem:s30+$0xE650] =	vst v2;
	v0 =	vsub.f32 v0, v63  }
0x1e6: {  	[tilespmem:s30+$0xE660] =	vst v1  }
0x1e7: {  	s16 =	rddreg [dreg:$0x12];
	[tilespmem:s30+$0xE670] =	vst v0  }
0x1e8: {  	[hbm4b:s16+s4] =	stream.linear.scatter [tilespmem:s28], [sflag:$0x14], $0x2000, $0x38;
	[tilespmem:$0x1A540] =	vst v63  }
0x1e9: {  	_ =	swait.ge [sflag:s20], $0x2000  }
0x1ea: {  	[sflag:s20] =	ssyncset.done $0x0  }
0x1eb: {  	[sflag:s20] =	ssyncadd.s32 $0xFFFFE000  }
0x1ec: {  	_ =	swait.ge [sflag:s21], $0x2000  }
0x1ed: {  	[sflag:s21] =	ssyncset.done $0x0  }
0x1ee: {  	[sflag:s21] =	ssyncadd.s32 $0xFFFFE000  }
0x1ef: {  	_ =	swait.ge [sflag:s2], $0x2000  }
0x1f0: {  	[sflag:s2] =	ssyncset.done $0x0  }
0x1f1: {  	[sflag:s2] =	ssyncadd.s32 $0xFFFFE000  }
0x1f2: {  	_ =	swait.ge [sflag:s11], $0x2000  }
0x1f3: {  	[sflag:s11] =	ssyncset.done $0x0  }
0x1f4: {  	[sflag:s11] =	ssyncadd.s32 $0xFFFFE000  }
0x1f5: {  	_ =	swait.ge [sflag:s14], $0x2000  }
0x1f6: {  	[sflag:s14] =	ssyncset.done $0x0  }
0x1f7: {  	[sflag:s14] =	ssyncadd.s32 $0xFFFFE000  }
0x1f8: {  	_ =	swait.ge [sflag:s0], $0x2000  }
0x1f9: {  	s15 =	sadd.s32 $0x1, s15;
	s31 =	rddreg [dreg:$0x13]  }
0x1fa: {  	p1 =	sne.s32 s15, s31  }
.Ltmp8:
0x1fb: {  	_ = 	snop;
	(pc) =	sbr.rel @p1 .LBB2_1-.Ltmp8, $3  }
0x1fc: {  	_ =	sdelay $0x1  }
0x1fd: {  	[sflag:s0] =	ssyncset.done $0x0  }
0x1fe: {  	[sflag:s0] =	ssyncadd.s32 $0xFFFFE000  }
0x1ff: {  	_ =	sfence.sel $0x180000  }
0x200: {  	[bflag:$0x0] =	sbarrier.arrive $0xFFFF  }
0x201: {  	_ =	strace $0x90000047  }
0x202: {  	[bflag:$0x2] =	sbarrier.arrive $0xFFFF  }
0x203: {  	s0 =	rddreg [dreg:$0x7]  }
0x204: {  	s0 =	sadd.s32 @!p0 $0x100000, s0  }
0x205: {  	[sflag:s0] =	ssyncadd.tile.s32 @!p0 $0x1;
	_ =	shalt  }
.Lfunc_end2:
_tile_overlayer_lowered:
.L_overlay_start_2:
0x206: {  	(tag) =	ssettag $0x2  }
0x207: {  	s0 =	rddreg [dreg:$0x0];
	s2 =	stileid.u32  }
0x208: {  	s1 =	rddreg [dreg:$0x1];
	p0 =	sne.s32 s2, $0x0  }
0x209: {  	s3 =	rddreg [dreg:$0x2];
	[bflag:$0x3] =	sbarrier.arrive $0xFFFF;
	s2 =	simm.s32 @!p0 $0x1C1C  }
0x20a: {  	[timem:s3], [sflag:s2] =	dma.local @!p0 [hbm:s0], s1  }
0x20b: {  	s0 =	simm.s32 @!p0 $0x1C  }
0x20c: {  	_ =	swait.ge @!p0 [sflag:s0], s1  }
0x20d: {  	s1 =	ssub.s32 @!p0 $0x0, s1;
	[sflag:s0] =	ssyncset.done @!p0 $0x0  }
0x20e: {  	[sflag:s0] =	ssyncadd.s32 @!p0 s1  }
0x20f: {  	[bflag:$0x3] =	sbarrier.arrive $0xFFFF  }
0x210: {  	_ =	shalt  }

</sc_bundles>
